<compile_context>
chip_gen: v7x
topology: tpu7x:2x2x1
jax: 0.10.2.dev20260603
libtpu: 0.0.44.dev20260713+nightly
codegen_flags: <defaults>
</compile_context>

<pallas_src>
import functools

import jax
import jax.numpy as jnp
from jax import lax
from jax.experimental import pallas as pl
from jax.experimental.pallas import tpu as pltpu
from jax.experimental.pallas import tpu_sc as plsc

BASE_HU_C = -2.0
BASE_NORM_C = 0.0

BATCH = 2
J = 4
NSEG = 8
NPLANE = 32
ROWS = 256
COLS = 256
NC = 2
NS = 16
CROWS = 32
CHUNK = CROWS * COLS
PPW = NPLANE // NS
NCHUNK = PPW * (ROWS // CROWS)
LANES = 16


def _sc_map(img, params):
    mesh = plsc.VectorSubcoreMesh(core_axis_name="c", subcore_axis_name="s")

    @functools.partial(
        pl.kernel,
        out_type=jax.ShapeDtypeStruct((BATCH, J, NPLANE, ROWS, COLS),
                                      jnp.float32),
        mesh=mesh,
        scratch_types=[
            pltpu.VMEM((2 * J * NSEG * LANES,), jnp.float32),
            pltpu.VMEM((2, CROWS, COLS), jnp.float32),
            pltpu.VMEM((2, J, CROWS, COLS), jnp.float32),
            pltpu.SemaphoreType.DMA,
            pltpu.SemaphoreType.DMA,
            pltpu.SemaphoreType.DMA,
            pltpu.SemaphoreType.DMA,
        ],
        compiler_params=pltpu.CompilerParams(use_tc_tiling_on_sc=True),
    )
    def body(img_hbm, par_hbm, out_hbm, par_v, inb, outb,
             sem_i0, sem_i1, sem_o0, sem_o1):
        c = lax.axis_index("c")
        s = lax.axis_index("s")
        sem_i = (sem_i0, sem_i1)
        sem_o = (sem_o0, sem_o1)

        pltpu.sync_copy(par_hbm, par_v)

        def splat(table, j, i):
            base = ((table * J + j) * NSEG + i) * LANES
            return par_v[pl.ds(base, LANES)]

        kv, bv, lov, hiv, topv = [], [], [], [], []
        for j in range(J):
            h = [jnp.abs(splat(0, j, i)) for i in range(NSEG)]
            n = [jnp.abs(splat(1, j, i)) for i in range(NSEG)]
            htot = h[0]
            ntot = n[0]
            for i in range(1, NSEG):
                htot = htot + h[i]
                ntot = ntot + n[i]
            k = n[1] / h[1]
            kv.append(k)
            bv.append(n[0] - k * h[0])
            lov.append(BASE_HU_C + h[0])
            hiv.append(BASE_HU_C + htot)
            topv.append(ntot + BASE_NORM_C)
        zero = jnp.zeros((LANES,), jnp.float32)

        def in_copy(ch, rb):
            p = PPW * s + ch // (ROWS // CROWS)
            r0 = (ch % (ROWS // CROWS)) * CROWS
            return pltpu.make_async_copy(
                img_hbm.at[c, 0, p, pl.ds(r0, CROWS), :],
                inb.at[rb], sem_i[rb])

        def out_copy(ch, rb, j):
            p = PPW * s + ch // (ROWS // CROWS)
            r0 = (ch % (ROWS // CROWS)) * CROWS
            return pltpu.make_async_copy(
                outb.at[rb, j],
                out_hbm.at[c, j, p, pl.ds(r0, CROWS), :], sem_o[rb])

        in_copy(0, 0).start()
        in_copy(1, 1).start()

        def outer(g, carry):
            for rb in range(2):
                ch = g + rb
                in_copy(ch, rb).wait()

                @pl.when(ch >= 2)
                def _drain():
                    for j in range(J):
                        out_copy(ch - 2, rb, j).wait()

                @plsc.parallel_loop(0, CHUNK // LANES, unroll=4)
                def vec_body(i):
                    r = i >> 4
                    col = (i & 15) * LANES
                    x = inb[rb, r, pl.ds(col, LANES)]
                    ge_lo_shared = x >= lov[0]
                    for j in range(J):
                        if j < J - 1:
                            t = x * kv[j]
                            ge_lo = ge_lo_shared
                        else:
                            t = x * kv[j] + bv[j]
                            ge_lo = x >= lov[j]
                        y = jnp.where(x >= hiv[j], topv[j],
                                      jnp.where(ge_lo, t, zero))
                        outb[rb, j, r, pl.ds(col, LANES)] = y

                for j in range(J):
                    out_copy(ch, rb, j).start()

                @pl.when(ch + 2 < NCHUNK)
                def _next_in():
                    in_copy(ch + 2, rb).start()
            return carry

        lax.fori_loop(0, NCHUNK // 2, lambda g, cr: outer(g * 2, cr), 0)

        for rb in range(2):
            for j in range(J):
                out_copy(NCHUNK - 2 + rb, rb, j).wait()

    return body(img, params)


def kernel(img, hu_lis, norm_lis):
    params = jnp.broadcast_to(
        jnp.stack([hu_lis, norm_lis]).reshape(2 * J * NSEG, 1),
        (2 * J * NSEG, LANES)).reshape(2 * J * NSEG * LANES)
    return _sc_map(img, params)

# --- scband reference (transcript-rebuilt; emitter-appended) ---
"""Pipeline reference for scband-adapt-transform-33423435497879 (READ-ONLY COPY).

The authoritative reference and input builder live on the scoring server;
editing this copy changes nothing except your own understanding.
"""

import jax, jax.numpy as jnp
import numpy as np

BASE_HU = -2.0
BASE_NORM = 0.0

HU_LIS = np.array([
    [0.0, 0.3, 0.3, 0.3, 0.3, 0.3, 0.3, 0.3],
    [0.0, 0.45, 0.45, 0.45, 0.45, 0.45, 0.45, 0.45],
    [0.0, 0.6, 0.6, 0.6, 0.6, 0.6, 0.6, 0.6],
    [0.25, 0.5, 0.5, 0.5, 0.5, 0.5, 0.5, 0.5],
], dtype=np.float32)

NORM_LIS = np.array([
    [0.0, 0.125, 0.125, 0.125, 0.125, 0.125, 0.125, 0.125],
    [0.0, 0.125, 0.125, 0.125, 0.125, 0.125, 0.125, 0.125],
    [0.0, 0.125, 0.125, 0.125, 0.125, 0.125, 0.125, 0.125],
    [0.0, 0.125, 0.125, 0.125, 0.125, 0.125, 0.125, 0.125],
], dtype=np.float32)


def setup_inputs(seed: int = 0) -> dict:
    key = jax.random.key(seed)
    img = jax.random.normal(key, (2, 1, 32, 256, 256), dtype=jnp.float32)
    return {
        "img": img,
        "hu_lis": jnp.asarray(HU_LIS),
        "norm_lis": jnp.asarray(NORM_LIS),
    }


def reference(img, hu_lis, norm_lis):
    J, I = hu_lis.shape
    outs = []
    for j in range(J):
        cur_file = jnp.zeros_like(img)
        hu_high = None
        norm_high = None
        for i in range(1, I):
            hu_high = jnp.sum(jnp.abs(hu_lis[j, 0:i + 1]))
            hu_low = jnp.sum(jnp.abs(hu_lis[j, 0:i]))
            norm_high = jnp.sum(jnp.abs(norm_lis[j, 0:i + 1]))
            norm_low = jnp.sum(jnp.abs(norm_lis[j, 0:i]))
            mask = (img < BASE_HU + hu_high) & (img >= BASE_HU + hu_low)
            k = (norm_high - norm_low) / (hu_high - hu_low)
            cur_file = jnp.where(mask, k * (img - hu_low) + norm_low, cur_file)
        cur_file = jnp.where(img >= BASE_HU + hu_high, norm_high + BASE_NORM, cur_file)
        outs.append(cur_file)
    return jnp.concatenate(outs, axis=1)

if __name__ == "__main__":
    import jax
    _d = setup_inputs()
    print(jax.jit(kernel)(*tuple(_d.values())))

</pallas_src>

<mosaic_0001>
#map = affine_map<(d0, d1) -> (0, 0, 0, 0, 0)>
#map1 = affine_map<(d0, d1) -> (0)>
module attributes {stable_mosaic.version = 14 : i64} {
  func.func @body(%arg0: i32, %arg1: i32, %arg2: memref<2x1x32x256x256xf32, #tpu.memory_space<hbm>>, %arg3: memref<1024xf32, #tpu.memory_space<hbm>>, %arg4: memref<2x4x32x256x256xf32, #tpu.memory_space<hbm>>, %arg5: memref<1024xf32, #tpu.memory_space<vmem>>, %arg6: memref<2x32x256xf32, #tpu.memory_space<vmem>>, %arg7: memref<2x4x32x256xf32, #tpu.memory_space<vmem>>, %arg8: memref<!tpu.dma_semaphore, #tpu.memory_space<semaphore_mem>>, %arg9: memref<!tpu.dma_semaphore, #tpu.memory_space<semaphore_mem>>, %arg10: memref<!tpu.dma_semaphore, #tpu.memory_space<semaphore_mem>>, %arg11: memref<!tpu.dma_semaphore, #tpu.memory_space<semaphore_mem>>) attributes {dimension_semantics = [#tpu.dimension_semantics<core_parallel>, #tpu.dimension_semantics<subcore_parallel>], iteration_bounds = array<i64: 2, 16>, scalar_prefetch = 0 : i64, scratch_operands = 7 : i64, tpu.core_type = #tpu.core_type<sc_vector_subcore>, window_params = [{transform_indices = #map}, {transform_indices = #map1}, {transform_indices = #map}]} {
    "tpu.region"() ({
      %run_scoped3A = tpu.sem_alloc : memref<!tpu.dma_semaphore, #tpu.memory_space<semaphore_mem>>
      tpu.enqueue_dma source(%arg3 : memref<1024xf32, #tpu.memory_space<hbm>>) target(%arg5 : memref<1024xf32, #tpu.memory_space<vmem>>) target_semaphore(%run_scoped3A : memref<!tpu.dma_semaphore, #tpu.memory_space<semaphore_mem>>)
      tpu.wait_dma2 semaphore(%run_scoped3A : memref<!tpu.dma_semaphore, #tpu.memory_space<semaphore_mem>>) src(%arg3 : memref<1024xf32, #tpu.memory_space<hbm>>) dst(%arg5 : memref<1024xf32, #tpu.memory_space<vmem>>)
      tpu.yield
    }) : () -> ()
    %get3A = arith.constant 0 : index
    %get3A_0 = tpu.vector_load %arg5[%get3A] {strides = array<i32>} : memref<1024xf32, #tpu.memory_space<vmem>>, vector<16xf32>,
    %get3A_1 = vector.shape_cast %get3A_0 : vector<16xf32> to vector<16xf32>
    %abs3A = math.absf %get3A_1 : vector<16xf32>
    %get3A_2 = arith.constant 16 : index
    %get3A_3 = tpu.vector_load %arg5[%get3A_2] {strides = array<i32>} : memref<1024xf32, #tpu.memory_space<vmem>>, vector<16xf32>,
    %get3A_4 = vector.shape_cast %get3A_3 : vector<16xf32> to vector<16xf32>
    %abs3A_5 = math.absf %get3A_4 : vector<16xf32>
    %get3A_6 = arith.constant 32 : index
    %get3A_7 = tpu.vector_load %arg5[%get3A_6] {strides = array<i32>} : memref<1024xf32, #tpu.memory_space<vmem>>, vector<16xf32>,
    %get3A_8 = vector.shape_cast %get3A_7 : vector<16xf32> to vector<16xf32>
    %abs3A_9 = math.absf %get3A_8 : vector<16xf32>
    %get3A_10 = arith.constant 48 : index
    %get3A_11 = tpu.vector_load %arg5[%get3A_10] {strides = array<i32>} : memref<1024xf32, #tpu.memory_space<vmem>>, vector<16xf32>,
    %get3A_12 = vector.shape_cast %get3A_11 : vector<16xf32> to vector<16xf32>
    %abs3A_13 = math.absf %get3A_12 : vector<16xf32>
    %get3A_14 = arith.constant 64 : index
    %get3A_15 = tpu.vector_load %arg5[%get3A_14] {strides = array<i32>} : memref<1024xf32, #tpu.memory_space<vmem>>, vector<16xf32>,
    %get3A_16 = vector.shape_cast %get3A_15 : vector<16xf32> to vector<16xf32>
    %abs3A_17 = math.absf %get3A_16 : vector<16xf32>
    %get3A_18 = arith.constant 80 : index
    %get3A_19 = tpu.vector_load %arg5[%get3A_18] {strides = array<i32>} : memref<1024xf32, #tpu.memory_space<vmem>>, vector<16xf32>,
    %get3A_20 = vector.shape_cast %get3A_19 : vector<16xf32> to vector<16xf32>
    %abs3A_21 = math.absf %get3A_20 : vector<16xf32>
    %get3A_22 = arith.constant 96 : index
    %get3A_23 = tpu.vector_load %arg5[%get3A_22] {strides = array<i32>} : memref<1024xf32, #tpu.memory_space<vmem>>, vector<16xf32>,
    %get3A_24 = vector.shape_cast %get3A_23 : vector<16xf32> to vector<16xf32>
    %abs3A_25 = math.absf %get3A_24 : vector<16xf32>
    %get3A_26 = arith.constant 112 : index
    %get3A_27 = tpu.vector_load %arg5[%get3A_26] {strides = array<i32>} : memref<1024xf32, #tpu.memory_space<vmem>>, vector<16xf32>,
    %get3A_28 = vector.shape_cast %get3A_27 : vector<16xf32> to vector<16xf32>
    %abs3A_29 = math.absf %get3A_28 : vector<16xf32>
    %get3A_30 = arith.constant 512 : index
    %get3A_31 = tpu.vector_load %arg5[%get3A_30] {strides = array<i32>} : memref<1024xf32, #tpu.memory_space<vmem>>, vector<16xf32>,
    %get3A_32 = vector.shape_cast %get3A_31 : vector<16xf32> to vector<16xf32>
    %abs3A_33 = math.absf %get3A_32 : vector<16xf32>
    %get3A_34 = arith.constant 528 : index
    %get3A_35 = tpu.vector_load %arg5[%get3A_34] {strides = array<i32>} : memref<1024xf32, #tpu.memory_space<vmem>>, vector<16xf32>,
    %get3A_36 = vector.shape_cast %get3A_35 : vector<16xf32> to vector<16xf32>
    %abs3A_37 = math.absf %get3A_36 : vector<16xf32>
    %get3A_38 = arith.constant 544 : index
    %get3A_39 = tpu.vector_load %arg5[%get3A_38] {strides = array<i32>} : memref<1024xf32, #tpu.memory_space<vmem>>, vector<16xf32>,
    %get3A_40 = vector.shape_cast %get3A_39 : vector<16xf32> to vector<16xf32>
    %abs3A_41 = math.absf %get3A_40 : vector<16xf32>
    %get3A_42 = arith.constant 560 : index
    %get3A_43 = tpu.vector_load %arg5[%get3A_42] {strides = array<i32>} : memref<1024xf32, #tpu.memory_space<vmem>>, vector<16xf32>,
    %get3A_44 = vector.shape_cast %get3A_43 : vector<16xf32> to vector<16xf32>
    %abs3A_45 = math.absf %get3A_44 : vector<16xf32>
    %get3A_46 = arith.constant 576 : index
    %get3A_47 = tpu.vector_load %arg5[%get3A_46] {strides = array<i32>} : memref<1024xf32, #tpu.memory_space<vmem>>, vector<16xf32>,
    %get3A_48 = vector.shape_cast %get3A_47 : vector<16xf32> to vector<16xf32>
    %abs3A_49 = math.absf %get3A_48 : vector<16xf32>
    %get3A_50 = arith.constant 592 : index
    %get3A_51 = tpu.vector_load %arg5[%get3A_50] {strides = array<i32>} : memref<1024xf32, #tpu.memory_space<vmem>>, vector<16xf32>,
    %get3A_52 = vector.shape_cast %get3A_51 : vector<16xf32> to vector<16xf32>
    %abs3A_53 = math.absf %get3A_52 : vector<16xf32>
    %get3A_54 = arith.constant 608 : index
    %get3A_55 = tpu.vector_load %arg5[%get3A_54] {strides = array<i32>} : memref<1024xf32, #tpu.memory_space<vmem>>, vector<16xf32>,
    %get3A_56 = vector.shape_cast %get3A_55 : vector<16xf32> to vector<16xf32>
    %abs3A_57 = math.absf %get3A_56 : vector<16xf32>
    %get3A_58 = arith.constant 624 : index
    %get3A_59 = tpu.vector_load %arg5[%get3A_58] {strides = array<i32>} : memref<1024xf32, #tpu.memory_space<vmem>>, vector<16xf32>,
    %get3A_60 = vector.shape_cast %get3A_59 : vector<16xf32> to vector<16xf32>
    %abs3A_61 = math.absf %get3A_60 : vector<16xf32>
    %add3A = arith.addf %abs3A, %abs3A_5 : vector<16xf32>
    %add3A_62 = arith.addf %abs3A_33, %abs3A_37 : vector<16xf32>
    %add3A_63 = arith.addf %add3A, %abs3A_9 : vector<16xf32>
    %add3A_64 = arith.addf %add3A_62, %abs3A_41 : vector<16xf32>
    %add3A_65 = arith.addf %add3A_63, %abs3A_13 : vector<16xf32>
    %add3A_66 = arith.addf %add3A_64, %abs3A_45 : vector<16xf32>
    %add3A_67 = arith.addf %add3A_65, %abs3A_17 : vector<16xf32>
    %add3A_68 = arith.addf %add3A_66, %abs3A_49 : vector<16xf32>
    %add3A_69 = arith.addf %add3A_67, %abs3A_21 : vector<16xf32>
    %add3A_70 = arith.addf %add3A_68, %abs3A_53 : vector<16xf32>
    %add3A_71 = arith.addf %add3A_69, %abs3A_25 : vector<16xf32>
    %add3A_72 = arith.addf %add3A_70, %abs3A_57 : vector<16xf32>
    %add3A_73 = arith.addf %add3A_71, %abs3A_29 : vector<16xf32>
    %add3A_74 = arith.addf %add3A_72, %abs3A_61 : vector<16xf32>
    %div3A = arith.divf %abs3A_37, %abs3A_5 : vector<16xf32>
    %mul3A = arith.mulf %div3A, %abs3A : vector<16xf32>
    %sub3A = arith.subf %abs3A_33, %mul3A : vector<16xf32>
    %add3A_75 = arith.constant -2.000000e+00 : f32
    %add3A_76 = vector.broadcast %add3A_75 : f32 to vector<16xf32>
    %add3A_77 = arith.addf %add3A_76, %abs3A : vector<16xf32>
    %add3A_78 = arith.constant -2.000000e+00 : f32
    %add3A_79 = vector.broadcast %add3A_78 : f32 to vector<16xf32>
    %add3A_80 = arith.addf %add3A_79, %add3A_73 : vector<16xf32>
    %add3A_81 = arith.constant 0.000000e+00 : f32
    %add3A_82 = vector.broadcast %add3A_81 : f32 to vector<16xf32>
    %add3A_83 = arith.addf %add3A_74, %add3A_82 : vector<16xf32>
    %get3A_84 = arith.constant 128 : index
    %get3A_85 = tpu.vector_load %arg5[%get3A_84] {strides = array<i32>} : memref<1024xf32, #tpu.memory_space<vmem>>, vector<16xf32>,
    %get3A_86 = vector.shape_cast %get3A_85 : vector<16xf32> to vector<16xf32>
    %abs3A_87 = math.absf %get3A_86 : vector<16xf32>
    %get3A_88 = arith.constant 144 : index
    %get3A_89 = tpu.vector_load %arg5[%get3A_88] {strides = array<i32>} : memref<1024xf32, #tpu.memory_space<vmem>>, vector<16xf32>,
    %get3A_90 = vector.shape_cast %get3A_89 : vector<16xf32> to vector<16xf32>
    %abs3A_91 = math.absf %get3A_90 : vector<16xf32>
    %get3A_92 = arith.constant 160 : index
    %get3A_93 = tpu.vector_load %arg5[%get3A_92] {strides = array<i32>} : memref<1024xf32, #tpu.memory_space<vmem>>, vector<16xf32>,
    %get3A_94 = vector.shape_cast %get3A_93 : vector<16xf32> to vector<16xf32>
    %abs3A_95 = math.absf %get3A_94 : vector<16xf32>
    %get3A_96 = arith.constant 176 : index
    %get3A_97 = tpu.vector_load %arg5[%get3A_96] {strides = array<i32>} : memref<1024xf32, #tpu.memory_space<vmem>>, vector<16xf32>,
    %get3A_98 = vector.shape_cast %get3A_97 : vector<16xf32> to vector<16xf32>
    %abs3A_99 = math.absf %get3A_98 : vector<16xf32>
    %get3A_100 = arith.constant 192 : index
    %get3A_101 = tpu.vector_load %arg5[%get3A_100] {strides = array<i32>} : memref<1024xf32, #tpu.memory_space<vmem>>, vector<16xf32>,
    %get3A_102 = vector.shape_cast %get3A_101 : vector<16xf32> to vector<16xf32>
    %abs3A_103 = math.absf %get3A_102 : vector<16xf32>
    %get3A_104 = arith.constant 208 : index
    %get3A_105 = tpu.vector_load %arg5[%get3A_104] {strides = array<i32>} : memref<1024xf32, #tpu.memory_space<vmem>>, vector<16xf32>,
    %get3A_106 = vector.shape_cast %get3A_105 : vector<16xf32> to vector<16xf32>
    %abs3A_107 = math.absf %get3A_106 : vector<16xf32>
    %get3A_108 = arith.constant 224 : index
    %get3A_109 = tpu.vector_load %arg5[%get3A_108] {strides = array<i32>} : memref<1024xf32, #tpu.memory_space<vmem>>, vector<16xf32>,
    %get3A_110 = vector.shape_cast %get3A_109 : vector<16xf32> to vector<16xf32>
    %abs3A_111 = math.absf %get3A_110 : vector<16xf32>
    %get3A_112 = arith.constant 240 : index
    %get3A_113 = tpu.vector_load %arg5[%get3A_112] {strides = array<i32>} : memref<1024xf32, #tpu.memory_space<vmem>>, vector<16xf32>,
    %get3A_114 = vector.shape_cast %get3A_113 : vector<16xf32> to vector<16xf32>
    %abs3A_115 = math.absf %get3A_114 : vector<16xf32>
    %get3A_116 = arith.constant 640 : index
    %get3A_117 = tpu.vector_load %arg5[%get3A_116] {strides = array<i32>} : memref<1024xf32, #tpu.memory_space<vmem>>, vector<16xf32>,
    %get3A_118 = vector.shape_cast %get3A_117 : vector<16xf32> to vector<16xf32>
    %abs3A_119 = math.absf %get3A_118 : vector<16xf32>
    %get3A_120 = arith.constant 656 : index
    %get3A_121 = tpu.vector_load %arg5[%get3A_120] {strides = array<i32>} : memref<1024xf32, #tpu.memory_space<vmem>>, vector<16xf32>,
    %get3A_122 = vector.shape_cast %get3A_121 : vector<16xf32> to vector<16xf32>
    %abs3A_123 = math.absf %get3A_122 : vector<16xf32>
    %get3A_124 = arith.constant 672 : index
    %get3A_125 = tpu.vector_load %arg5[%get3A_124] {strides = array<i32>} : memref<1024xf32, #tpu.memory_space<vmem>>, vector<16xf32>,
    %get3A_126 = vector.shape_cast %get3A_125 : vector<16xf32> to vector<16xf32>
    %abs3A_127 = math.absf %get3A_126 : vector<16xf32>
    %get3A_128 = arith.constant 688 : index
    %get3A_129 = tpu.vector_load %arg5[%get3A_128] {strides = array<i32>} : memref<1024xf32, #tpu.memory_space<vmem>>, vector<16xf32>,
    %get3A_130 = vector.shape_cast %get3A_129 : vector<16xf32> to vector<16xf32>
    %abs3A_131 = math.absf %get3A_130 : vector<16xf32>
    %get3A_132 = arith.constant 704 : index
    %get3A_133 = tpu.vector_load %arg5[%get3A_132] {strides = array<i32>} : memref<1024xf32, #tpu.memory_space<vmem>>, vector<16xf32>,
    %get3A_134 = vector.shape_cast %get3A_133 : vector<16xf32> to vector<16xf32>
    %abs3A_135 = math.absf %get3A_134 : vector<16xf32>
    %get3A_136 = arith.constant 720 : index
    %get3A_137 = tpu.vector_load %arg5[%get3A_136] {strides = array<i32>} : memref<1024xf32, #tpu.memory_space<vmem>>, vector<16xf32>,
    %get3A_138 = vector.shape_cast %get3A_137 : vector<16xf32> to vector<16xf32>
    %abs3A_139 = math.absf %get3A_138 : vector<16xf32>
    %get3A_140 = arith.constant 736 : index
    %get3A_141 = tpu.vector_load %arg5[%get3A_140] {strides = array<i32>} : memref<1024xf32, #tpu.memory_space<vmem>>, vector<16xf32>,
    %get3A_142 = vector.shape_cast %get3A_141 : vector<16xf32> to vector<16xf32>
    %abs3A_143 = math.absf %get3A_142 : vector<16xf32>
    %get3A_144 = arith.constant 752 : index
    %get3A_145 = tpu.vector_load %arg5[%get3A_144] {strides = array<i32>} : memref<1024xf32, #tpu.memory_space<vmem>>, vector<16xf32>,
    %get3A_146 = vector.shape_cast %get3A_145 : vector<16xf32> to vector<16xf32>
    %abs3A_147 = math.absf %get3A_146 : vector<16xf32>
    %add3A_148 = arith.addf %abs3A_87, %abs3A_91 : vector<16xf32>
    %add3A_149 = arith.addf %abs3A_119, %abs3A_123 : vector<16xf32>
    %add3A_150 = arith.addf %add3A_148, %abs3A_95 : vector<16xf32>
    %add3A_151 = arith.addf %add3A_149, %abs3A_127 : vector<16xf32>
    %add3A_152 = arith.addf %add3A_150, %abs3A_99 : vector<16xf32>
    %add3A_153 = arith.addf %add3A_151, %abs3A_131 : vector<16xf32>
    %add3A_154 = arith.addf %add3A_152, %abs3A_103 : vector<16xf32>
    %add3A_155 = arith.addf %add3A_153, %abs3A_135 : vector<16xf32>
    %add3A_156 = arith.addf %add3A_154, %abs3A_107 : vector<16xf32>
    %add3A_157 = arith.addf %add3A_155, %abs3A_139 : vector<16xf32>
    %add3A_158 = arith.addf %add3A_156, %abs3A_111 : vector<16xf32>
    %add3A_159 = arith.addf %add3A_157, %abs3A_143 : vector<16xf32>
    %add3A_160 = arith.addf %add3A_158, %abs3A_115 : vector<16xf32>
    %add3A_161 = arith.addf %add3A_159, %abs3A_147 : vector<16xf32>
    %div3A_162 = arith.divf %abs3A_123, %abs3A_91 : vector<16xf32>
    %mul3A_163 = arith.mulf %div3A_162, %abs3A_87 : vector<16xf32>
    %sub3A_164 = arith.subf %abs3A_119, %mul3A_163 : vector<16xf32>
    %add3A_165 = arith.constant -2.000000e+00 : f32
    %add3A_166 = vector.broadcast %add3A_165 : f32 to vector<16xf32>
    %add3A_167 = arith.addf %add3A_166, %abs3A_87 : vector<16xf32>
    %add3A_168 = arith.constant -2.000000e+00 : f32
    %add3A_169 = vector.broadcast %add3A_168 : f32 to vector<16xf32>
    %add3A_170 = arith.addf %add3A_169, %add3A_160 : vector<16xf32>
    %add3A_171 = arith.constant 0.000000e+00 : f32
    %add3A_172 = vector.broadcast %add3A_171 : f32 to vector<16xf32>
    %add3A_173 = arith.addf %add3A_161, %add3A_172 : vector<16xf32>
    %get3A_174 = arith.constant 256 : index
    %get3A_175 = tpu.vector_load %arg5[%get3A_174] {strides = array<i32>} : memref<1024xf32, #tpu.memory_space<vmem>>, vector<16xf32>,
    %get3A_176 = vector.shape_cast %get3A_175 : vector<16xf32> to vector<16xf32>
    %abs3A_177 = math.absf %get3A_176 : vector<16xf32>
    %get3A_178 = arith.constant 272 : index
    %get3A_179 = tpu.vector_load %arg5[%get3A_178] {strides = array<i32>} : memref<1024xf32, #tpu.memory_space<vmem>>, vector<16xf32>,
    %get3A_180 = vector.shape_cast %get3A_179 : vector<16xf32> to vector<16xf32>
    %abs3A_181 = math.absf %get3A_180 : vector<16xf32>
    %get3A_182 = arith.constant 288 : index
    %get3A_183 = tpu.vector_load %arg5[%get3A_182] {strides = array<i32>} : memref<1024xf32, #tpu.memory_space<vmem>>, vector<16xf32>,
    %get3A_184 = vector.shape_cast %get3A_183 : vector<16xf32> to vector<16xf32>
    %abs3A_185 = math.absf %get3A_184 : vector<16xf32>
    %get3A_186 = arith.constant 304 : index
    %get3A_187 = tpu.vector_load %arg5[%get3A_186] {strides = array<i32>} : memref<1024xf32, #tpu.memory_space<vmem>>, vector<16xf32>,
    %get3A_188 = vector.shape_cast %get3A_187 : vector<16xf32> to vector<16xf32>
    %abs3A_189 = math.absf %get3A_188 : vector<16xf32>
    %get3A_190 = arith.constant 320 : index
    %get3A_191 = tpu.vector_load %arg5[%get3A_190] {strides = array<i32>} : memref<1024xf32, #tpu.memory_space<vmem>>, vector<16xf32>,
    %get3A_192 = vector.shape_cast %get3A_191 : vector<16xf32> to vector<16xf32>
    %abs3A_193 = math.absf %get3A_192 : vector<16xf32>
    %get3A_194 = arith.constant 336 : index
    %get3A_195 = tpu.vector_load %arg5[%get3A_194] {strides = array<i32>} : memref<1024xf32, #tpu.memory_space<vmem>>, vector<16xf32>,
    %get3A_196 = vector.shape_cast %get3A_195 : vector<16xf32> to vector<16xf32>
    %abs3A_197 = math.absf %get3A_196 : vector<16xf32>
    %get3A_198 = arith.constant 352 : index
    %get3A_199 = tpu.vector_load %arg5[%get3A_198] {strides = array<i32>} : memref<1024xf32, #tpu.memory_space<vmem>>, vector<16xf32>,
    %get3A_200 = vector.shape_cast %get3A_199 : vector<16xf32> to vector<16xf32>
    %abs3A_201 = math.absf %get3A_200 : vector<16xf32>
    %get3A_202 = arith.constant 368 : index
    %get3A_203 = tpu.vector_load %arg5[%get3A_202] {strides = array<i32>} : memref<1024xf32, #tpu.memory_space<vmem>>, vector<16xf32>,
    %get3A_204 = vector.shape_cast %get3A_203 : vector<16xf32> to vector<16xf32>
    %abs3A_205 = math.absf %get3A_204 : vector<16xf32>
    %get3A_206 = arith.constant 768 : index
    %get3A_207 = tpu.vector_load %arg5[%get3A_206] {strides = array<i32>} : memref<1024xf32, #tpu.memory_space<vmem>>, vector<16xf32>,
    %get3A_208 = vector.shape_cast %get3A_207 : vector<16xf32> to vector<16xf32>
    %abs3A_209 = math.absf %get3A_208 : vector<16xf32>
    %get3A_210 = arith.constant 784 : index
    %get3A_211 = tpu.vector_load %arg5[%get3A_210] {strides = array<i32>} : memref<1024xf32, #tpu.memory_space<vmem>>, vector<16xf32>,
    %get3A_212 = vector.shape_cast %get3A_211 : vector<16xf32> to vector<16xf32>
    %abs3A_213 = math.absf %get3A_212 : vector<16xf32>
    %get3A_214 = arith.constant 800 : index
    %get3A_215 = tpu.vector_load %arg5[%get3A_214] {strides = array<i32>} : memref<1024xf32, #tpu.memory_space<vmem>>, vector<16xf32>,
    %get3A_216 = vector.shape_cast %get3A_215 : vector<16xf32> to vector<16xf32>
    %abs3A_217 = math.absf %get3A_216 : vector<16xf32>
    %get3A_218 = arith.constant 816 : index
    %get3A_219 = tpu.vector_load %arg5[%get3A_218] {strides = array<i32>} : memref<1024xf32, #tpu.memory_space<vmem>>, vector<16xf32>,
    %get3A_220 = vector.shape_cast %get3A_219 : vector<16xf32> to vector<16xf32>
    %abs3A_221 = math.absf %get3A_220 : vector<16xf32>
    %get3A_222 = arith.constant 832 : index
    %get3A_223 = tpu.vector_load %arg5[%get3A_222] {strides = array<i32>} : memref<1024xf32, #tpu.memory_space<vmem>>, vector<16xf32>,
    %get3A_224 = vector.shape_cast %get3A_223 : vector<16xf32> to vector<16xf32>
    %abs3A_225 = math.absf %get3A_224 : vector<16xf32>
    %get3A_226 = arith.constant 848 : index
    %get3A_227 = tpu.vector_load %arg5[%get3A_226] {strides = array<i32>} : memref<1024xf32, #tpu.memory_space<vmem>>, vector<16xf32>,
    %get3A_228 = vector.shape_cast %get3A_227 : vector<16xf32> to vector<16xf32>
    %abs3A_229 = math.absf %get3A_228 : vector<16xf32>
    %get3A_230 = arith.constant 864 : index
    %get3A_231 = tpu.vector_load %arg5[%get3A_230] {strides = array<i32>} : memref<1024xf32, #tpu.memory_space<vmem>>, vector<16xf32>,
    %get3A_232 = vector.shape_cast %get3A_231 : vector<16xf32> to vector<16xf32>
    %abs3A_233 = math.absf %get3A_232 : vector<16xf32>
    %get3A_234 = arith.constant 880 : index
    %get3A_235 = tpu.vector_load %arg5[%get3A_234] {strides = array<i32>} : memref<1024xf32, #tpu.memory_space<vmem>>, vector<16xf32>,
    %get3A_236 = vector.shape_cast %get3A_235 : vector<16xf32> to vector<16xf32>
    %abs3A_237 = math.absf %get3A_236 : vector<16xf32>
    %add3A_238 = arith.addf %abs3A_177, %abs3A_181 : vector<16xf32>
    %add3A_239 = arith.addf %abs3A_209, %abs3A_213 : vector<16xf32>
    %add3A_240 = arith.addf %add3A_238, %abs3A_185 : vector<16xf32>
    %add3A_241 = arith.addf %add3A_239, %abs3A_217 : vector<16xf32>
    %add3A_242 = arith.addf %add3A_240, %abs3A_189 : vector<16xf32>
    %add3A_243 = arith.addf %add3A_241, %abs3A_221 : vector<16xf32>
    %add3A_244 = arith.addf %add3A_242, %abs3A_193 : vector<16xf32>
    %add3A_245 = arith.addf %add3A_243, %abs3A_225 : vector<16xf32>
    %add3A_246 = arith.addf %add3A_244, %abs3A_197 : vector<16xf32>
    %add3A_247 = arith.addf %add3A_245, %abs3A_229 : vector<16xf32>
    %add3A_248 = arith.addf %add3A_246, %abs3A_201 : vector<16xf32>
    %add3A_249 = arith.addf %add3A_247, %abs3A_233 : vector<16xf32>
    %add3A_250 = arith.addf %add3A_248, %abs3A_205 : vector<16xf32>
    %add3A_251 = arith.addf %add3A_249, %abs3A_237 : vector<16xf32>
    %div3A_252 = arith.divf %abs3A_213, %abs3A_181 : vector<16xf32>
    %mul3A_253 = arith.mulf %div3A_252, %abs3A_177 : vector<16xf32>
    %sub3A_254 = arith.subf %abs3A_209, %mul3A_253 : vector<16xf32>
    %add3A_255 = arith.constant -2.000000e+00 : f32
    %add3A_256 = vector.broadcast %add3A_255 : f32 to vector<16xf32>
    %add3A_257 = arith.addf %add3A_256, %abs3A_177 : vector<16xf32>
    %add3A_258 = arith.constant -2.000000e+00 : f32
    %add3A_259 = vector.broadcast %add3A_258 : f32 to vector<16xf32>
    %add3A_260 = arith.addf %add3A_259, %add3A_250 : vector<16xf32>
    %add3A_261 = arith.constant 0.000000e+00 : f32
    %add3A_262 = vector.broadcast %add3A_261 : f32 to vector<16xf32>
    %add3A_263 = arith.addf %add3A_251, %add3A_262 : vector<16xf32>
    %get3A_264 = arith.constant 384 : index
    %get3A_265 = tpu.vector_load %arg5[%get3A_264] {strides = array<i32>} : memref<1024xf32, #tpu.memory_space<vmem>>, vector<16xf32>,
    %get3A_266 = vector.shape_cast %get3A_265 : vector<16xf32> to vector<16xf32>
    %abs3A_267 = math.absf %get3A_266 : vector<16xf32>
    %get3A_268 = arith.constant 400 : index
    %get3A_269 = tpu.vector_load %arg5[%get3A_268] {strides = array<i32>} : memref<1024xf32, #tpu.memory_space<vmem>>, vector<16xf32>,
    %get3A_270 = vector.shape_cast %get3A_269 : vector<16xf32> to vector<16xf32>
    %abs3A_271 = math.absf %get3A_270 : vector<16xf32>
    %get3A_272 = arith.constant 416 : index
    %get3A_273 = tpu.vector_load %arg5[%get3A_272] {strides = array<i32>} : memref<1024xf32, #tpu.memory_space<vmem>>, vector<16xf32>,
    %get3A_274 = vector.shape_cast %get3A_273 : vector<16xf32> to vector<16xf32>
    %abs3A_275 = math.absf %get3A_274 : vector<16xf32>
    %get3A_276 = arith.constant 432 : index
    %get3A_277 = tpu.vector_load %arg5[%get3A_276] {strides = array<i32>} : memref<1024xf32, #tpu.memory_space<vmem>>, vector<16xf32>,
    %get3A_278 = vector.shape_cast %get3A_277 : vector<16xf32> to vector<16xf32>
    %abs3A_279 = math.absf %get3A_278 : vector<16xf32>
    %get3A_280 = arith.constant 448 : index
    %get3A_281 = tpu.vector_load %arg5[%get3A_280] {strides = array<i32>} : memref<1024xf32, #tpu.memory_space<vmem>>, vector<16xf32>,
    %get3A_282 = vector.shape_cast %get3A_281 : vector<16xf32> to vector<16xf32>
    %abs3A_283 = math.absf %get3A_282 : vector<16xf32>
    %get3A_284 = arith.constant 464 : index
    %get3A_285 = tpu.vector_load %arg5[%get3A_284] {strides = array<i32>} : memref<1024xf32, #tpu.memory_space<vmem>>, vector<16xf32>,
    %get3A_286 = vector.shape_cast %get3A_285 : vector<16xf32> to vector<16xf32>
    %abs3A_287 = math.absf %get3A_286 : vector<16xf32>
    %get3A_288 = arith.constant 480 : index
    %get3A_289 = tpu.vector_load %arg5[%get3A_288] {strides = array<i32>} : memref<1024xf32, #tpu.memory_space<vmem>>, vector<16xf32>,
    %get3A_290 = vector.shape_cast %get3A_289 : vector<16xf32> to vector<16xf32>
    %abs3A_291 = math.absf %get3A_290 : vector<16xf32>
    %get3A_292 = arith.constant 496 : index
    %get3A_293 = tpu.vector_load %arg5[%get3A_292] {strides = array<i32>} : memref<1024xf32, #tpu.memory_space<vmem>>, vector<16xf32>,
    %get3A_294 = vector.shape_cast %get3A_293 : vector<16xf32> to vector<16xf32>
    %abs3A_295 = math.absf %get3A_294 : vector<16xf32>
    %get3A_296 = arith.constant 896 : index
    %get3A_297 = tpu.vector_load %arg5[%get3A_296] {strides = array<i32>} : memref<1024xf32, #tpu.memory_space<vmem>>, vector<16xf32>,
    %get3A_298 = vector.shape_cast %get3A_297 : vector<16xf32> to vector<16xf32>
    %abs3A_299 = math.absf %get3A_298 : vector<16xf32>
    %get3A_300 = arith.constant 912 : index
    %get3A_301 = tpu.vector_load %arg5[%get3A_300] {strides = array<i32>} : memref<1024xf32, #tpu.memory_space<vmem>>, vector<16xf32>,
    %get3A_302 = vector.shape_cast %get3A_301 : vector<16xf32> to vector<16xf32>
    %abs3A_303 = math.absf %get3A_302 : vector<16xf32>
    %get3A_304 = arith.constant 928 : index
    %get3A_305 = tpu.vector_load %arg5[%get3A_304] {strides = array<i32>} : memref<1024xf32, #tpu.memory_space<vmem>>, vector<16xf32>,
    %get3A_306 = vector.shape_cast %get3A_305 : vector<16xf32> to vector<16xf32>
    %abs3A_307 = math.absf %get3A_306 : vector<16xf32>
    %get3A_308 = arith.constant 944 : index
    %get3A_309 = tpu.vector_load %arg5[%get3A_308] {strides = array<i32>} : memref<1024xf32, #tpu.memory_space<vmem>>, vector<16xf32>,
    %get3A_310 = vector.shape_cast %get3A_309 : vector<16xf32> to vector<16xf32>
    %abs3A_311 = math.absf %get3A_310 : vector<16xf32>
    %get3A_312 = arith.constant 960 : index
    %get3A_313 = tpu.vector_load %arg5[%get3A_312] {strides = array<i32>} : memref<1024xf32, #tpu.memory_space<vmem>>, vector<16xf32>,
    %get3A_314 = vector.shape_cast %get3A_313 : vector<16xf32> to vector<16xf32>
    %abs3A_315 = math.absf %get3A_314 : vector<16xf32>
    %get3A_316 = arith.constant 976 : index
    %get3A_317 = tpu.vector_load %arg5[%get3A_316] {strides = array<i32>} : memref<1024xf32, #tpu.memory_space<vmem>>, vector<16xf32>,
    %get3A_318 = vector.shape_cast %get3A_317 : vector<16xf32> to vector<16xf32>
    %abs3A_319 = math.absf %get3A_318 : vector<16xf32>
    %get3A_320 = arith.constant 992 : index
    %get3A_321 = tpu.vector_load %arg5[%get3A_320] {strides = array<i32>} : memref<1024xf32, #tpu.memory_space<vmem>>, vector<16xf32>,
    %get3A_322 = vector.shape_cast %get3A_321 : vector<16xf32> to vector<16xf32>
    %abs3A_323 = math.absf %get3A_322 : vector<16xf32>
    %get3A_324 = arith.constant 1008 : index
    %get3A_325 = tpu.vector_load %arg5[%get3A_324] {strides = array<i32>} : memref<1024xf32, #tpu.memory_space<vmem>>, vector<16xf32>,
    %get3A_326 = vector.shape_cast %get3A_325 : vector<16xf32> to vector<16xf32>
    %abs3A_327 = math.absf %get3A_326 : vector<16xf32>
    %add3A_328 = arith.addf %abs3A_267, %abs3A_271 : vector<16xf32>
    %add3A_329 = arith.addf %abs3A_299, %abs3A_303 : vector<16xf32>
    %add3A_330 = arith.addf %add3A_328, %abs3A_275 : vector<16xf32>
    %add3A_331 = arith.addf %add3A_329, %abs3A_307 : vector<16xf32>
    %add3A_332 = arith.addf %add3A_330, %abs3A_279 : vector<16xf32>
    %add3A_333 = arith.addf %add3A_331, %abs3A_311 : vector<16xf32>
    %add3A_334 = arith.addf %add3A_332, %abs3A_283 : vector<16xf32>
    %add3A_335 = arith.addf %add3A_333, %abs3A_315 : vector<16xf32>
    %add3A_336 = arith.addf %add3A_334, %abs3A_287 : vector<16xf32>
    %add3A_337 = arith.addf %add3A_335, %abs3A_319 : vector<16xf32>
    %add3A_338 = arith.addf %add3A_336, %abs3A_291 : vector<16xf32>
    %add3A_339 = arith.addf %add3A_337, %abs3A_323 : vector<16xf32>
    %add3A_340 = arith.addf %add3A_338, %abs3A_295 : vector<16xf32>
    %add3A_341 = arith.addf %add3A_339, %abs3A_327 : vector<16xf32>
    %div3A_342 = arith.divf %abs3A_303, %abs3A_271 : vector<16xf32>
    %mul3A_343 = arith.mulf %div3A_342, %abs3A_267 : vector<16xf32>
    %sub3A_344 = arith.subf %abs3A_299, %mul3A_343 : vector<16xf32>
    %add3A_345 = arith.constant -2.000000e+00 : f32
    %add3A_346 = vector.broadcast %add3A_345 : f32 to vector<16xf32>
    %add3A_347 = arith.addf %add3A_346, %abs3A_267 : vector<16xf32>
    %add3A_348 = arith.constant -2.000000e+00 : f32
    %add3A_349 = vector.broadcast %add3A_348 : f32 to vector<16xf32>
    %add3A_350 = arith.addf %add3A_349, %add3A_340 : vector<16xf32>
    %add3A_351 = arith.constant 0.000000e+00 : f32
    %add3A_352 = vector.broadcast %add3A_351 : f32 to vector<16xf32>
    %add3A_353 = arith.addf %add3A_341, %add3A_352 : vector<16xf32>
    %broadcast_in_dim3A = arith.constant 0.000000e+00 : f32
    %broadcast_in_dim3A_354 = vector.broadcast %broadcast_in_dim3A : f32 to vector<16xf32>
    %mul3A_355 = arith.constant 2 : i32
    %mul3A_356 = arith.muli %mul3A_355, %arg1 : i32
    %add3A_357 = arith.constant 0 : i32
    %add3A_358 = arith.addi %mul3A_356, %add3A_357 : i32
    %dma_start3A = arith.constant 0 : i32
    %dma_start3A_359 = arith.constant 0 : i32
    %dma_start3A_360 = arith.constant 0 : i32
    %dma_start3A_361 = arith.constant 0 : i32
    %dma_start3A_362 = tpu.memref_slice %arg6[%dma_start3A_359, %dma_start3A_360, %dma_start3A_361] : memref<2x32x256xf32, #tpu.memory_space<vmem>> -> memref<1x32x256xf32, #tpu.memory_space<vmem>>
    %dma_start3A_363 = tpu.memref_squeeze %dma_start3A_362 : memref<1x32x256xf32, #tpu.memory_space<vmem>> -> memref<32x256xf32, #tpu.memory_space<vmem>>
    %dma_start3A_364 = arith.constant 0 : i32
    %dma_start3A_365 = arith.constant 0 : i32
    %dma_start3A_366 = tpu.memref_slice %arg2[%arg0, %dma_start3A, %add3A_358, %dma_start3A_364, %dma_start3A_365] : memref<2x1x32x256x256xf32, #tpu.memory_space<hbm>> -> memref<1x1x1x32x256xf32, #tpu.memory_space<hbm>>
    %dma_start3A_367 = tpu.memref_squeeze %dma_start3A_366 : memref<1x1x1x32x256xf32, #tpu.memory_space<hbm>> -> memref<32x256xf32, #tpu.memory_space<hbm>>
    %dma_start3A_368 = arith.constant 0 : i32
    %dma_start3A_369 = arith.constant 0 : i32
    %dma_start3A_370 = tpu.memref_slice %arg6[%dma_start3A_359, %dma_start3A_368, %dma_start3A_369] : memref<2x32x256xf32, #tpu.memory_space<vmem>> -> memref<1x32x256xf32, #tpu.memory_space<vmem>>
    %dma_start3A_371 = tpu.memref_squeeze %dma_start3A_370 : memref<1x32x256xf32, #tpu.memory_space<vmem>> -> memref<32x256xf32, #tpu.memory_space<vmem>>
    %dma_start3A_372 = arith.constant 0 : i32
    %dma_start3A_373 = arith.constant 0 : i32
    %dma_start3A_374 = tpu.memref_slice %arg2[%arg0, %dma_start3A, %add3A_358, %dma_start3A_372, %dma_start3A_373] : memref<2x1x32x256x256xf32, #tpu.memory_space<hbm>> -> memref<1x1x1x32x256xf32, #tpu.memory_space<hbm>>
    %dma_start3A_375 = tpu.memref_squeeze %dma_start3A_374 : memref<1x1x1x32x256xf32, #tpu.memory_space<hbm>> -> memref<32x256xf32, #tpu.memory_space<hbm>>
    tpu.enqueue_dma source(%dma_start3A_375 : memref<32x256xf32, #tpu.memory_space<hbm>>) target(%dma_start3A_371 : memref<32x256xf32, #tpu.memory_space<vmem>>) target_semaphore(%arg8 : memref<!tpu.dma_semaphore, #tpu.memory_space<semaphore_mem>>)
    %mul3A_376 = arith.constant 2 : i32
    %mul3A_377 = arith.muli %mul3A_376, %arg1 : i32
    %add3A_378 = arith.constant 0 : i32
    %add3A_379 = arith.addi %mul3A_377, %add3A_378 : i32
    %dma_start3A_380 = arith.constant 0 : i32
    %dma_start3A_381 = arith.constant 1 : i32
    %dma_start3A_382 = arith.constant 0 : i32
    %dma_start3A_383 = arith.constant 0 : i32
    %dma_start3A_384 = tpu.memref_slice %arg6[%dma_start3A_381, %dma_start3A_382, %dma_start3A_383] : memref<2x32x256xf32, #tpu.memory_space<vmem>> -> memref<1x32x256xf32, #tpu.memory_space<vmem>>
    %dma_start3A_385 = tpu.memref_squeeze %dma_start3A_384 : memref<1x32x256xf32, #tpu.memory_space<vmem>> -> memref<32x256xf32, #tpu.memory_space<vmem>>
    %dma_start3A_386 = arith.constant 32 : i32
    %dma_start3A_387 = arith.constant 0 : i32
    %dma_start3A_388 = tpu.memref_slice %arg2[%arg0, %dma_start3A_380, %add3A_379, %dma_start3A_386, %dma_start3A_387] : memref<2x1x32x256x256xf32, #tpu.memory_space<hbm>> -> memref<1x1x1x32x256xf32, #tpu.memory_space<hbm>>
    %dma_start3A_389 = tpu.memref_squeeze %dma_start3A_388 : memref<1x1x1x32x256xf32, #tpu.memory_space<hbm>> -> memref<32x256xf32, #tpu.memory_space<hbm>>
    %dma_start3A_390 = arith.constant 0 : i32
    %dma_start3A_391 = arith.constant 0 : i32
    %dma_start3A_392 = tpu.memref_slice %arg6[%dma_start3A_381, %dma_start3A_390, %dma_start3A_391] : memref<2x32x256xf32, #tpu.memory_space<vmem>> -> memref<1x32x256xf32, #tpu.memory_space<vmem>>
    %dma_start3A_393 = tpu.memref_squeeze %dma_start3A_392 : memref<1x32x256xf32, #tpu.memory_space<vmem>> -> memref<32x256xf32, #tpu.memory_space<vmem>>
    %dma_start3A_394 = arith.constant 32 : i32
    %dma_start3A_395 = arith.constant 0 : i32
    %dma_start3A_396 = tpu.memref_slice %arg2[%arg0, %dma_start3A_380, %add3A_379, %dma_start3A_394, %dma_start3A_395] : memref<2x1x32x256x256xf32, #tpu.memory_space<hbm>> -> memref<1x1x1x32x256xf32, #tpu.memory_space<hbm>>
    %dma_start3A_397 = tpu.memref_squeeze %dma_start3A_396 : memref<1x1x1x32x256xf32, #tpu.memory_space<hbm>> -> memref<32x256xf32, #tpu.memory_space<hbm>>
    tpu.enqueue_dma source(%dma_start3A_397 : memref<32x256xf32, #tpu.memory_space<hbm>>) target(%dma_start3A_393 : memref<32x256xf32, #tpu.memory_space<vmem>>) target_semaphore(%arg9 : memref<!tpu.dma_semaphore, #tpu.memory_space<semaphore_mem>>)
    %scan3A = arith.constant 0 : i32
    %scan3A_398 = arith.constant 0 : i32
    %scan3A_399 = arith.constant 8 : i32
    %scan3A_400 = arith.addi %scan3A_398, %scan3A_399 : i32
    %scan3A_401 = arith.constant 1 : i32
    scf.for %scan3A_586 = %scan3A_398 to %scan3A_400 step %scan3A_401  : i32 {
      %mul3A_587 = arith.constant 2 : i32
      %mul3A_588 = arith.muli %scan3A_586, %mul3A_587 : i32
      %add3A_589 = arith.constant 0 : i32
      %add3A_590 = arith.addi %mul3A_588, %add3A_589 : i32
      %mul3A_591 = arith.constant 2 : i32
      %mul3A_592 = arith.muli %mul3A_591, %arg1 : i32
      %jit3A = arith.constant 8 : i32
      %div3A_593 = arith.divsi %add3A_590, %jit3A : i32
      %sign3A = arith.constant 0 : i32
      %sign3A_594 = arith.cmpi sgt, %add3A_590, %sign3A : i32
      %sign3A_595 = arith.extui %sign3A_594 : i1 to i32
      %sign3A_596 = arith.constant 0 : i32
      %sign3A_597 = arith.cmpi slt, %add3A_590, %sign3A_596 : i32
      %sign3A_598 = arith.extui %sign3A_597 : i1 to i32
      %sign3A_599 = arith.subi %sign3A_595, %sign3A_598 : i32
      %sign3A_600 = arith.constant 0 : i32
      %sign3A_601 = arith.cmpi sgt, %jit3A, %sign3A_600 : i32
      %sign3A_602 = arith.extui %sign3A_601 : i1 to i32
      %sign3A_603 = arith.constant 0 : i32
      %sign3A_604 = arith.cmpi slt, %jit3A, %sign3A_603 : i32
      %sign3A_605 = arith.extui %sign3A_604 : i1 to i32
      %sign3A_606 = arith.subi %sign3A_602, %sign3A_605 : i32
      %ne3A = arith.cmpi ne, %sign3A_599, %sign3A_606 : i32
      %rem3A = arith.remsi %add3A_590, %jit3A : i32
      %ne3A_607 = arith.constant 0 : i32
      %ne3A_608 = arith.cmpi ne, %rem3A, %ne3A_607 : i32
      %and3A = arith.andi %ne3A, %ne3A_608 : i1
      %sub3A_609 = arith.constant 1 : i32
      %sub3A_610 = arith.subi %div3A_593, %sub3A_609 : i32
      %select_n3A = arith.select %and3A, %sub3A_610, %div3A_593 : i32
      %add3A_611 = arith.addi %mul3A_592, %select_n3A : i32
      %jit3A_612 = arith.constant 8 : i32
      %eq3A = arith.constant 0 : i32
      %eq3A_613 = arith.cmpi eq, %jit3A_612, %eq3A : i32
      %jit3A_614 = arith.constant 1 : i32
      %select_n3A_615 = arith.select %eq3A_613, %jit3A_614, %jit3A_612 : i32
      %rem3A_616 = arith.remsi %add3A_590, %select_n3A_615 : i32
      %ne3A_617 = arith.constant 0 : i32
      %ne3A_618 = arith.cmpi ne, %rem3A_616, %ne3A_617 : i32
      %lt3A = arith.constant 0 : i32
      %lt3A_619 = arith.cmpi slt, %rem3A_616, %lt3A : i32
      %lt3A_620 = arith.constant 0 : i32
      %lt3A_621 = arith.cmpi slt, %select_n3A_615, %lt3A_620 : i32
      %ne3A_622 = arith.xori %lt3A_619, %lt3A_621 : i1
      %and3A_623 = arith.andi %ne3A_622, %ne3A_618 : i1
      %add3A_624 = arith.addi %rem3A_616, %select_n3A_615 : i32
      %select_n3A_625 = arith.select %and3A_623, %add3A_624, %rem3A_616 : i32
      %mul3A_626 = arith.constant 32 : i32
      %mul3A_627 = arith.muli %select_n3A_625, %mul3A_626 : i32
      %dma_wait3A_628 = arith.constant 0 : i32
      %dma_wait3A_629 = arith.constant 0 : i32
      %dma_wait3A_630 = arith.constant 0 : i32
      %dma_wait3A_631 = arith.constant 0 : i32
      %dma_wait3A_632 = tpu.memref_slice %arg6[%dma_wait3A_629, %dma_wait3A_630, %dma_wait3A_631] : memref<2x32x256xf32, #tpu.memory_space<vmem>> -> memref<1x32x256xf32, #tpu.memory_space<vmem>>
      %dma_wait3A_633 = tpu.memref_squeeze %dma_wait3A_632 : memref<1x32x256xf32, #tpu.memory_space<vmem>> -> memref<32x256xf32, #tpu.memory_space<vmem>>
      %dma_wait3A_634 = arith.constant 0 : i32
      %dma_wait3A_635 = tpu.memref_slice %arg2[%arg0, %dma_wait3A_628, %add3A_611, %mul3A_627, %dma_wait3A_634] : memref<2x1x32x256x256xf32, #tpu.memory_space<hbm>> -> memref<1x1x1x32x256xf32, #tpu.memory_space<hbm>>
      %dma_wait3A_636 = tpu.memref_squeeze %dma_wait3A_635 : memref<1x1x1x32x256xf32, #tpu.memory_space<hbm>> -> memref<32x256xf32, #tpu.memory_space<hbm>>
      %dma_wait3A_637 = arith.constant 0 : i32
      %dma_wait3A_638 = arith.constant 0 : i32
      %dma_wait3A_639 = tpu.memref_slice %arg6[%dma_wait3A_629, %dma_wait3A_637, %dma_wait3A_638] : memref<2x32x256xf32, #tpu.memory_space<vmem>> -> memref<1x32x256xf32, #tpu.memory_space<vmem>>
      %dma_wait3A_640 = tpu.memref_squeeze %dma_wait3A_639 : memref<1x32x256xf32, #tpu.memory_space<vmem>> -> memref<32x256xf32, #tpu.memory_space<vmem>>
      %dma_wait3A_641 = arith.constant 0 : i32
      %dma_wait3A_642 = tpu.memref_slice %arg2[%arg0, %dma_wait3A_628, %add3A_611, %mul3A_627, %dma_wait3A_641] : memref<2x1x32x256x256xf32, #tpu.memory_space<hbm>> -> memref<1x1x1x32x256xf32, #tpu.memory_space<hbm>>
      %dma_wait3A_643 = tpu.memref_squeeze %dma_wait3A_642 : memref<1x1x1x32x256xf32, #tpu.memory_space<hbm>> -> memref<32x256xf32, #tpu.memory_space<hbm>>
      tpu.wait_dma2 semaphore(%arg8 : memref<!tpu.dma_semaphore, #tpu.memory_space<semaphore_mem>>) src(%dma_wait3A_643 : memref<32x256xf32, #tpu.memory_space<hbm>>) dst(%dma_wait3A_640 : memref<32x256xf32, #tpu.memory_space<vmem>>)
      %ge3A = arith.constant 2 : i32
      %ge3A_644 = arith.cmpi sge, %add3A_590, %ge3A : i32
      %convert_element_type3A = arith.extui %ge3A_644 : i1 to i32
      %cond3A = arith.constant 0 : i32
      %cond3A_645 = arith.cmpi ne, %convert_element_type3A, %cond3A : i32
      scf.if %cond3A_645 {
        %sub3A_1229 = arith.constant 2 : i32
        %sub3A_1230 = arith.subi %add3A_590, %sub3A_1229 : i32
        %mul3A_1231 = arith.constant 2 : i32
        %mul3A_1232 = arith.muli %mul3A_1231, %arg1 : i32
        %jit3A_1233 = arith.constant 8 : i32
        %div3A_1234 = arith.divsi %sub3A_1230, %jit3A_1233 : i32
        %sign3A_1235 = arith.constant 0 : i32
        %sign3A_1236 = arith.cmpi sgt, %sub3A_1230, %sign3A_1235 : i32
        %sign3A_1237 = arith.extui %sign3A_1236 : i1 to i32
        %sign3A_1238 = arith.constant 0 : i32
        %sign3A_1239 = arith.cmpi slt, %sub3A_1230, %sign3A_1238 : i32
        %sign3A_1240 = arith.extui %sign3A_1239 : i1 to i32
        %sign3A_1241 = arith.subi %sign3A_1237, %sign3A_1240 : i32
        %sign3A_1242 = arith.constant 0 : i32
        %sign3A_1243 = arith.cmpi sgt, %jit3A_1233, %sign3A_1242 : i32
        %sign3A_1244 = arith.extui %sign3A_1243 : i1 to i32
        %sign3A_1245 = arith.constant 0 : i32
        %sign3A_1246 = arith.cmpi slt, %jit3A_1233, %sign3A_1245 : i32
        %sign3A_1247 = arith.extui %sign3A_1246 : i1 to i32
        %sign3A_1248 = arith.subi %sign3A_1244, %sign3A_1247 : i32
        %ne3A_1249 = arith.cmpi ne, %sign3A_1241, %sign3A_1248 : i32
        %rem3A_1250 = arith.remsi %sub3A_1230, %jit3A_1233 : i32
        %ne3A_1251 = arith.constant 0 : i32
        %ne3A_1252 = arith.cmpi ne, %rem3A_1250, %ne3A_1251 : i32
        %and3A_1253 = arith.andi %ne3A_1249, %ne3A_1252 : i1
        %sub3A_1254 = arith.constant 1 : i32
        %sub3A_1255 = arith.subi %div3A_1234, %sub3A_1254 : i32
        %select_n3A_1256 = arith.select %and3A_1253, %sub3A_1255, %div3A_1234 : i32
        %add3A_1257 = arith.addi %mul3A_1232, %select_n3A_1256 : i32
        %jit3A_1258 = arith.constant 8 : i32
        %eq3A_1259 = arith.constant 0 : i32
        %eq3A_1260 = arith.cmpi eq, %jit3A_1258, %eq3A_1259 : i32
        %jit3A_1261 = arith.constant 1 : i32
        %select_n3A_1262 = arith.select %eq3A_1260, %jit3A_1261, %jit3A_1258 : i32
        %rem3A_1263 = arith.remsi %sub3A_1230, %select_n3A_1262 : i32
        %ne3A_1264 = arith.constant 0 : i32
        %ne3A_1265 = arith.cmpi ne, %rem3A_1263, %ne3A_1264 : i32
        %lt3A_1266 = arith.constant 0 : i32
        %lt3A_1267 = arith.cmpi slt, %rem3A_1263, %lt3A_1266 : i32
        %lt3A_1268 = arith.constant 0 : i32
        %lt3A_1269 = arith.cmpi slt, %select_n3A_1262, %lt3A_1268 : i32
        %ne3A_1270 = arith.xori %lt3A_1267, %lt3A_1269 : i1
        %and3A_1271 = arith.andi %ne3A_1270, %ne3A_1265 : i1
        %add3A_1272 = arith.addi %rem3A_1263, %select_n3A_1262 : i32
        %select_n3A_1273 = arith.select %and3A_1271, %add3A_1272, %rem3A_1263 : i32
        %mul3A_1274 = arith.constant 32 : i32
        %mul3A_1275 = arith.muli %select_n3A_1273, %mul3A_1274 : i32
        %dma_wait3A_1276 = arith.constant 0 : i32
        %dma_wait3A_1277 = arith.constant 0 : i32
        %dma_wait3A_1278 = arith.constant 0 : i32
        %dma_wait3A_1279 = arith.constant 0 : i32
        %dma_wait3A_1280 = arith.constant 0 : i32
        %dma_wait3A_1281 = tpu.memref_slice %arg7[%dma_wait3A_1276, %dma_wait3A_1277, %dma_wait3A_1279, %dma_wait3A_1280] : memref<2x4x32x256xf32, #tpu.memory_space<vmem>> -> memref<1x1x32x256xf32, #tpu.memory_space<vmem>>
        %dma_wait3A_1282 = tpu.memref_squeeze %dma_wait3A_1281 : memref<1x1x32x256xf32, #tpu.memory_space<vmem>> -> memref<32x256xf32, #tpu.memory_space<vmem>>
        %dma_wait3A_1283 = arith.constant 0 : i32
        %dma_wait3A_1284 = tpu.memref_slice %arg4[%arg0, %dma_wait3A_1278, %add3A_1257, %mul3A_1275, %dma_wait3A_1283] : memref<2x4x32x256x256xf32, #tpu.memory_space<hbm>> -> memref<1x1x1x32x256xf32, #tpu.memory_space<hbm>>
        %dma_wait3A_1285 = tpu.memref_squeeze %dma_wait3A_1284 : memref<1x1x1x32x256xf32, #tpu.memory_space<hbm>> -> memref<32x256xf32, #tpu.memory_space<hbm>>
        %dma_wait3A_1286 = arith.constant 0 : i32
        %dma_wait3A_1287 = tpu.memref_slice %arg4[%arg0, %dma_wait3A_1278, %add3A_1257, %mul3A_1275, %dma_wait3A_1286] : memref<2x4x32x256x256xf32, #tpu.memory_space<hbm>> -> memref<1x1x1x32x256xf32, #tpu.memory_space<hbm>>
        %dma_wait3A_1288 = tpu.memref_squeeze %dma_wait3A_1287 : memref<1x1x1x32x256xf32, #tpu.memory_space<hbm>> -> memref<32x256xf32, #tpu.memory_space<hbm>>
        %dma_wait3A_1289 = arith.constant 0 : i32
        %dma_wait3A_1290 = arith.constant 0 : i32
        %dma_wait3A_1291 = tpu.memref_slice %arg7[%dma_wait3A_1276, %dma_wait3A_1277, %dma_wait3A_1289, %dma_wait3A_1290] : memref<2x4x32x256xf32, #tpu.memory_space<vmem>> -> memref<1x1x32x256xf32, #tpu.memory_space<vmem>>
        %dma_wait3A_1292 = tpu.memref_squeeze %dma_wait3A_1291 : memref<1x1x32x256xf32, #tpu.memory_space<vmem>> -> memref<32x256xf32, #tpu.memory_space<vmem>>
        tpu.wait_dma2 semaphore(%arg10 : memref<!tpu.dma_semaphore, #tpu.memory_space<semaphore_mem>>) src(%dma_wait3A_1292 : memref<32x256xf32, #tpu.memory_space<vmem>>) dst(%dma_wait3A_1288 : memref<32x256xf32, #tpu.memory_space<hbm>>)
        %sub3A_1293 = arith.constant 2 : i32
        %sub3A_1294 = arith.subi %add3A_590, %sub3A_1293 : i32
        %mul3A_1295 = arith.constant 2 : i32
        %mul3A_1296 = arith.muli %mul3A_1295, %arg1 : i32
        %jit3A_1297 = arith.constant 8 : i32
        %div3A_1298 = arith.divsi %sub3A_1294, %jit3A_1297 : i32
        %sign3A_1299 = arith.constant 0 : i32
        %sign3A_1300 = arith.cmpi sgt, %sub3A_1294, %sign3A_1299 : i32
        %sign3A_1301 = arith.extui %sign3A_1300 : i1 to i32
        %sign3A_1302 = arith.constant 0 : i32
        %sign3A_1303 = arith.cmpi slt, %sub3A_1294, %sign3A_1302 : i32
        %sign3A_1304 = arith.extui %sign3A_1303 : i1 to i32
        %sign3A_1305 = arith.subi %sign3A_1301, %sign3A_1304 : i32
        %sign3A_1306 = arith.constant 0 : i32
        %sign3A_1307 = arith.cmpi sgt, %jit3A_1297, %sign3A_1306 : i32
        %sign3A_1308 = arith.extui %sign3A_1307 : i1 to i32
        %sign3A_1309 = arith.constant 0 : i32
        %sign3A_1310 = arith.cmpi slt, %jit3A_1297, %sign3A_1309 : i32
        %sign3A_1311 = arith.extui %sign3A_1310 : i1 to i32
        %sign3A_1312 = arith.subi %sign3A_1308, %sign3A_1311 : i32
        %ne3A_1313 = arith.cmpi ne, %sign3A_1305, %sign3A_1312 : i32
        %rem3A_1314 = arith.remsi %sub3A_1294, %jit3A_1297 : i32
        %ne3A_1315 = arith.constant 0 : i32
        %ne3A_1316 = arith.cmpi ne, %rem3A_1314, %ne3A_1315 : i32
        %and3A_1317 = arith.andi %ne3A_1313, %ne3A_1316 : i1
        %sub3A_1318 = arith.constant 1 : i32
        %sub3A_1319 = arith.subi %div3A_1298, %sub3A_1318 : i32
        %select_n3A_1320 = arith.select %and3A_1317, %sub3A_1319, %div3A_1298 : i32
        %add3A_1321 = arith.addi %mul3A_1296, %select_n3A_1320 : i32
        %jit3A_1322 = arith.constant 8 : i32
        %eq3A_1323 = arith.constant 0 : i32
        %eq3A_1324 = arith.cmpi eq, %jit3A_1322, %eq3A_1323 : i32
        %jit3A_1325 = arith.constant 1 : i32
        %select_n3A_1326 = arith.select %eq3A_1324, %jit3A_1325, %jit3A_1322 : i32
        %rem3A_1327 = arith.remsi %sub3A_1294, %select_n3A_1326 : i32
        %ne3A_1328 = arith.constant 0 : i32
        %ne3A_1329 = arith.cmpi ne, %rem3A_1327, %ne3A_1328 : i32
        %lt3A_1330 = arith.constant 0 : i32
        %lt3A_1331 = arith.cmpi slt, %rem3A_1327, %lt3A_1330 : i32
        %lt3A_1332 = arith.constant 0 : i32
        %lt3A_1333 = arith.cmpi slt, %select_n3A_1326, %lt3A_1332 : i32
        %ne3A_1334 = arith.xori %lt3A_1331, %lt3A_1333 : i1
        %and3A_1335 = arith.andi %ne3A_1334, %ne3A_1329 : i1
        %add3A_1336 = arith.addi %rem3A_1327, %select_n3A_1326 : i32
        %select_n3A_1337 = arith.select %and3A_1335, %add3A_1336, %rem3A_1327 : i32
        %mul3A_1338 = arith.constant 32 : i32
        %mul3A_1339 = arith.muli %select_n3A_1337, %mul3A_1338 : i32
        %dma_wait3A_1340 = arith.constant 0 : i32
        %dma_wait3A_1341 = arith.constant 1 : i32
        %dma_wait3A_1342 = arith.constant 1 : i32
        %dma_wait3A_1343 = arith.constant 0 : i32
        %dma_wait3A_1344 = arith.constant 0 : i32
        %dma_wait3A_1345 = tpu.memref_slice %arg7[%dma_wait3A_1340, %dma_wait3A_1341, %dma_wait3A_1343, %dma_wait3A_1344] : memref<2x4x32x256xf32, #tpu.memory_space<vmem>> -> memref<1x1x32x256xf32, #tpu.memory_space<vmem>>
        %dma_wait3A_1346 = tpu.memref_squeeze %dma_wait3A_1345 : memref<1x1x32x256xf32, #tpu.memory_space<vmem>> -> memref<32x256xf32, #tpu.memory_space<vmem>>
        %dma_wait3A_1347 = arith.constant 0 : i32
        %dma_wait3A_1348 = tpu.memref_slice %arg4[%arg0, %dma_wait3A_1342, %add3A_1321, %mul3A_1339, %dma_wait3A_1347] : memref<2x4x32x256x256xf32, #tpu.memory_space<hbm>> -> memref<1x1x1x32x256xf32, #tpu.memory_space<hbm>>
        %dma_wait3A_1349 = tpu.memref_squeeze %dma_wait3A_1348 : memref<1x1x1x32x256xf32, #tpu.memory_space<hbm>> -> memref<32x256xf32, #tpu.memory_space<hbm>>
        %dma_wait3A_1350 = arith.constant 0 : i32
        %dma_wait3A_1351 = tpu.memref_slice %arg4[%arg0, %dma_wait3A_1342, %add3A_1321, %mul3A_1339, %dma_wait3A_1350] : memref<2x4x32x256x256xf32, #tpu.memory_space<hbm>> -> memref<1x1x1x32x256xf32, #tpu.memory_space<hbm>>
        %dma_wait3A_1352 = tpu.memref_squeeze %dma_wait3A_1351 : memref<1x1x1x32x256xf32, #tpu.memory_space<hbm>> -> memref<32x256xf32, #tpu.memory_space<hbm>>
        %dma_wait3A_1353 = arith.constant 0 : i32
        %dma_wait3A_1354 = arith.constant 0 : i32
        %dma_wait3A_1355 = tpu.memref_slice %arg7[%dma_wait3A_1340, %dma_wait3A_1341, %dma_wait3A_1353, %dma_wait3A_1354] : memref<2x4x32x256xf32, #tpu.memory_space<vmem>> -> memref<1x1x32x256xf32, #tpu.memory_space<vmem>>
        %dma_wait3A_1356 = tpu.memref_squeeze %dma_wait3A_1355 : memref<1x1x32x256xf32, #tpu.memory_space<vmem>> -> memref<32x256xf32, #tpu.memory_space<vmem>>
        tpu.wait_dma2 semaphore(%arg10 : memref<!tpu.dma_semaphore, #tpu.memory_space<semaphore_mem>>) src(%dma_wait3A_1356 : memref<32x256xf32, #tpu.memory_space<vmem>>) dst(%dma_wait3A_1352 : memref<32x256xf32, #tpu.memory_space<hbm>>)
        %sub3A_1357 = arith.constant 2 : i32
        %sub3A_1358 = arith.subi %add3A_590, %sub3A_1357 : i32
        %mul3A_1359 = arith.constant 2 : i32
        %mul3A_1360 = arith.muli %mul3A_1359, %arg1 : i32
        %jit3A_1361 = arith.constant 8 : i32
        %div3A_1362 = arith.divsi %sub3A_1358, %jit3A_1361 : i32
        %sign3A_1363 = arith.constant 0 : i32
        %sign3A_1364 = arith.cmpi sgt, %sub3A_1358, %sign3A_1363 : i32
        %sign3A_1365 = arith.extui %sign3A_1364 : i1 to i32
        %sign3A_1366 = arith.constant 0 : i32
        %sign3A_1367 = arith.cmpi slt, %sub3A_1358, %sign3A_1366 : i32
        %sign3A_1368 = arith.extui %sign3A_1367 : i1 to i32
        %sign3A_1369 = arith.subi %sign3A_1365, %sign3A_1368 : i32
        %sign3A_1370 = arith.constant 0 : i32
        %sign3A_1371 = arith.cmpi sgt, %jit3A_1361, %sign3A_1370 : i32
        %sign3A_1372 = arith.extui %sign3A_1371 : i1 to i32
        %sign3A_1373 = arith.constant 0 : i32
        %sign3A_1374 = arith.cmpi slt, %jit3A_1361, %sign3A_1373 : i32
        %sign3A_1375 = arith.extui %sign3A_1374 : i1 to i32
        %sign3A_1376 = arith.subi %sign3A_1372, %sign3A_1375 : i32
        %ne3A_1377 = arith.cmpi ne, %sign3A_1369, %sign3A_1376 : i32
        %rem3A_1378 = arith.remsi %sub3A_1358, %jit3A_1361 : i32
        %ne3A_1379 = arith.constant 0 : i32
        %ne3A_1380 = arith.cmpi ne, %rem3A_1378, %ne3A_1379 : i32
        %and3A_1381 = arith.andi %ne3A_1377, %ne3A_1380 : i1
        %sub3A_1382 = arith.constant 1 : i32
        %sub3A_1383 = arith.subi %div3A_1362, %sub3A_1382 : i32
        %select_n3A_1384 = arith.select %and3A_1381, %sub3A_1383, %div3A_1362 : i32
        %add3A_1385 = arith.addi %mul3A_1360, %select_n3A_1384 : i32
        %jit3A_1386 = arith.constant 8 : i32
        %eq3A_1387 = arith.constant 0 : i32
        %eq3A_1388 = arith.cmpi eq, %jit3A_1386, %eq3A_1387 : i32
        %jit3A_1389 = arith.constant 1 : i32
        %select_n3A_1390 = arith.select %eq3A_1388, %jit3A_1389, %jit3A_1386 : i32
        %rem3A_1391 = arith.remsi %sub3A_1358, %select_n3A_1390 : i32
        %ne3A_1392 = arith.constant 0 : i32
        %ne3A_1393 = arith.cmpi ne, %rem3A_1391, %ne3A_1392 : i32
        %lt3A_1394 = arith.constant 0 : i32
        %lt3A_1395 = arith.cmpi slt, %rem3A_1391, %lt3A_1394 : i32
        %lt3A_1396 = arith.constant 0 : i32
        %lt3A_1397 = arith.cmpi slt, %select_n3A_1390, %lt3A_1396 : i32
        %ne3A_1398 = arith.xori %lt3A_1395, %lt3A_1397 : i1
        %and3A_1399 = arith.andi %ne3A_1398, %ne3A_1393 : i1
        %add3A_1400 = arith.addi %rem3A_1391, %select_n3A_1390 : i32
        %select_n3A_1401 = arith.select %and3A_1399, %add3A_1400, %rem3A_1391 : i32
        %mul3A_1402 = arith.constant 32 : i32
        %mul3A_1403 = arith.muli %select_n3A_1401, %mul3A_1402 : i32
        %dma_wait3A_1404 = arith.constant 0 : i32
        %dma_wait3A_1405 = arith.constant 2 : i32
        %dma_wait3A_1406 = arith.constant 2 : i32
        %dma_wait3A_1407 = arith.constant 0 : i32
        %dma_wait3A_1408 = arith.constant 0 : i32
        %dma_wait3A_1409 = tpu.memref_slice %arg7[%dma_wait3A_1404, %dma_wait3A_1405, %dma_wait3A_1407, %dma_wait3A_1408] : memref<2x4x32x256xf32, #tpu.memory_space<vmem>> -> memref<1x1x32x256xf32, #tpu.memory_space<vmem>>
        %dma_wait3A_1410 = tpu.memref_squeeze %dma_wait3A_1409 : memref<1x1x32x256xf32, #tpu.memory_space<vmem>> -> memref<32x256xf32, #tpu.memory_space<vmem>>
        %dma_wait3A_1411 = arith.constant 0 : i32
        %dma_wait3A_1412 = tpu.memref_slice %arg4[%arg0, %dma_wait3A_1406, %add3A_1385, %mul3A_1403, %dma_wait3A_1411] : memref<2x4x32x256x256xf32, #tpu.memory_space<hbm>> -> memref<1x1x1x32x256xf32, #tpu.memory_space<hbm>>
        %dma_wait3A_1413 = tpu.memref_squeeze %dma_wait3A_1412 : memref<1x1x1x32x256xf32, #tpu.memory_space<hbm>> -> memref<32x256xf32, #tpu.memory_space<hbm>>
        %dma_wait3A_1414 = arith.constant 0 : i32
        %dma_wait3A_1415 = tpu.memref_slice %arg4[%arg0, %dma_wait3A_1406, %add3A_1385, %mul3A_1403, %dma_wait3A_1414] : memref<2x4x32x256x256xf32, #tpu.memory_space<hbm>> -> memref<1x1x1x32x256xf32, #tpu.memory_space<hbm>>
        %dma_wait3A_1416 = tpu.memref_squeeze %dma_wait3A_1415 : memref<1x1x1x32x256xf32, #tpu.memory_space<hbm>> -> memref<32x256xf32, #tpu.memory_space<hbm>>
        %dma_wait3A_1417 = arith.constant 0 : i32
        %dma_wait3A_1418 = arith.constant 0 : i32
        %dma_wait3A_1419 = tpu.memref_slice %arg7[%dma_wait3A_1404, %dma_wait3A_1405, %dma_wait3A_1417, %dma_wait3A_1418] : memref<2x4x32x256xf32, #tpu.memory_space<vmem>> -> memref<1x1x32x256xf32, #tpu.memory_space<vmem>>
        %dma_wait3A_1420 = tpu.memref_squeeze %dma_wait3A_1419 : memref<1x1x32x256xf32, #tpu.memory_space<vmem>> -> memref<32x256xf32, #tpu.memory_space<vmem>>
        tpu.wait_dma2 semaphore(%arg10 : memref<!tpu.dma_semaphore, #tpu.memory_space<semaphore_mem>>) src(%dma_wait3A_1420 : memref<32x256xf32, #tpu.memory_space<vmem>>) dst(%dma_wait3A_1416 : memref<32x256xf32, #tpu.memory_space<hbm>>)
        %sub3A_1421 = arith.constant 2 : i32
        %sub3A_1422 = arith.subi %add3A_590, %sub3A_1421 : i32
        %mul3A_1423 = arith.constant 2 : i32
        %mul3A_1424 = arith.muli %mul3A_1423, %arg1 : i32
        %jit3A_1425 = arith.constant 8 : i32
        %div3A_1426 = arith.divsi %sub3A_1422, %jit3A_1425 : i32
        %sign3A_1427 = arith.constant 0 : i32
        %sign3A_1428 = arith.cmpi sgt, %sub3A_1422, %sign3A_1427 : i32
        %sign3A_1429 = arith.extui %sign3A_1428 : i1 to i32
        %sign3A_1430 = arith.constant 0 : i32
        %sign3A_1431 = arith.cmpi slt, %sub3A_1422, %sign3A_1430 : i32
        %sign3A_1432 = arith.extui %sign3A_1431 : i1 to i32
        %sign3A_1433 = arith.subi %sign3A_1429, %sign3A_1432 : i32
        %sign3A_1434 = arith.constant 0 : i32
        %sign3A_1435 = arith.cmpi sgt, %jit3A_1425, %sign3A_1434 : i32
        %sign3A_1436 = arith.extui %sign3A_1435 : i1 to i32
        %sign3A_1437 = arith.constant 0 : i32
        %sign3A_1438 = arith.cmpi slt, %jit3A_1425, %sign3A_1437 : i32
        %sign3A_1439 = arith.extui %sign3A_1438 : i1 to i32
        %sign3A_1440 = arith.subi %sign3A_1436, %sign3A_1439 : i32
        %ne3A_1441 = arith.cmpi ne, %sign3A_1433, %sign3A_1440 : i32
        %rem3A_1442 = arith.remsi %sub3A_1422, %jit3A_1425 : i32
        %ne3A_1443 = arith.constant 0 : i32
        %ne3A_1444 = arith.cmpi ne, %rem3A_1442, %ne3A_1443 : i32
        %and3A_1445 = arith.andi %ne3A_1441, %ne3A_1444 : i1
        %sub3A_1446 = arith.constant 1 : i32
        %sub3A_1447 = arith.subi %div3A_1426, %sub3A_1446 : i32
        %select_n3A_1448 = arith.select %and3A_1445, %sub3A_1447, %div3A_1426 : i32
        %add3A_1449 = arith.addi %mul3A_1424, %select_n3A_1448 : i32
        %jit3A_1450 = arith.constant 8 : i32
        %eq3A_1451 = arith.constant 0 : i32
        %eq3A_1452 = arith.cmpi eq, %jit3A_1450, %eq3A_1451 : i32
        %jit3A_1453 = arith.constant 1 : i32
        %select_n3A_1454 = arith.select %eq3A_1452, %jit3A_1453, %jit3A_1450 : i32
        %rem3A_1455 = arith.remsi %sub3A_1422, %select_n3A_1454 : i32
        %ne3A_1456 = arith.constant 0 : i32
        %ne3A_1457 = arith.cmpi ne, %rem3A_1455, %ne3A_1456 : i32
        %lt3A_1458 = arith.constant 0 : i32
        %lt3A_1459 = arith.cmpi slt, %rem3A_1455, %lt3A_1458 : i32
        %lt3A_1460 = arith.constant 0 : i32
        %lt3A_1461 = arith.cmpi slt, %select_n3A_1454, %lt3A_1460 : i32
        %ne3A_1462 = arith.xori %lt3A_1459, %lt3A_1461 : i1
        %and3A_1463 = arith.andi %ne3A_1462, %ne3A_1457 : i1
        %add3A_1464 = arith.addi %rem3A_1455, %select_n3A_1454 : i32
        %select_n3A_1465 = arith.select %and3A_1463, %add3A_1464, %rem3A_1455 : i32
        %mul3A_1466 = arith.constant 32 : i32
        %mul3A_1467 = arith.muli %select_n3A_1465, %mul3A_1466 : i32
        %dma_wait3A_1468 = arith.constant 0 : i32
        %dma_wait3A_1469 = arith.constant 3 : i32
        %dma_wait3A_1470 = arith.constant 3 : i32
        %dma_wait3A_1471 = arith.constant 0 : i32
        %dma_wait3A_1472 = arith.constant 0 : i32
        %dma_wait3A_1473 = tpu.memref_slice %arg7[%dma_wait3A_1468, %dma_wait3A_1469, %dma_wait3A_1471, %dma_wait3A_1472] : memref<2x4x32x256xf32, #tpu.memory_space<vmem>> -> memref<1x1x32x256xf32, #tpu.memory_space<vmem>>
        %dma_wait3A_1474 = tpu.memref_squeeze %dma_wait3A_1473 : memref<1x1x32x256xf32, #tpu.memory_space<vmem>> -> memref<32x256xf32, #tpu.memory_space<vmem>>
        %dma_wait3A_1475 = arith.constant 0 : i32
        %dma_wait3A_1476 = tpu.memref_slice %arg4[%arg0, %dma_wait3A_1470, %add3A_1449, %mul3A_1467, %dma_wait3A_1475] : memref<2x4x32x256x256xf32, #tpu.memory_space<hbm>> -> memref<1x1x1x32x256xf32, #tpu.memory_space<hbm>>
        %dma_wait3A_1477 = tpu.memref_squeeze %dma_wait3A_1476 : memref<1x1x1x32x256xf32, #tpu.memory_space<hbm>> -> memref<32x256xf32, #tpu.memory_space<hbm>>
        %dma_wait3A_1478 = arith.constant 0 : i32
        %dma_wait3A_1479 = tpu.memref_slice %arg4[%arg0, %dma_wait3A_1470, %add3A_1449, %mul3A_1467, %dma_wait3A_1478] : memref<2x4x32x256x256xf32, #tpu.memory_space<hbm>> -> memref<1x1x1x32x256xf32, #tpu.memory_space<hbm>>
        %dma_wait3A_1480 = tpu.memref_squeeze %dma_wait3A_1479 : memref<1x1x1x32x256xf32, #tpu.memory_space<hbm>> -> memref<32x256xf32, #tpu.memory_space<hbm>>
        %dma_wait3A_1481 = arith.constant 0 : i32
        %dma_wait3A_1482 = arith.constant 0 : i32
        %dma_wait3A_1483 = tpu.memref_slice %arg7[%dma_wait3A_1468, %dma_wait3A_1469, %dma_wait3A_1481, %dma_wait3A_1482] : memref<2x4x32x256xf32, #tpu.memory_space<vmem>> -> memref<1x1x32x256xf32, #tpu.memory_space<vmem>>
        %dma_wait3A_1484 = tpu.memref_squeeze %dma_wait3A_1483 : memref<1x1x32x256xf32, #tpu.memory_space<vmem>> -> memref<32x256xf32, #tpu.memory_space<vmem>>
        tpu.wait_dma2 semaphore(%arg10 : memref<!tpu.dma_semaphore, #tpu.memory_space<semaphore_mem>>) src(%dma_wait3A_1484 : memref<32x256xf32, #tpu.memory_space<vmem>>) dst(%dma_wait3A_1480 : memref<32x256xf32, #tpu.memory_space<hbm>>)
      } else {
      }
      %parallel_loop3A = arith.constant 0 : i32
      %parallel_loop3A_646 = arith.constant 512 : i32
      %parallel_loop3A_647 = arith.constant 1 : i32
      scf.for %parallel_loop3A_1229 = %parallel_loop3A to %parallel_loop3A_646 step %parallel_loop3A_647  : i32 {
        %parallel_loop3A_1230 = arith.constant 4 : i32
        %parallel_loop3A_1231 = arith.shrsi %parallel_loop3A_1229, %parallel_loop3A_1230 : i32
        %parallel_loop3A_1232 = arith.constant 15 : i32
        %parallel_loop3A_1233 = arith.andi %parallel_loop3A_1229, %parallel_loop3A_1232 : i32
        %parallel_loop3A_1234 = arith.constant 16 : i32
        %parallel_loop3A_1235 = arith.muli %parallel_loop3A_1233, %parallel_loop3A_1234 : i32
        %parallel_loop3A_1236 = arith.constant 0 : i32
        %parallel_loop3A_1237 = arith.index_cast %parallel_loop3A_1236 : i32 to index
        %parallel_loop3A_1238 = arith.index_cast %parallel_loop3A_1231 : i32 to index
        %parallel_loop3A_1239 = arith.index_cast %parallel_loop3A_1235 : i32 to index
        %parallel_loop3A_1240 = tpu.vector_load %arg6[%parallel_loop3A_1237, %parallel_loop3A_1238, %parallel_loop3A_1239] {strides = array<i32>} : memref<2x32x256xf32, #tpu.memory_space<vmem>>, vector<1x1x16xf32>,
        %parallel_loop3A_1241 = vector.shape_cast %parallel_loop3A_1240 : vector<1x1x16xf32> to vector<16xf32>
        %parallel_loop3A_1242 = arith.cmpf oge, %parallel_loop3A_1241, %add3A_77 : vector<16xf32>
        %parallel_loop3A_1243 = arith.mulf %parallel_loop3A_1241, %div3A : vector<16xf32>
        %parallel_loop3A_1244 = arith.cmpf oge, %parallel_loop3A_1241, %add3A_80 : vector<16xf32>
        %parallel_loop3A_1245 = arith.select %parallel_loop3A_1242, %parallel_loop3A_1243, %broadcast_in_dim3A_354 : vector<16xi1>, vector<16xf32>
        %parallel_loop3A_1246 = arith.select %parallel_loop3A_1244, %add3A_83, %parallel_loop3A_1245 : vector<16xi1>, vector<16xf32>
        %parallel_loop3A_1247 = arith.constant 0 : i32
        %parallel_loop3A_1248 = arith.constant 0 : i32
        %parallel_loop3A_1249 = arith.index_cast %parallel_loop3A_1247 : i32 to index
        %parallel_loop3A_1250 = arith.index_cast %parallel_loop3A_1248 : i32 to index
        %parallel_loop3A_1251 = arith.index_cast %parallel_loop3A_1231 : i32 to index
        %parallel_loop3A_1252 = arith.index_cast %parallel_loop3A_1235 : i32 to index
        %parallel_loop3A_1253 = tpu.vector_load %arg7[%parallel_loop3A_1249, %parallel_loop3A_1250, %parallel_loop3A_1251, %parallel_loop3A_1252] {strides = array<i32>} : memref<2x4x32x256xf32, #tpu.memory_space<vmem>>, vector<1x1x1x16xf32>,
        %parallel_loop3A_1254 = vector.shape_cast %parallel_loop3A_1253 : vector<1x1x1x16xf32> to vector<16xf32>
        %parallel_loop3A_1255 = vector.shape_cast %parallel_loop3A_1246 : vector<16xf32> to vector<1x1x1x16xf32>
        tpu.vector_store %arg7[%parallel_loop3A_1249, %parallel_loop3A_1250, %parallel_loop3A_1251, %parallel_loop3A_1252], %parallel_loop3A_1255 {strides = array<i32>} : memref<2x4x32x256xf32, #tpu.memory_space<vmem>>, vector<1x1x1x16xf32>,
        %parallel_loop3A_1256 = arith.mulf %parallel_loop3A_1241, %div3A_162 : vector<16xf32>
        %parallel_loop3A_1257 = arith.cmpf oge, %parallel_loop3A_1241, %add3A_170 : vector<16xf32>
        %parallel_loop3A_1258 = arith.select %parallel_loop3A_1242, %parallel_loop3A_1256, %broadcast_in_dim3A_354 : vector<16xi1>, vector<16xf32>
        %parallel_loop3A_1259 = arith.select %parallel_loop3A_1257, %add3A_173, %parallel_loop3A_1258 : vector<16xi1>, vector<16xf32>
        %parallel_loop3A_1260 = arith.constant 0 : i32
        %parallel_loop3A_1261 = arith.constant 1 : i32
        %parallel_loop3A_1262 = arith.index_cast %parallel_loop3A_1260 : i32 to index
        %parallel_loop3A_1263 = arith.index_cast %parallel_loop3A_1261 : i32 to index
        %parallel_loop3A_1264 = arith.index_cast %parallel_loop3A_1231 : i32 to index
        %parallel_loop3A_1265 = arith.index_cast %parallel_loop3A_1235 : i32 to index
        %parallel_loop3A_1266 = tpu.vector_load %arg7[%parallel_loop3A_1262, %parallel_loop3A_1263, %parallel_loop3A_1264, %parallel_loop3A_1265] {strides = array<i32>} : memref<2x4x32x256xf32, #tpu.memory_space<vmem>>, vector<1x1x1x16xf32>,
        %parallel_loop3A_1267 = vector.shape_cast %parallel_loop3A_1266 : vector<1x1x1x16xf32> to vector<16xf32>
        %parallel_loop3A_1268 = vector.shape_cast %parallel_loop3A_1259 : vector<16xf32> to vector<1x1x1x16xf32>
        tpu.vector_store %arg7[%parallel_loop3A_1262, %parallel_loop3A_1263, %parallel_loop3A_1264, %parallel_loop3A_1265], %parallel_loop3A_1268 {strides = array<i32>} : memref<2x4x32x256xf32, #tpu.memory_space<vmem>>, vector<1x1x1x16xf32>,
        %parallel_loop3A_1269 = arith.mulf %parallel_loop3A_1241, %div3A_252 : vector<16xf32>
        %parallel_loop3A_1270 = arith.cmpf oge, %parallel_loop3A_1241, %add3A_260 : vector<16xf32>
        %parallel_loop3A_1271 = arith.select %parallel_loop3A_1242, %parallel_loop3A_1269, %broadcast_in_dim3A_354 : vector<16xi1>, vector<16xf32>
        %parallel_loop3A_1272 = arith.select %parallel_loop3A_1270, %add3A_263, %parallel_loop3A_1271 : vector<16xi1>, vector<16xf32>
        %parallel_loop3A_1273 = arith.constant 0 : i32
        %parallel_loop3A_1274 = arith.constant 2 : i32
        %parallel_loop3A_1275 = arith.index_cast %parallel_loop3A_1273 : i32 to index
        %parallel_loop3A_1276 = arith.index_cast %parallel_loop3A_1274 : i32 to index
        %parallel_loop3A_1277 = arith.index_cast %parallel_loop3A_1231 : i32 to index
        %parallel_loop3A_1278 = arith.index_cast %parallel_loop3A_1235 : i32 to index
        %parallel_loop3A_1279 = tpu.vector_load %arg7[%parallel_loop3A_1275, %parallel_loop3A_1276, %parallel_loop3A_1277, %parallel_loop3A_1278] {strides = array<i32>} : memref<2x4x32x256xf32, #tpu.memory_space<vmem>>, vector<1x1x1x16xf32>,
        %parallel_loop3A_1280 = vector.shape_cast %parallel_loop3A_1279 : vector<1x1x1x16xf32> to vector<16xf32>
        %parallel_loop3A_1281 = vector.shape_cast %parallel_loop3A_1272 : vector<16xf32> to vector<1x1x1x16xf32>
        tpu.vector_store %arg7[%parallel_loop3A_1275, %parallel_loop3A_1276, %parallel_loop3A_1277, %parallel_loop3A_1278], %parallel_loop3A_1281 {strides = array<i32>} : memref<2x4x32x256xf32, #tpu.memory_space<vmem>>, vector<1x1x1x16xf32>,
        %parallel_loop3A_1282 = arith.mulf %parallel_loop3A_1241, %div3A_342 : vector<16xf32>
        %parallel_loop3A_1283 = arith.addf %parallel_loop3A_1282, %sub3A_344 : vector<16xf32>
        %parallel_loop3A_1284 = arith.cmpf oge, %parallel_loop3A_1241, %add3A_347 : vector<16xf32>
        %parallel_loop3A_1285 = arith.cmpf oge, %parallel_loop3A_1241, %add3A_350 : vector<16xf32>
        %parallel_loop3A_1286 = arith.select %parallel_loop3A_1284, %parallel_loop3A_1283, %broadcast_in_dim3A_354 : vector<16xi1>, vector<16xf32>
        %parallel_loop3A_1287 = arith.select %parallel_loop3A_1285, %add3A_353, %parallel_loop3A_1286 : vector<16xi1>, vector<16xf32>
        %parallel_loop3A_1288 = arith.constant 0 : i32
        %parallel_loop3A_1289 = arith.constant 3 : i32
        %parallel_loop3A_1290 = arith.index_cast %parallel_loop3A_1288 : i32 to index
        %parallel_loop3A_1291 = arith.index_cast %parallel_loop3A_1289 : i32 to index
        %parallel_loop3A_1292 = arith.index_cast %parallel_loop3A_1231 : i32 to index
        %parallel_loop3A_1293 = arith.index_cast %parallel_loop3A_1235 : i32 to index
        %parallel_loop3A_1294 = tpu.vector_load %arg7[%parallel_loop3A_1290, %parallel_loop3A_1291, %parallel_loop3A_1292, %parallel_loop3A_1293] {strides = array<i32>} : memref<2x4x32x256xf32, #tpu.memory_space<vmem>>, vector<1x1x1x16xf32>,
        %parallel_loop3A_1295 = vector.shape_cast %parallel_loop3A_1294 : vector<1x1x1x16xf32> to vector<16xf32>
        %parallel_loop3A_1296 = vector.shape_cast %parallel_loop3A_1287 : vector<16xf32> to vector<1x1x1x16xf32>
        tpu.vector_store %arg7[%parallel_loop3A_1290, %parallel_loop3A_1291, %parallel_loop3A_1292, %parallel_loop3A_1293], %parallel_loop3A_1296 {strides = array<i32>} : memref<2x4x32x256xf32, #tpu.memory_space<vmem>>, vector<1x1x1x16xf32>,
      } {sc.loop_unroll_factor = 4 : i64, sc.parallel_access}
      %mul3A_648 = arith.constant 2 : i32
      %mul3A_649 = arith.muli %mul3A_648, %arg1 : i32
      %jit3A_650 = arith.constant 8 : i32
      %div3A_651 = arith.divsi %add3A_590, %jit3A_650 : i32
      %sign3A_652 = arith.constant 0 : i32
      %sign3A_653 = arith.cmpi sgt, %add3A_590, %sign3A_652 : i32
      %sign3A_654 = arith.extui %sign3A_653 : i1 to i32
      %sign3A_655 = arith.constant 0 : i32
      %sign3A_656 = arith.cmpi slt, %add3A_590, %sign3A_655 : i32
      %sign3A_657 = arith.extui %sign3A_656 : i1 to i32
      %sign3A_658 = arith.subi %sign3A_654, %sign3A_657 : i32
      %sign3A_659 = arith.constant 0 : i32
      %sign3A_660 = arith.cmpi sgt, %jit3A_650, %sign3A_659 : i32
      %sign3A_661 = arith.extui %sign3A_660 : i1 to i32
      %sign3A_662 = arith.constant 0 : i32
      %sign3A_663 = arith.cmpi slt, %jit3A_650, %sign3A_662 : i32
      %sign3A_664 = arith.extui %sign3A_663 : i1 to i32
      %sign3A_665 = arith.subi %sign3A_661, %sign3A_664 : i32
      %ne3A_666 = arith.cmpi ne, %sign3A_658, %sign3A_665 : i32
      %rem3A_667 = arith.remsi %add3A_590, %jit3A_650 : i32
      %ne3A_668 = arith.constant 0 : i32
      %ne3A_669 = arith.cmpi ne, %rem3A_667, %ne3A_668 : i32
      %and3A_670 = arith.andi %ne3A_666, %ne3A_669 : i1
      %sub3A_671 = arith.constant 1 : i32
      %sub3A_672 = arith.subi %div3A_651, %sub3A_671 : i32
      %select_n3A_673 = arith.select %and3A_670, %sub3A_672, %div3A_651 : i32
      %add3A_674 = arith.addi %mul3A_649, %select_n3A_673 : i32
      %jit3A_675 = arith.constant 8 : i32
      %eq3A_676 = arith.constant 0 : i32
      %eq3A_677 = arith.cmpi eq, %jit3A_675, %eq3A_676 : i32
      %jit3A_678 = arith.constant 1 : i32
      %select_n3A_679 = arith.select %eq3A_677, %jit3A_678, %jit3A_675 : i32
      %rem3A_680 = arith.remsi %add3A_590, %select_n3A_679 : i32
      %ne3A_681 = arith.constant 0 : i32
      %ne3A_682 = arith.cmpi ne, %rem3A_680, %ne3A_681 : i32
      %lt3A_683 = arith.constant 0 : i32
      %lt3A_684 = arith.cmpi slt, %rem3A_680, %lt3A_683 : i32
      %lt3A_685 = arith.constant 0 : i32
      %lt3A_686 = arith.cmpi slt, %select_n3A_679, %lt3A_685 : i32
      %ne3A_687 = arith.xori %lt3A_684, %lt3A_686 : i1
      %and3A_688 = arith.andi %ne3A_687, %ne3A_682 : i1
      %add3A_689 = arith.addi %rem3A_680, %select_n3A_679 : i32
      %select_n3A_690 = arith.select %and3A_688, %add3A_689, %rem3A_680 : i32
      %mul3A_691 = arith.constant 32 : i32
      %mul3A_692 = arith.muli %select_n3A_690, %mul3A_691 : i32
      %dma_start3A_693 = arith.constant 0 : i32
      %dma_start3A_694 = arith.constant 0 : i32
      %dma_start3A_695 = arith.constant 0 : i32
      %dma_start3A_696 = arith.constant 0 : i32
      %dma_start3A_697 = arith.constant 0 : i32
      %dma_start3A_698 = tpu.memref_slice %arg7[%dma_start3A_693, %dma_start3A_694, %dma_start3A_696, %dma_start3A_697] : memref<2x4x32x256xf32, #tpu.memory_space<vmem>> -> memref<1x1x32x256xf32, #tpu.memory_space<vmem>>
      %dma_start3A_699 = tpu.memref_squeeze %dma_start3A_698 : memref<1x1x32x256xf32, #tpu.memory_space<vmem>> -> memref<32x256xf32, #tpu.memory_space<vmem>>
      %dma_start3A_700 = arith.constant 0 : i32
      %dma_start3A_701 = tpu.memref_slice %arg4[%arg0, %dma_start3A_695, %add3A_674, %mul3A_692, %dma_start3A_700] : memref<2x4x32x256x256xf32, #tpu.memory_space<hbm>> -> memref<1x1x1x32x256xf32, #tpu.memory_space<hbm>>
      %dma_start3A_702 = tpu.memref_squeeze %dma_start3A_701 : memref<1x1x1x32x256xf32, #tpu.memory_space<hbm>> -> memref<32x256xf32, #tpu.memory_space<hbm>>
      %dma_start3A_703 = arith.constant 0 : i32
      %dma_start3A_704 = tpu.memref_slice %arg4[%arg0, %dma_start3A_695, %add3A_674, %mul3A_692, %dma_start3A_703] : memref<2x4x32x256x256xf32, #tpu.memory_space<hbm>> -> memref<1x1x1x32x256xf32, #tpu.memory_space<hbm>>
      %dma_start3A_705 = tpu.memref_squeeze %dma_start3A_704 : memref<1x1x1x32x256xf32, #tpu.memory_space<hbm>> -> memref<32x256xf32, #tpu.memory_space<hbm>>
      %dma_start3A_706 = arith.constant 0 : i32
      %dma_start3A_707 = arith.constant 0 : i32
      %dma_start3A_708 = tpu.memref_slice %arg7[%dma_start3A_693, %dma_start3A_694, %dma_start3A_706, %dma_start3A_707] : memref<2x4x32x256xf32, #tpu.memory_space<vmem>> -> memref<1x1x32x256xf32, #tpu.memory_space<vmem>>
      %dma_start3A_709 = tpu.memref_squeeze %dma_start3A_708 : memref<1x1x32x256xf32, #tpu.memory_space<vmem>> -> memref<32x256xf32, #tpu.memory_space<vmem>>
      tpu.enqueue_dma source(%dma_start3A_709 : memref<32x256xf32, #tpu.memory_space<vmem>>) target(%dma_start3A_705 : memref<32x256xf32, #tpu.memory_space<hbm>>) target_semaphore(%arg10 : memref<!tpu.dma_semaphore, #tpu.memory_space<semaphore_mem>>)
      %mul3A_710 = arith.constant 2 : i32
      %mul3A_711 = arith.muli %mul3A_710, %arg1 : i32
      %jit3A_712 = arith.constant 8 : i32
      %div3A_713 = arith.divsi %add3A_590, %jit3A_712 : i32
      %sign3A_714 = arith.constant 0 : i32
      %sign3A_715 = arith.cmpi sgt, %add3A_590, %sign3A_714 : i32
      %sign3A_716 = arith.extui %sign3A_715 : i1 to i32
      %sign3A_717 = arith.constant 0 : i32
      %sign3A_718 = arith.cmpi slt, %add3A_590, %sign3A_717 : i32
      %sign3A_719 = arith.extui %sign3A_718 : i1 to i32
      %sign3A_720 = arith.subi %sign3A_716, %sign3A_719 : i32
      %sign3A_721 = arith.constant 0 : i32
      %sign3A_722 = arith.cmpi sgt, %jit3A_712, %sign3A_721 : i32
      %sign3A_723 = arith.extui %sign3A_722 : i1 to i32
      %sign3A_724 = arith.constant 0 : i32
      %sign3A_725 = arith.cmpi slt, %jit3A_712, %sign3A_724 : i32
      %sign3A_726 = arith.extui %sign3A_725 : i1 to i32
      %sign3A_727 = arith.subi %sign3A_723, %sign3A_726 : i32
      %ne3A_728 = arith.cmpi ne, %sign3A_720, %sign3A_727 : i32
      %rem3A_729 = arith.remsi %add3A_590, %jit3A_712 : i32
      %ne3A_730 = arith.constant 0 : i32
      %ne3A_731 = arith.cmpi ne, %rem3A_729, %ne3A_730 : i32
      %and3A_732 = arith.andi %ne3A_728, %ne3A_731 : i1
      %sub3A_733 = arith.constant 1 : i32
      %sub3A_734 = arith.subi %div3A_713, %sub3A_733 : i32
      %select_n3A_735 = arith.select %and3A_732, %sub3A_734, %div3A_713 : i32
      %add3A_736 = arith.addi %mul3A_711, %select_n3A_735 : i32
      %jit3A_737 = arith.constant 8 : i32
      %eq3A_738 = arith.constant 0 : i32
      %eq3A_739 = arith.cmpi eq, %jit3A_737, %eq3A_738 : i32
      %jit3A_740 = arith.constant 1 : i32
      %select_n3A_741 = arith.select %eq3A_739, %jit3A_740, %jit3A_737 : i32
      %rem3A_742 = arith.remsi %add3A_590, %select_n3A_741 : i32
      %ne3A_743 = arith.constant 0 : i32
      %ne3A_744 = arith.cmpi ne, %rem3A_742, %ne3A_743 : i32
      %lt3A_745 = arith.constant 0 : i32
      %lt3A_746 = arith.cmpi slt, %rem3A_742, %lt3A_745 : i32
      %lt3A_747 = arith.constant 0 : i32
      %lt3A_748 = arith.cmpi slt, %select_n3A_741, %lt3A_747 : i32
      %ne3A_749 = arith.xori %lt3A_746, %lt3A_748 : i1
      %and3A_750 = arith.andi %ne3A_749, %ne3A_744 : i1
      %add3A_751 = arith.addi %rem3A_742, %select_n3A_741 : i32
      %select_n3A_752 = arith.select %and3A_750, %add3A_751, %rem3A_742 : i32
      %mul3A_753 = arith.constant 32 : i32
      %mul3A_754 = arith.muli %select_n3A_752, %mul3A_753 : i32
      %dma_start3A_755 = arith.constant 0 : i32
      %dma_start3A_756 = arith.constant 1 : i32
      %dma_start3A_757 = arith.constant 1 : i32
      %dma_start3A_758 = arith.constant 0 : i32
      %dma_start3A_759 = arith.constant 0 : i32
      %dma_start3A_760 = tpu.memref_slice %arg7[%dma_start3A_755, %dma_start3A_756, %dma_start3A_758, %dma_start3A_759] : memref<2x4x32x256xf32, #tpu.memory_space<vmem>> -> memref<1x1x32x256xf32, #tpu.memory_space<vmem>>
      %dma_start3A_761 = tpu.memref_squeeze %dma_start3A_760 : memref<1x1x32x256xf32, #tpu.memory_space<vmem>> -> memref<32x256xf32, #tpu.memory_space<vmem>>
      %dma_start3A_762 = arith.constant 0 : i32
      %dma_start3A_763 = tpu.memref_slice %arg4[%arg0, %dma_start3A_757, %add3A_736, %mul3A_754, %dma_start3A_762] : memref<2x4x32x256x256xf32, #tpu.memory_space<hbm>> -> memref<1x1x1x32x256xf32, #tpu.memory_space<hbm>>
      %dma_start3A_764 = tpu.memref_squeeze %dma_start3A_763 : memref<1x1x1x32x256xf32, #tpu.memory_space<hbm>> -> memref<32x256xf32, #tpu.memory_space<hbm>>
      %dma_start3A_765 = arith.constant 0 : i32
      %dma_start3A_766 = tpu.memref_slice %arg4[%arg0, %dma_start3A_757, %add3A_736, %mul3A_754, %dma_start3A_765] : memref<2x4x32x256x256xf32, #tpu.memory_space<hbm>> -> memref<1x1x1x32x256xf32, #tpu.memory_space<hbm>>
      %dma_start3A_767 = tpu.memref_squeeze %dma_start3A_766 : memref<1x1x1x32x256xf32, #tpu.memory_space<hbm>> -> memref<32x256xf32, #tpu.memory_space<hbm>>
      %dma_start3A_768 = arith.constant 0 : i32
      %dma_start3A_769 = arith.constant 0 : i32
      %dma_start3A_770 = tpu.memref_slice %arg7[%dma_start3A_755, %dma_start3A_756, %dma_start3A_768, %dma_start3A_769] : memref<2x4x32x256xf32, #tpu.memory_space<vmem>> -> memref<1x1x32x256xf32, #tpu.memory_space<vmem>>
      %dma_start3A_771 = tpu.memref_squeeze %dma_start3A_770 : memref<1x1x32x256xf32, #tpu.memory_space<vmem>> -> memref<32x256xf32, #tpu.memory_space<vmem>>
      tpu.enqueue_dma source(%dma_start3A_771 : memref<32x256xf32, #tpu.memory_space<vmem>>) target(%dma_start3A_767 : memref<32x256xf32, #tpu.memory_space<hbm>>) target_semaphore(%arg10 : memref<!tpu.dma_semaphore, #tpu.memory_space<semaphore_mem>>)
      %mul3A_772 = arith.constant 2 : i32
      %mul3A_773 = arith.muli %mul3A_772, %arg1 : i32
      %jit3A_774 = arith.constant 8 : i32
      %div3A_775 = arith.divsi %add3A_590, %jit3A_774 : i32
      %sign3A_776 = arith.constant 0 : i32
      %sign3A_777 = arith.cmpi sgt, %add3A_590, %sign3A_776 : i32
      %sign3A_778 = arith.extui %sign3A_777 : i1 to i32
      %sign3A_779 = arith.constant 0 : i32
      %sign3A_780 = arith.cmpi slt, %add3A_590, %sign3A_779 : i32
      %sign3A_781 = arith.extui %sign3A_780 : i1 to i32
      %sign3A_782 = arith.subi %sign3A_778, %sign3A_781 : i32
      %sign3A_783 = arith.constant 0 : i32
      %sign3A_784 = arith.cmpi sgt, %jit3A_774, %sign3A_783 : i32
      %sign3A_785 = arith.extui %sign3A_784 : i1 to i32
      %sign3A_786 = arith.constant 0 : i32
      %sign3A_787 = arith.cmpi slt, %jit3A_774, %sign3A_786 : i32
      %sign3A_788 = arith.extui %sign3A_787 : i1 to i32
      %sign3A_789 = arith.subi %sign3A_785, %sign3A_788 : i32
      %ne3A_790 = arith.cmpi ne, %sign3A_782, %sign3A_789 : i32
      %rem3A_791 = arith.remsi %add3A_590, %jit3A_774 : i32
      %ne3A_792 = arith.constant 0 : i32
      %ne3A_793 = arith.cmpi ne, %rem3A_791, %ne3A_792 : i32
      %and3A_794 = arith.andi %ne3A_790, %ne3A_793 : i1
      %sub3A_795 = arith.constant 1 : i32
      %sub3A_796 = arith.subi %div3A_775, %sub3A_795 : i32
      %select_n3A_797 = arith.select %and3A_794, %sub3A_796, %div3A_775 : i32
      %add3A_798 = arith.addi %mul3A_773, %select_n3A_797 : i32
      %jit3A_799 = arith.constant 8 : i32
      %eq3A_800 = arith.constant 0 : i32
      %eq3A_801 = arith.cmpi eq, %jit3A_799, %eq3A_800 : i32
      %jit3A_802 = arith.constant 1 : i32
      %select_n3A_803 = arith.select %eq3A_801, %jit3A_802, %jit3A_799 : i32
      %rem3A_804 = arith.remsi %add3A_590, %select_n3A_803 : i32
      %ne3A_805 = arith.constant 0 : i32
      %ne3A_806 = arith.cmpi ne, %rem3A_804, %ne3A_805 : i32
      %lt3A_807 = arith.constant 0 : i32
      %lt3A_808 = arith.cmpi slt, %rem3A_804, %lt3A_807 : i32
      %lt3A_809 = arith.constant 0 : i32
      %lt3A_810 = arith.cmpi slt, %select_n3A_803, %lt3A_809 : i32
      %ne3A_811 = arith.xori %lt3A_808, %lt3A_810 : i1
      %and3A_812 = arith.andi %ne3A_811, %ne3A_806 : i1
      %add3A_813 = arith.addi %rem3A_804, %select_n3A_803 : i32
      %select_n3A_814 = arith.select %and3A_812, %add3A_813, %rem3A_804 : i32
      %mul3A_815 = arith.constant 32 : i32
      %mul3A_816 = arith.muli %select_n3A_814, %mul3A_815 : i32
      %dma_start3A_817 = arith.constant 0 : i32
      %dma_start3A_818 = arith.constant 2 : i32
      %dma_start3A_819 = arith.constant 2 : i32
      %dma_start3A_820 = arith.constant 0 : i32
      %dma_start3A_821 = arith.constant 0 : i32
      %dma_start3A_822 = tpu.memref_slice %arg7[%dma_start3A_817, %dma_start3A_818, %dma_start3A_820, %dma_start3A_821] : memref<2x4x32x256xf32, #tpu.memory_space<vmem>> -> memref<1x1x32x256xf32, #tpu.memory_space<vmem>>
      %dma_start3A_823 = tpu.memref_squeeze %dma_start3A_822 : memref<1x1x32x256xf32, #tpu.memory_space<vmem>> -> memref<32x256xf32, #tpu.memory_space<vmem>>
      %dma_start3A_824 = arith.constant 0 : i32
      %dma_start3A_825 = tpu.memref_slice %arg4[%arg0, %dma_start3A_819, %add3A_798, %mul3A_816, %dma_start3A_824] : memref<2x4x32x256x256xf32, #tpu.memory_space<hbm>> -> memref<1x1x1x32x256xf32, #tpu.memory_space<hbm>>
      %dma_start3A_826 = tpu.memref_squeeze %dma_start3A_825 : memref<1x1x1x32x256xf32, #tpu.memory_space<hbm>> -> memref<32x256xf32, #tpu.memory_space<hbm>>
      %dma_start3A_827 = arith.constant 0 : i32
      %dma_start3A_828 = tpu.memref_slice %arg4[%arg0, %dma_start3A_819, %add3A_798, %mul3A_816, %dma_start3A_827] : memref<2x4x32x256x256xf32, #tpu.memory_space<hbm>> -> memref<1x1x1x32x256xf32, #tpu.memory_space<hbm>>
      %dma_start3A_829 = tpu.memref_squeeze %dma_start3A_828 : memref<1x1x1x32x256xf32, #tpu.memory_space<hbm>> -> memref<32x256xf32, #tpu.memory_space<hbm>>
      %dma_start3A_830 = arith.constant 0 : i32
      %dma_start3A_831 = arith.constant 0 : i32
      %dma_start3A_832 = tpu.memref_slice %arg7[%dma_start3A_817, %dma_start3A_818, %dma_start3A_830, %dma_start3A_831] : memref<2x4x32x256xf32, #tpu.memory_space<vmem>> -> memref<1x1x32x256xf32, #tpu.memory_space<vmem>>
      %dma_start3A_833 = tpu.memref_squeeze %dma_start3A_832 : memref<1x1x32x256xf32, #tpu.memory_space<vmem>> -> memref<32x256xf32, #tpu.memory_space<vmem>>
      tpu.enqueue_dma source(%dma_start3A_833 : memref<32x256xf32, #tpu.memory_space<vmem>>) target(%dma_start3A_829 : memref<32x256xf32, #tpu.memory_space<hbm>>) target_semaphore(%arg10 : memref<!tpu.dma_semaphore, #tpu.memory_space<semaphore_mem>>)
      %mul3A_834 = arith.constant 2 : i32
      %mul3A_835 = arith.muli %mul3A_834, %arg1 : i32
      %jit3A_836 = arith.constant 8 : i32
      %div3A_837 = arith.divsi %add3A_590, %jit3A_836 : i32
      %sign3A_838 = arith.constant 0 : i32
      %sign3A_839 = arith.cmpi sgt, %add3A_590, %sign3A_838 : i32
      %sign3A_840 = arith.extui %sign3A_839 : i1 to i32
      %sign3A_841 = arith.constant 0 : i32
      %sign3A_842 = arith.cmpi slt, %add3A_590, %sign3A_841 : i32
      %sign3A_843 = arith.extui %sign3A_842 : i1 to i32
      %sign3A_844 = arith.subi %sign3A_840, %sign3A_843 : i32
      %sign3A_845 = arith.constant 0 : i32
      %sign3A_846 = arith.cmpi sgt, %jit3A_836, %sign3A_845 : i32
      %sign3A_847 = arith.extui %sign3A_846 : i1 to i32
      %sign3A_848 = arith.constant 0 : i32
      %sign3A_849 = arith.cmpi slt, %jit3A_836, %sign3A_848 : i32
      %sign3A_850 = arith.extui %sign3A_849 : i1 to i32
      %sign3A_851 = arith.subi %sign3A_847, %sign3A_850 : i32
      %ne3A_852 = arith.cmpi ne, %sign3A_844, %sign3A_851 : i32
      %rem3A_853 = arith.remsi %add3A_590, %jit3A_836 : i32
      %ne3A_854 = arith.constant 0 : i32
      %ne3A_855 = arith.cmpi ne, %rem3A_853, %ne3A_854 : i32
      %and3A_856 = arith.andi %ne3A_852, %ne3A_855 : i1
      %sub3A_857 = arith.constant 1 : i32
      %sub3A_858 = arith.subi %div3A_837, %sub3A_857 : i32
      %select_n3A_859 = arith.select %and3A_856, %sub3A_858, %div3A_837 : i32
      %add3A_860 = arith.addi %mul3A_835, %select_n3A_859 : i32
      %jit3A_861 = arith.constant 8 : i32
      %eq3A_862 = arith.constant 0 : i32
      %eq3A_863 = arith.cmpi eq, %jit3A_861, %eq3A_862 : i32
      %jit3A_864 = arith.constant 1 : i32
      %select_n3A_865 = arith.select %eq3A_863, %jit3A_864, %jit3A_861 : i32
      %rem3A_866 = arith.remsi %add3A_590, %select_n3A_865 : i32
      %ne3A_867 = arith.constant 0 : i32
      %ne3A_868 = arith.cmpi ne, %rem3A_866, %ne3A_867 : i32
      %lt3A_869 = arith.constant 0 : i32
      %lt3A_870 = arith.cmpi slt, %rem3A_866, %lt3A_869 : i32
      %lt3A_871 = arith.constant 0 : i32
      %lt3A_872 = arith.cmpi slt, %select_n3A_865, %lt3A_871 : i32
      %ne3A_873 = arith.xori %lt3A_870, %lt3A_872 : i1
      %and3A_874 = arith.andi %ne3A_873, %ne3A_868 : i1
      %add3A_875 = arith.addi %rem3A_866, %select_n3A_865 : i32
      %select_n3A_876 = arith.select %and3A_874, %add3A_875, %rem3A_866 : i32
      %mul3A_877 = arith.constant 32 : i32
      %mul3A_878 = arith.muli %select_n3A_876, %mul3A_877 : i32
      %dma_start3A_879 = arith.constant 0 : i32
      %dma_start3A_880 = arith.constant 3 : i32
      %dma_start3A_881 = arith.constant 3 : i32
      %dma_start3A_882 = arith.constant 0 : i32
      %dma_start3A_883 = arith.constant 0 : i32
      %dma_start3A_884 = tpu.memref_slice %arg7[%dma_start3A_879, %dma_start3A_880, %dma_start3A_882, %dma_start3A_883] : memref<2x4x32x256xf32, #tpu.memory_space<vmem>> -> memref<1x1x32x256xf32, #tpu.memory_space<vmem>>
      %dma_start3A_885 = tpu.memref_squeeze %dma_start3A_884 : memref<1x1x32x256xf32, #tpu.memory_space<vmem>> -> memref<32x256xf32, #tpu.memory_space<vmem>>
      %dma_start3A_886 = arith.constant 0 : i32
      %dma_start3A_887 = tpu.memref_slice %arg4[%arg0, %dma_start3A_881, %add3A_860, %mul3A_878, %dma_start3A_886] : memref<2x4x32x256x256xf32, #tpu.memory_space<hbm>> -> memref<1x1x1x32x256xf32, #tpu.memory_space<hbm>>
      %dma_start3A_888 = tpu.memref_squeeze %dma_start3A_887 : memref<1x1x1x32x256xf32, #tpu.memory_space<hbm>> -> memref<32x256xf32, #tpu.memory_space<hbm>>
      %dma_start3A_889 = arith.constant 0 : i32
      %dma_start3A_890 = tpu.memref_slice %arg4[%arg0, %dma_start3A_881, %add3A_860, %mul3A_878, %dma_start3A_889] : memref<2x4x32x256x256xf32, #tpu.memory_space<hbm>> -> memref<1x1x1x32x256xf32, #tpu.memory_space<hbm>>
      %dma_start3A_891 = tpu.memref_squeeze %dma_start3A_890 : memref<1x1x1x32x256xf32, #tpu.memory_space<hbm>> -> memref<32x256xf32, #tpu.memory_space<hbm>>
      %dma_start3A_892 = arith.constant 0 : i32
      %dma_start3A_893 = arith.constant 0 : i32
      %dma_start3A_894 = tpu.memref_slice %arg7[%dma_start3A_879, %dma_start3A_880, %dma_start3A_892, %dma_start3A_893] : memref<2x4x32x256xf32, #tpu.memory_space<vmem>> -> memref<1x1x32x256xf32, #tpu.memory_space<vmem>>
      %dma_start3A_895 = tpu.memref_squeeze %dma_start3A_894 : memref<1x1x32x256xf32, #tpu.memory_space<vmem>> -> memref<32x256xf32, #tpu.memory_space<vmem>>
      tpu.enqueue_dma source(%dma_start3A_895 : memref<32x256xf32, #tpu.memory_space<vmem>>) target(%dma_start3A_891 : memref<32x256xf32, #tpu.memory_space<hbm>>) target_semaphore(%arg10 : memref<!tpu.dma_semaphore, #tpu.memory_space<semaphore_mem>>)
      %add3A_896 = arith.constant 2 : i32
      %add3A_897 = arith.addi %add3A_590, %add3A_896 : i32
      %lt3A_898 = arith.constant 16 : i32
      %lt3A_899 = arith.cmpi slt, %add3A_897, %lt3A_898 : i32
      %convert_element_type3A_900 = arith.extui %lt3A_899 : i1 to i32
      %cond3A_901 = arith.constant 0 : i32
      %cond3A_902 = arith.cmpi ne, %convert_element_type3A_900, %cond3A_901 : i32
      scf.if %cond3A_902 {
        %add3A_1229 = arith.constant 2 : i32
        %add3A_1230 = arith.addi %add3A_590, %add3A_1229 : i32
        %mul3A_1231 = arith.constant 2 : i32
        %mul3A_1232 = arith.muli %mul3A_1231, %arg1 : i32
        %jit3A_1233 = arith.constant 8 : i32
        %div3A_1234 = arith.divsi %add3A_1230, %jit3A_1233 : i32
        %sign3A_1235 = arith.constant 0 : i32
        %sign3A_1236 = arith.cmpi sgt, %add3A_1230, %sign3A_1235 : i32
        %sign3A_1237 = arith.extui %sign3A_1236 : i1 to i32
        %sign3A_1238 = arith.constant 0 : i32
        %sign3A_1239 = arith.cmpi slt, %add3A_1230, %sign3A_1238 : i32
        %sign3A_1240 = arith.extui %sign3A_1239 : i1 to i32
        %sign3A_1241 = arith.subi %sign3A_1237, %sign3A_1240 : i32
        %sign3A_1242 = arith.constant 0 : i32
        %sign3A_1243 = arith.cmpi sgt, %jit3A_1233, %sign3A_1242 : i32
        %sign3A_1244 = arith.extui %sign3A_1243 : i1 to i32
        %sign3A_1245 = arith.constant 0 : i32
        %sign3A_1246 = arith.cmpi slt, %jit3A_1233, %sign3A_1245 : i32
        %sign3A_1247 = arith.extui %sign3A_1246 : i1 to i32
        %sign3A_1248 = arith.subi %sign3A_1244, %sign3A_1247 : i32
        %ne3A_1249 = arith.cmpi ne, %sign3A_1241, %sign3A_1248 : i32
        %rem3A_1250 = arith.remsi %add3A_1230, %jit3A_1233 : i32
        %ne3A_1251 = arith.constant 0 : i32
        %ne3A_1252 = arith.cmpi ne, %rem3A_1250, %ne3A_1251 : i32
        %and3A_1253 = arith.andi %ne3A_1249, %ne3A_1252 : i1
        %sub3A_1254 = arith.constant 1 : i32
        %sub3A_1255 = arith.subi %div3A_1234, %sub3A_1254 : i32
        %select_n3A_1256 = arith.select %and3A_1253, %sub3A_1255, %div3A_1234 : i32
        %add3A_1257 = arith.addi %mul3A_1232, %select_n3A_1256 : i32
        %jit3A_1258 = arith.constant 8 : i32
        %eq3A_1259 = arith.constant 0 : i32
        %eq3A_1260 = arith.cmpi eq, %jit3A_1258, %eq3A_1259 : i32
        %jit3A_1261 = arith.constant 1 : i32
        %select_n3A_1262 = arith.select %eq3A_1260, %jit3A_1261, %jit3A_1258 : i32
        %rem3A_1263 = arith.remsi %add3A_1230, %select_n3A_1262 : i32
        %ne3A_1264 = arith.constant 0 : i32
        %ne3A_1265 = arith.cmpi ne, %rem3A_1263, %ne3A_1264 : i32
        %lt3A_1266 = arith.constant 0 : i32
        %lt3A_1267 = arith.cmpi slt, %rem3A_1263, %lt3A_1266 : i32
        %lt3A_1268 = arith.constant 0 : i32
        %lt3A_1269 = arith.cmpi slt, %select_n3A_1262, %lt3A_1268 : i32
        %ne3A_1270 = arith.xori %lt3A_1267, %lt3A_1269 : i1
        %and3A_1271 = arith.andi %ne3A_1270, %ne3A_1265 : i1
        %add3A_1272 = arith.addi %rem3A_1263, %select_n3A_1262 : i32
        %select_n3A_1273 = arith.select %and3A_1271, %add3A_1272, %rem3A_1263 : i32
        %mul3A_1274 = arith.constant 32 : i32
        %mul3A_1275 = arith.muli %select_n3A_1273, %mul3A_1274 : i32
        %dma_start3A_1276 = arith.constant 0 : i32
        %dma_start3A_1277 = arith.constant 0 : i32
        %dma_start3A_1278 = arith.constant 0 : i32
        %dma_start3A_1279 = arith.constant 0 : i32
        %dma_start3A_1280 = tpu.memref_slice %arg6[%dma_start3A_1277, %dma_start3A_1278, %dma_start3A_1279] : memref<2x32x256xf32, #tpu.memory_space<vmem>> -> memref<1x32x256xf32, #tpu.memory_space<vmem>>
        %dma_start3A_1281 = tpu.memref_squeeze %dma_start3A_1280 : memref<1x32x256xf32, #tpu.memory_space<vmem>> -> memref<32x256xf32, #tpu.memory_space<vmem>>
        %dma_start3A_1282 = arith.constant 0 : i32
        %dma_start3A_1283 = tpu.memref_slice %arg2[%arg0, %dma_start3A_1276, %add3A_1257, %mul3A_1275, %dma_start3A_1282] : memref<2x1x32x256x256xf32, #tpu.memory_space<hbm>> -> memref<1x1x1x32x256xf32, #tpu.memory_space<hbm>>
        %dma_start3A_1284 = tpu.memref_squeeze %dma_start3A_1283 : memref<1x1x1x32x256xf32, #tpu.memory_space<hbm>> -> memref<32x256xf32, #tpu.memory_space<hbm>>
        %dma_start3A_1285 = arith.constant 0 : i32
        %dma_start3A_1286 = arith.constant 0 : i32
        %dma_start3A_1287 = tpu.memref_slice %arg6[%dma_start3A_1277, %dma_start3A_1285, %dma_start3A_1286] : memref<2x32x256xf32, #tpu.memory_space<vmem>> -> memref<1x32x256xf32, #tpu.memory_space<vmem>>
        %dma_start3A_1288 = tpu.memref_squeeze %dma_start3A_1287 : memref<1x32x256xf32, #tpu.memory_space<vmem>> -> memref<32x256xf32, #tpu.memory_space<vmem>>
        %dma_start3A_1289 = arith.constant 0 : i32
        %dma_start3A_1290 = tpu.memref_slice %arg2[%arg0, %dma_start3A_1276, %add3A_1257, %mul3A_1275, %dma_start3A_1289] : memref<2x1x32x256x256xf32, #tpu.memory_space<hbm>> -> memref<1x1x1x32x256xf32, #tpu.memory_space<hbm>>
        %dma_start3A_1291 = tpu.memref_squeeze %dma_start3A_1290 : memref<1x1x1x32x256xf32, #tpu.memory_space<hbm>> -> memref<32x256xf32, #tpu.memory_space<hbm>>
        tpu.enqueue_dma source(%dma_start3A_1291 : memref<32x256xf32, #tpu.memory_space<hbm>>) target(%dma_start3A_1288 : memref<32x256xf32, #tpu.memory_space<vmem>>) target_semaphore(%arg8 : memref<!tpu.dma_semaphore, #tpu.memory_space<semaphore_mem>>)
      } else {
      }
      %add3A_903 = arith.constant 1 : i32
      %add3A_904 = arith.addi %mul3A_588, %add3A_903 : i32
      %mul3A_905 = arith.constant 2 : i32
      %mul3A_906 = arith.muli %mul3A_905, %arg1 : i32
      %jit3A_907 = arith.constant 8 : i32
      %div3A_908 = arith.divsi %add3A_904, %jit3A_907 : i32
      %sign3A_909 = arith.constant 0 : i32
      %sign3A_910 = arith.cmpi sgt, %add3A_904, %sign3A_909 : i32
      %sign3A_911 = arith.extui %sign3A_910 : i1 to i32
      %sign3A_912 = arith.constant 0 : i32
      %sign3A_913 = arith.cmpi slt, %add3A_904, %sign3A_912 : i32
      %sign3A_914 = arith.extui %sign3A_913 : i1 to i32
      %sign3A_915 = arith.subi %sign3A_911, %sign3A_914 : i32
      %sign3A_916 = arith.constant 0 : i32
      %sign3A_917 = arith.cmpi sgt, %jit3A_907, %sign3A_916 : i32
      %sign3A_918 = arith.extui %sign3A_917 : i1 to i32
      %sign3A_919 = arith.constant 0 : i32
      %sign3A_920 = arith.cmpi slt, %jit3A_907, %sign3A_919 : i32
      %sign3A_921 = arith.extui %sign3A_920 : i1 to i32
      %sign3A_922 = arith.subi %sign3A_918, %sign3A_921 : i32
      %ne3A_923 = arith.cmpi ne, %sign3A_915, %sign3A_922 : i32
      %rem3A_924 = arith.remsi %add3A_904, %jit3A_907 : i32
      %ne3A_925 = arith.constant 0 : i32
      %ne3A_926 = arith.cmpi ne, %rem3A_924, %ne3A_925 : i32
      %and3A_927 = arith.andi %ne3A_923, %ne3A_926 : i1
      %sub3A_928 = arith.constant 1 : i32
      %sub3A_929 = arith.subi %div3A_908, %sub3A_928 : i32
      %select_n3A_930 = arith.select %and3A_927, %sub3A_929, %div3A_908 : i32
      %add3A_931 = arith.addi %mul3A_906, %select_n3A_930 : i32
      %jit3A_932 = arith.constant 8 : i32
      %eq3A_933 = arith.constant 0 : i32
      %eq3A_934 = arith.cmpi eq, %jit3A_932, %eq3A_933 : i32
      %jit3A_935 = arith.constant 1 : i32
      %select_n3A_936 = arith.select %eq3A_934, %jit3A_935, %jit3A_932 : i32
      %rem3A_937 = arith.remsi %add3A_904, %select_n3A_936 : i32
      %ne3A_938 = arith.constant 0 : i32
      %ne3A_939 = arith.cmpi ne, %rem3A_937, %ne3A_938 : i32
      %lt3A_940 = arith.constant 0 : i32
      %lt3A_941 = arith.cmpi slt, %rem3A_937, %lt3A_940 : i32
      %lt3A_942 = arith.constant 0 : i32
      %lt3A_943 = arith.cmpi slt, %select_n3A_936, %lt3A_942 : i32
      %ne3A_944 = arith.xori %lt3A_941, %lt3A_943 : i1
      %and3A_945 = arith.andi %ne3A_944, %ne3A_939 : i1
      %add3A_946 = arith.addi %rem3A_937, %select_n3A_936 : i32
      %select_n3A_947 = arith.select %and3A_945, %add3A_946, %rem3A_937 : i32
      %mul3A_948 = arith.constant 32 : i32
      %mul3A_949 = arith.muli %select_n3A_947, %mul3A_948 : i32
      %dma_wait3A_950 = arith.constant 0 : i32
      %dma_wait3A_951 = arith.constant 1 : i32
      %dma_wait3A_952 = arith.constant 0 : i32
      %dma_wait3A_953 = arith.constant 0 : i32
      %dma_wait3A_954 = tpu.memref_slice %arg6[%dma_wait3A_951, %dma_wait3A_952, %dma_wait3A_953] : memref<2x32x256xf32, #tpu.memory_space<vmem>> -> memref<1x32x256xf32, #tpu.memory_space<vmem>>
      %dma_wait3A_955 = tpu.memref_squeeze %dma_wait3A_954 : memref<1x32x256xf32, #tpu.memory_space<vmem>> -> memref<32x256xf32, #tpu.memory_space<vmem>>
      %dma_wait3A_956 = arith.constant 0 : i32
      %dma_wait3A_957 = tpu.memref_slice %arg2[%arg0, %dma_wait3A_950, %add3A_931, %mul3A_949, %dma_wait3A_956] : memref<2x1x32x256x256xf32, #tpu.memory_space<hbm>> -> memref<1x1x1x32x256xf32, #tpu.memory_space<hbm>>
      %dma_wait3A_958 = tpu.memref_squeeze %dma_wait3A_957 : memref<1x1x1x32x256xf32, #tpu.memory_space<hbm>> -> memref<32x256xf32, #tpu.memory_space<hbm>>
      %dma_wait3A_959 = arith.constant 0 : i32
      %dma_wait3A_960 = arith.constant 0 : i32
      %dma_wait3A_961 = tpu.memref_slice %arg6[%dma_wait3A_951, %dma_wait3A_959, %dma_wait3A_960] : memref<2x32x256xf32, #tpu.memory_space<vmem>> -> memref<1x32x256xf32, #tpu.memory_space<vmem>>
      %dma_wait3A_962 = tpu.memref_squeeze %dma_wait3A_961 : memref<1x32x256xf32, #tpu.memory_space<vmem>> -> memref<32x256xf32, #tpu.memory_space<vmem>>
      %dma_wait3A_963 = arith.constant 0 : i32
      %dma_wait3A_964 = tpu.memref_slice %arg2[%arg0, %dma_wait3A_950, %add3A_931, %mul3A_949, %dma_wait3A_963] : memref<2x1x32x256x256xf32, #tpu.memory_space<hbm>> -> memref<1x1x1x32x256xf32, #tpu.memory_space<hbm>>
      %dma_wait3A_965 = tpu.memref_squeeze %dma_wait3A_964 : memref<1x1x1x32x256xf32, #tpu.memory_space<hbm>> -> memref<32x256xf32, #tpu.memory_space<hbm>>
      tpu.wait_dma2 semaphore(%arg9 : memref<!tpu.dma_semaphore, #tpu.memory_space<semaphore_mem>>) src(%dma_wait3A_965 : memref<32x256xf32, #tpu.memory_space<hbm>>) dst(%dma_wait3A_962 : memref<32x256xf32, #tpu.memory_space<vmem>>)
      %ge3A_966 = arith.constant 2 : i32
      %ge3A_967 = arith.cmpi sge, %add3A_904, %ge3A_966 : i32
      %convert_element_type3A_968 = arith.extui %ge3A_967 : i1 to i32
      %cond3A_969 = arith.constant 0 : i32
      %cond3A_970 = arith.cmpi ne, %convert_element_type3A_968, %cond3A_969 : i32
      scf.if %cond3A_970 {
        %sub3A_1229 = arith.constant 2 : i32
        %sub3A_1230 = arith.subi %add3A_904, %sub3A_1229 : i32
        %mul3A_1231 = arith.constant 2 : i32
        %mul3A_1232 = arith.muli %mul3A_1231, %arg1 : i32
        %jit3A_1233 = arith.constant 8 : i32
        %div3A_1234 = arith.divsi %sub3A_1230, %jit3A_1233 : i32
        %sign3A_1235 = arith.constant 0 : i32
        %sign3A_1236 = arith.cmpi sgt, %sub3A_1230, %sign3A_1235 : i32
        %sign3A_1237 = arith.extui %sign3A_1236 : i1 to i32
        %sign3A_1238 = arith.constant 0 : i32
        %sign3A_1239 = arith.cmpi slt, %sub3A_1230, %sign3A_1238 : i32
        %sign3A_1240 = arith.extui %sign3A_1239 : i1 to i32
        %sign3A_1241 = arith.subi %sign3A_1237, %sign3A_1240 : i32
        %sign3A_1242 = arith.constant 0 : i32
        %sign3A_1243 = arith.cmpi sgt, %jit3A_1233, %sign3A_1242 : i32
        %sign3A_1244 = arith.extui %sign3A_1243 : i1 to i32
        %sign3A_1245 = arith.constant 0 : i32
        %sign3A_1246 = arith.cmpi slt, %jit3A_1233, %sign3A_1245 : i32
        %sign3A_1247 = arith.extui %sign3A_1246 : i1 to i32
        %sign3A_1248 = arith.subi %sign3A_1244, %sign3A_1247 : i32
        %ne3A_1249 = arith.cmpi ne, %sign3A_1241, %sign3A_1248 : i32
        %rem3A_1250 = arith.remsi %sub3A_1230, %jit3A_1233 : i32
        %ne3A_1251 = arith.constant 0 : i32
        %ne3A_1252 = arith.cmpi ne, %rem3A_1250, %ne3A_1251 : i32
        %and3A_1253 = arith.andi %ne3A_1249, %ne3A_1252 : i1
        %sub3A_1254 = arith.constant 1 : i32
        %sub3A_1255 = arith.subi %div3A_1234, %sub3A_1254 : i32
        %select_n3A_1256 = arith.select %and3A_1253, %sub3A_1255, %div3A_1234 : i32
        %add3A_1257 = arith.addi %mul3A_1232, %select_n3A_1256 : i32
        %jit3A_1258 = arith.constant 8 : i32
        %eq3A_1259 = arith.constant 0 : i32
        %eq3A_1260 = arith.cmpi eq, %jit3A_1258, %eq3A_1259 : i32
        %jit3A_1261 = arith.constant 1 : i32
        %select_n3A_1262 = arith.select %eq3A_1260, %jit3A_1261, %jit3A_1258 : i32
        %rem3A_1263 = arith.remsi %sub3A_1230, %select_n3A_1262 : i32
        %ne3A_1264 = arith.constant 0 : i32
        %ne3A_1265 = arith.cmpi ne, %rem3A_1263, %ne3A_1264 : i32
        %lt3A_1266 = arith.constant 0 : i32
        %lt3A_1267 = arith.cmpi slt, %rem3A_1263, %lt3A_1266 : i32
        %lt3A_1268 = arith.constant 0 : i32
        %lt3A_1269 = arith.cmpi slt, %select_n3A_1262, %lt3A_1268 : i32
        %ne3A_1270 = arith.xori %lt3A_1267, %lt3A_1269 : i1
        %and3A_1271 = arith.andi %ne3A_1270, %ne3A_1265 : i1
        %add3A_1272 = arith.addi %rem3A_1263, %select_n3A_1262 : i32
        %select_n3A_1273 = arith.select %and3A_1271, %add3A_1272, %rem3A_1263 : i32
        %mul3A_1274 = arith.constant 32 : i32
        %mul3A_1275 = arith.muli %select_n3A_1273, %mul3A_1274 : i32
        %dma_wait3A_1276 = arith.constant 1 : i32
        %dma_wait3A_1277 = arith.constant 0 : i32
        %dma_wait3A_1278 = arith.constant 0 : i32
        %dma_wait3A_1279 = arith.constant 0 : i32
        %dma_wait3A_1280 = arith.constant 0 : i32
        %dma_wait3A_1281 = tpu.memref_slice %arg7[%dma_wait3A_1276, %dma_wait3A_1277, %dma_wait3A_1279, %dma_wait3A_1280] : memref<2x4x32x256xf32, #tpu.memory_space<vmem>> -> memref<1x1x32x256xf32, #tpu.memory_space<vmem>>
        %dma_wait3A_1282 = tpu.memref_squeeze %dma_wait3A_1281 : memref<1x1x32x256xf32, #tpu.memory_space<vmem>> -> memref<32x256xf32, #tpu.memory_space<vmem>>
        %dma_wait3A_1283 = arith.constant 0 : i32
        %dma_wait3A_1284 = tpu.memref_slice %arg4[%arg0, %dma_wait3A_1278, %add3A_1257, %mul3A_1275, %dma_wait3A_1283] : memref<2x4x32x256x256xf32, #tpu.memory_space<hbm>> -> memref<1x1x1x32x256xf32, #tpu.memory_space<hbm>>
        %dma_wait3A_1285 = tpu.memref_squeeze %dma_wait3A_1284 : memref<1x1x1x32x256xf32, #tpu.memory_space<hbm>> -> memref<32x256xf32, #tpu.memory_space<hbm>>
        %dma_wait3A_1286 = arith.constant 0 : i32
        %dma_wait3A_1287 = tpu.memref_slice %arg4[%arg0, %dma_wait3A_1278, %add3A_1257, %mul3A_1275, %dma_wait3A_1286] : memref<2x4x32x256x256xf32, #tpu.memory_space<hbm>> -> memref<1x1x1x32x256xf32, #tpu.memory_space<hbm>>
        %dma_wait3A_1288 = tpu.memref_squeeze %dma_wait3A_1287 : memref<1x1x1x32x256xf32, #tpu.memory_space<hbm>> -> memref<32x256xf32, #tpu.memory_space<hbm>>
        %dma_wait3A_1289 = arith.constant 0 : i32
        %dma_wait3A_1290 = arith.constant 0 : i32
        %dma_wait3A_1291 = tpu.memref_slice %arg7[%dma_wait3A_1276, %dma_wait3A_1277, %dma_wait3A_1289, %dma_wait3A_1290] : memref<2x4x32x256xf32, #tpu.memory_space<vmem>> -> memref<1x1x32x256xf32, #tpu.memory_space<vmem>>
        %dma_wait3A_1292 = tpu.memref_squeeze %dma_wait3A_1291 : memref<1x1x32x256xf32, #tpu.memory_space<vmem>> -> memref<32x256xf32, #tpu.memory_space<vmem>>
        tpu.wait_dma2 semaphore(%arg11 : memref<!tpu.dma_semaphore, #tpu.memory_space<semaphore_mem>>) src(%dma_wait3A_1292 : memref<32x256xf32, #tpu.memory_space<vmem>>) dst(%dma_wait3A_1288 : memref<32x256xf32, #tpu.memory_space<hbm>>)
        %sub3A_1293 = arith.constant 2 : i32
        %sub3A_1294 = arith.subi %add3A_904, %sub3A_1293 : i32
        %mul3A_1295 = arith.constant 2 : i32
        %mul3A_1296 = arith.muli %mul3A_1295, %arg1 : i32
        %jit3A_1297 = arith.constant 8 : i32
        %div3A_1298 = arith.divsi %sub3A_1294, %jit3A_1297 : i32
        %sign3A_1299 = arith.constant 0 : i32
        %sign3A_1300 = arith.cmpi sgt, %sub3A_1294, %sign3A_1299 : i32
        %sign3A_1301 = arith.extui %sign3A_1300 : i1 to i32
        %sign3A_1302 = arith.constant 0 : i32
        %sign3A_1303 = arith.cmpi slt, %sub3A_1294, %sign3A_1302 : i32
        %sign3A_1304 = arith.extui %sign3A_1303 : i1 to i32
        %sign3A_1305 = arith.subi %sign3A_1301, %sign3A_1304 : i32
        %sign3A_1306 = arith.constant 0 : i32
        %sign3A_1307 = arith.cmpi sgt, %jit3A_1297, %sign3A_1306 : i32
        %sign3A_1308 = arith.extui %sign3A_1307 : i1 to i32
        %sign3A_1309 = arith.constant 0 : i32
        %sign3A_1310 = arith.cmpi slt, %jit3A_1297, %sign3A_1309 : i32
        %sign3A_1311 = arith.extui %sign3A_1310 : i1 to i32
        %sign3A_1312 = arith.subi %sign3A_1308, %sign3A_1311 : i32
        %ne3A_1313 = arith.cmpi ne, %sign3A_1305, %sign3A_1312 : i32
        %rem3A_1314 = arith.remsi %sub3A_1294, %jit3A_1297 : i32
        %ne3A_1315 = arith.constant 0 : i32
        %ne3A_1316 = arith.cmpi ne, %rem3A_1314, %ne3A_1315 : i32
        %and3A_1317 = arith.andi %ne3A_1313, %ne3A_1316 : i1
        %sub3A_1318 = arith.constant 1 : i32
        %sub3A_1319 = arith.subi %div3A_1298, %sub3A_1318 : i32
        %select_n3A_1320 = arith.select %and3A_1317, %sub3A_1319, %div3A_1298 : i32
        %add3A_1321 = arith.addi %mul3A_1296, %select_n3A_1320 : i32
        %jit3A_1322 = arith.constant 8 : i32
        %eq3A_1323 = arith.constant 0 : i32
        %eq3A_1324 = arith.cmpi eq, %jit3A_1322, %eq3A_1323 : i32
        %jit3A_1325 = arith.constant 1 : i32
        %select_n3A_1326 = arith.select %eq3A_1324, %jit3A_1325, %jit3A_1322 : i32
        %rem3A_1327 = arith.remsi %sub3A_1294, %select_n3A_1326 : i32
        %ne3A_1328 = arith.constant 0 : i32
        %ne3A_1329 = arith.cmpi ne, %rem3A_1327, %ne3A_1328 : i32
        %lt3A_1330 = arith.constant 0 : i32
        %lt3A_1331 = arith.cmpi slt, %rem3A_1327, %lt3A_1330 : i32
        %lt3A_1332 = arith.constant 0 : i32
        %lt3A_1333 = arith.cmpi slt, %select_n3A_1326, %lt3A_1332 : i32
        %ne3A_1334 = arith.xori %lt3A_1331, %lt3A_1333 : i1
        %and3A_1335 = arith.andi %ne3A_1334, %ne3A_1329 : i1
        %add3A_1336 = arith.addi %rem3A_1327, %select_n3A_1326 : i32
        %select_n3A_1337 = arith.select %and3A_1335, %add3A_1336, %rem3A_1327 : i32
        %mul3A_1338 = arith.constant 32 : i32
        %mul3A_1339 = arith.muli %select_n3A_1337, %mul3A_1338 : i32
        %dma_wait3A_1340 = arith.constant 1 : i32
        %dma_wait3A_1341 = arith.constant 1 : i32
        %dma_wait3A_1342 = arith.constant 1 : i32
        %dma_wait3A_1343 = arith.constant 0 : i32
        %dma_wait3A_1344 = arith.constant 0 : i32
        %dma_wait3A_1345 = tpu.memref_slice %arg7[%dma_wait3A_1340, %dma_wait3A_1341, %dma_wait3A_1343, %dma_wait3A_1344] : memref<2x4x32x256xf32, #tpu.memory_space<vmem>> -> memref<1x1x32x256xf32, #tpu.memory_space<vmem>>
        %dma_wait3A_1346 = tpu.memref_squeeze %dma_wait3A_1345 : memref<1x1x32x256xf32, #tpu.memory_space<vmem>> -> memref<32x256xf32, #tpu.memory_space<vmem>>
        %dma_wait3A_1347 = arith.constant 0 : i32
        %dma_wait3A_1348 = tpu.memref_slice %arg4[%arg0, %dma_wait3A_1342, %add3A_1321, %mul3A_1339, %dma_wait3A_1347] : memref<2x4x32x256x256xf32, #tpu.memory_space<hbm>> -> memref<1x1x1x32x256xf32, #tpu.memory_space<hbm>>
        %dma_wait3A_1349 = tpu.memref_squeeze %dma_wait3A_1348 : memref<1x1x1x32x256xf32, #tpu.memory_space<hbm>> -> memref<32x256xf32, #tpu.memory_space<hbm>>
        %dma_wait3A_1350 = arith.constant 0 : i32
        %dma_wait3A_1351 = tpu.memref_slice %arg4[%arg0, %dma_wait3A_1342, %add3A_1321, %mul3A_1339, %dma_wait3A_1350] : memref<2x4x32x256x256xf32, #tpu.memory_space<hbm>> -> memref<1x1x1x32x256xf32, #tpu.memory_space<hbm>>
        %dma_wait3A_1352 = tpu.memref_squeeze %dma_wait3A_1351 : memref<1x1x1x32x256xf32, #tpu.memory_space<hbm>> -> memref<32x256xf32, #tpu.memory_space<hbm>>
        %dma_wait3A_1353 = arith.constant 0 : i32
        %dma_wait3A_1354 = arith.constant 0 : i32
        %dma_wait3A_1355 = tpu.memref_slice %arg7[%dma_wait3A_1340, %dma_wait3A_1341, %dma_wait3A_1353, %dma_wait3A_1354] : memref<2x4x32x256xf32, #tpu.memory_space<vmem>> -> memref<1x1x32x256xf32, #tpu.memory_space<vmem>>
        %dma_wait3A_1356 = tpu.memref_squeeze %dma_wait3A_1355 : memref<1x1x32x256xf32, #tpu.memory_space<vmem>> -> memref<32x256xf32, #tpu.memory_space<vmem>>
        tpu.wait_dma2 semaphore(%arg11 : memref<!tpu.dma_semaphore, #tpu.memory_space<semaphore_mem>>) src(%dma_wait3A_1356 : memref<32x256xf32, #tpu.memory_space<vmem>>) dst(%dma_wait3A_1352 : memref<32x256xf32, #tpu.memory_space<hbm>>)
        %sub3A_1357 = arith.constant 2 : i32
        %sub3A_1358 = arith.subi %add3A_904, %sub3A_1357 : i32
        %mul3A_1359 = arith.constant 2 : i32
        %mul3A_1360 = arith.muli %mul3A_1359, %arg1 : i32
        %jit3A_1361 = arith.constant 8 : i32
        %div3A_1362 = arith.divsi %sub3A_1358, %jit3A_1361 : i32
        %sign3A_1363 = arith.constant 0 : i32
        %sign3A_1364 = arith.cmpi sgt, %sub3A_1358, %sign3A_1363 : i32
        %sign3A_1365 = arith.extui %sign3A_1364 : i1 to i32
        %sign3A_1366 = arith.constant 0 : i32
        %sign3A_1367 = arith.cmpi slt, %sub3A_1358, %sign3A_1366 : i32
        %sign3A_1368 = arith.extui %sign3A_1367 : i1 to i32
        %sign3A_1369 = arith.subi %sign3A_1365, %sign3A_1368 : i32
        %sign3A_1370 = arith.constant 0 : i32
        %sign3A_1371 = arith.cmpi sgt, %jit3A_1361, %sign3A_1370 : i32
        %sign3A_1372 = arith.extui %sign3A_1371 : i1 to i32
        %sign3A_1373 = arith.constant 0 : i32
        %sign3A_1374 = arith.cmpi slt, %jit3A_1361, %sign3A_1373 : i32
        %sign3A_1375 = arith.extui %sign3A_1374 : i1 to i32
        %sign3A_1376 = arith.subi %sign3A_1372, %sign3A_1375 : i32
        %ne3A_1377 = arith.cmpi ne, %sign3A_1369, %sign3A_1376 : i32
        %rem3A_1378 = arith.remsi %sub3A_1358, %jit3A_1361 : i32
        %ne3A_1379 = arith.constant 0 : i32
        %ne3A_1380 = arith.cmpi ne, %rem3A_1378, %ne3A_1379 : i32
        %and3A_1381 = arith.andi %ne3A_1377, %ne3A_1380 : i1
        %sub3A_1382 = arith.constant 1 : i32
        %sub3A_1383 = arith.subi %div3A_1362, %sub3A_1382 : i32
        %select_n3A_1384 = arith.select %and3A_1381, %sub3A_1383, %div3A_1362 : i32
        %add3A_1385 = arith.addi %mul3A_1360, %select_n3A_1384 : i32
        %jit3A_1386 = arith.constant 8 : i32
        %eq3A_1387 = arith.constant 0 : i32
        %eq3A_1388 = arith.cmpi eq, %jit3A_1386, %eq3A_1387 : i32
        %jit3A_1389 = arith.constant 1 : i32
        %select_n3A_1390 = arith.select %eq3A_1388, %jit3A_1389, %jit3A_1386 : i32
        %rem3A_1391 = arith.remsi %sub3A_1358, %select_n3A_1390 : i32
        %ne3A_1392 = arith.constant 0 : i32
        %ne3A_1393 = arith.cmpi ne, %rem3A_1391, %ne3A_1392 : i32
        %lt3A_1394 = arith.constant 0 : i32
        %lt3A_1395 = arith.cmpi slt, %rem3A_1391, %lt3A_1394 : i32
        %lt3A_1396 = arith.constant 0 : i32
        %lt3A_1397 = arith.cmpi slt, %select_n3A_1390, %lt3A_1396 : i32
        %ne3A_1398 = arith.xori %lt3A_1395, %lt3A_1397 : i1
        %and3A_1399 = arith.andi %ne3A_1398, %ne3A_1393 : i1
        %add3A_1400 = arith.addi %rem3A_1391, %select_n3A_1390 : i32
        %select_n3A_1401 = arith.select %and3A_1399, %add3A_1400, %rem3A_1391 : i32
        %mul3A_1402 = arith.constant 32 : i32
        %mul3A_1403 = arith.muli %select_n3A_1401, %mul3A_1402 : i32
        %dma_wait3A_1404 = arith.constant 1 : i32
        %dma_wait3A_1405 = arith.constant 2 : i32
        %dma_wait3A_1406 = arith.constant 2 : i32
        %dma_wait3A_1407 = arith.constant 0 : i32
        %dma_wait3A_1408 = arith.constant 0 : i32
        %dma_wait3A_1409 = tpu.memref_slice %arg7[%dma_wait3A_1404, %dma_wait3A_1405, %dma_wait3A_1407, %dma_wait3A_1408] : memref<2x4x32x256xf32, #tpu.memory_space<vmem>> -> memref<1x1x32x256xf32, #tpu.memory_space<vmem>>
        %dma_wait3A_1410 = tpu.memref_squeeze %dma_wait3A_1409 : memref<1x1x32x256xf32, #tpu.memory_space<vmem>> -> memref<32x256xf32, #tpu.memory_space<vmem>>
        %dma_wait3A_1411 = arith.constant 0 : i32
        %dma_wait3A_1412 = tpu.memref_slice %arg4[%arg0, %dma_wait3A_1406, %add3A_1385, %mul3A_1403, %dma_wait3A_1411] : memref<2x4x32x256x256xf32, #tpu.memory_space<hbm>> -> memref<1x1x1x32x256xf32, #tpu.memory_space<hbm>>
        %dma_wait3A_1413 = tpu.memref_squeeze %dma_wait3A_1412 : memref<1x1x1x32x256xf32, #tpu.memory_space<hbm>> -> memref<32x256xf32, #tpu.memory_space<hbm>>
        %dma_wait3A_1414 = arith.constant 0 : i32
        %dma_wait3A_1415 = tpu.memref_slice %arg4[%arg0, %dma_wait3A_1406, %add3A_1385, %mul3A_1403, %dma_wait3A_1414] : memref<2x4x32x256x256xf32, #tpu.memory_space<hbm>> -> memref<1x1x1x32x256xf32, #tpu.memory_space<hbm>>
        %dma_wait3A_1416 = tpu.memref_squeeze %dma_wait3A_1415 : memref<1x1x1x32x256xf32, #tpu.memory_space<hbm>> -> memref<32x256xf32, #tpu.memory_space<hbm>>
        %dma_wait3A_1417 = arith.constant 0 : i32
        %dma_wait3A_1418 = arith.constant 0 : i32
        %dma_wait3A_1419 = tpu.memref_slice %arg7[%dma_wait3A_1404, %dma_wait3A_1405, %dma_wait3A_1417, %dma_wait3A_1418] : memref<2x4x32x256xf32, #tpu.memory_space<vmem>> -> memref<1x1x32x256xf32, #tpu.memory_space<vmem>>
        %dma_wait3A_1420 = tpu.memref_squeeze %dma_wait3A_1419 : memref<1x1x32x256xf32, #tpu.memory_space<vmem>> -> memref<32x256xf32, #tpu.memory_space<vmem>>
        tpu.wait_dma2 semaphore(%arg11 : memref<!tpu.dma_semaphore, #tpu.memory_space<semaphore_mem>>) src(%dma_wait3A_1420 : memref<32x256xf32, #tpu.memory_space<vmem>>) dst(%dma_wait3A_1416 : memref<32x256xf32, #tpu.memory_space<hbm>>)
        %sub3A_1421 = arith.constant 2 : i32
        %sub3A_1422 = arith.subi %add3A_904, %sub3A_1421 : i32
        %mul3A_1423 = arith.constant 2 : i32
        %mul3A_1424 = arith.muli %mul3A_1423, %arg1 : i32
        %jit3A_1425 = arith.constant 8 : i32
        %div3A_1426 = arith.divsi %sub3A_1422, %jit3A_1425 : i32
        %sign3A_1427 = arith.constant 0 : i32
        %sign3A_1428 = arith.cmpi sgt, %sub3A_1422, %sign3A_1427 : i32
        %sign3A_1429 = arith.extui %sign3A_1428 : i1 to i32
        %sign3A_1430 = arith.constant 0 : i32
        %sign3A_1431 = arith.cmpi slt, %sub3A_1422, %sign3A_1430 : i32
        %sign3A_1432 = arith.extui %sign3A_1431 : i1 to i32
        %sign3A_1433 = arith.subi %sign3A_1429, %sign3A_1432 : i32
        %sign3A_1434 = arith.constant 0 : i32
        %sign3A_1435 = arith.cmpi sgt, %jit3A_1425, %sign3A_1434 : i32
        %sign3A_1436 = arith.extui %sign3A_1435 : i1 to i32
        %sign3A_1437 = arith.constant 0 : i32
        %sign3A_1438 = arith.cmpi slt, %jit3A_1425, %sign3A_1437 : i32
        %sign3A_1439 = arith.extui %sign3A_1438 : i1 to i32
        %sign3A_1440 = arith.subi %sign3A_1436, %sign3A_1439 : i32
        %ne3A_1441 = arith.cmpi ne, %sign3A_1433, %sign3A_1440 : i32
        %rem3A_1442 = arith.remsi %sub3A_1422, %jit3A_1425 : i32
        %ne3A_1443 = arith.constant 0 : i32
        %ne3A_1444 = arith.cmpi ne, %rem3A_1442, %ne3A_1443 : i32
        %and3A_1445 = arith.andi %ne3A_1441, %ne3A_1444 : i1
        %sub3A_1446 = arith.constant 1 : i32
        %sub3A_1447 = arith.subi %div3A_1426, %sub3A_1446 : i32
        %select_n3A_1448 = arith.select %and3A_1445, %sub3A_1447, %div3A_1426 : i32
        %add3A_1449 = arith.addi %mul3A_1424, %select_n3A_1448 : i32
        %jit3A_1450 = arith.constant 8 : i32
        %eq3A_1451 = arith.constant 0 : i32
        %eq3A_1452 = arith.cmpi eq, %jit3A_1450, %eq3A_1451 : i32
        %jit3A_1453 = arith.constant 1 : i32
        %select_n3A_1454 = arith.select %eq3A_1452, %jit3A_1453, %jit3A_1450 : i32
        %rem3A_1455 = arith.remsi %sub3A_1422, %select_n3A_1454 : i32
        %ne3A_1456 = arith.constant 0 : i32
        %ne3A_1457 = arith.cmpi ne, %rem3A_1455, %ne3A_1456 : i32
        %lt3A_1458 = arith.constant 0 : i32
        %lt3A_1459 = arith.cmpi slt, %rem3A_1455, %lt3A_1458 : i32
        %lt3A_1460 = arith.constant 0 : i32
        %lt3A_1461 = arith.cmpi slt, %select_n3A_1454, %lt3A_1460 : i32
        %ne3A_1462 = arith.xori %lt3A_1459, %lt3A_1461 : i1
        %and3A_1463 = arith.andi %ne3A_1462, %ne3A_1457 : i1
        %add3A_1464 = arith.addi %rem3A_1455, %select_n3A_1454 : i32
        %select_n3A_1465 = arith.select %and3A_1463, %add3A_1464, %rem3A_1455 : i32
        %mul3A_1466 = arith.constant 32 : i32
        %mul3A_1467 = arith.muli %select_n3A_1465, %mul3A_1466 : i32
        %dma_wait3A_1468 = arith.constant 1 : i32
        %dma_wait3A_1469 = arith.constant 3 : i32
        %dma_wait3A_1470 = arith.constant 3 : i32
        %dma_wait3A_1471 = arith.constant 0 : i32
        %dma_wait3A_1472 = arith.constant 0 : i32
        %dma_wait3A_1473 = tpu.memref_slice %arg7[%dma_wait3A_1468, %dma_wait3A_1469, %dma_wait3A_1471, %dma_wait3A_1472] : memref<2x4x32x256xf32, #tpu.memory_space<vmem>> -> memref<1x1x32x256xf32, #tpu.memory_space<vmem>>
        %dma_wait3A_1474 = tpu.memref_squeeze %dma_wait3A_1473 : memref<1x1x32x256xf32, #tpu.memory_space<vmem>> -> memref<32x256xf32, #tpu.memory_space<vmem>>
        %dma_wait3A_1475 = arith.constant 0 : i32
        %dma_wait3A_1476 = tpu.memref_slice %arg4[%arg0, %dma_wait3A_1470, %add3A_1449, %mul3A_1467, %dma_wait3A_1475] : memref<2x4x32x256x256xf32, #tpu.memory_space<hbm>> -> memref<1x1x1x32x256xf32, #tpu.memory_space<hbm>>
        %dma_wait3A_1477 = tpu.memref_squeeze %dma_wait3A_1476 : memref<1x1x1x32x256xf32, #tpu.memory_space<hbm>> -> memref<32x256xf32, #tpu.memory_space<hbm>>
        %dma_wait3A_1478 = arith.constant 0 : i32
        %dma_wait3A_1479 = tpu.memref_slice %arg4[%arg0, %dma_wait3A_1470, %add3A_1449, %mul3A_1467, %dma_wait3A_1478] : memref<2x4x32x256x256xf32, #tpu.memory_space<hbm>> -> memref<1x1x1x32x256xf32, #tpu.memory_space<hbm>>
        %dma_wait3A_1480 = tpu.memref_squeeze %dma_wait3A_1479 : memref<1x1x1x32x256xf32, #tpu.memory_space<hbm>> -> memref<32x256xf32, #tpu.memory_space<hbm>>
        %dma_wait3A_1481 = arith.constant 0 : i32
        %dma_wait3A_1482 = arith.constant 0 : i32
        %dma_wait3A_1483 = tpu.memref_slice %arg7[%dma_wait3A_1468, %dma_wait3A_1469, %dma_wait3A_1481, %dma_wait3A_1482] : memref<2x4x32x256xf32, #tpu.memory_space<vmem>> -> memref<1x1x32x256xf32, #tpu.memory_space<vmem>>
        %dma_wait3A_1484 = tpu.memref_squeeze %dma_wait3A_1483 : memref<1x1x32x256xf32, #tpu.memory_space<vmem>> -> memref<32x256xf32, #tpu.memory_space<vmem>>
        tpu.wait_dma2 semaphore(%arg11 : memref<!tpu.dma_semaphore, #tpu.memory_space<semaphore_mem>>) src(%dma_wait3A_1484 : memref<32x256xf32, #tpu.memory_space<vmem>>) dst(%dma_wait3A_1480 : memref<32x256xf32, #tpu.memory_space<hbm>>)
      } else {
      }
      %parallel_loop3A_971 = arith.constant 0 : i32
      %parallel_loop3A_972 = arith.constant 512 : i32
      %parallel_loop3A_973 = arith.constant 1 : i32
      scf.for %parallel_loop3A_1229 = %parallel_loop3A_971 to %parallel_loop3A_972 step %parallel_loop3A_973  : i32 {
        %parallel_loop3A_1230 = arith.constant 4 : i32
        %parallel_loop3A_1231 = arith.shrsi %parallel_loop3A_1229, %parallel_loop3A_1230 : i32
        %parallel_loop3A_1232 = arith.constant 15 : i32
        %parallel_loop3A_1233 = arith.andi %parallel_loop3A_1229, %parallel_loop3A_1232 : i32
        %parallel_loop3A_1234 = arith.constant 16 : i32
        %parallel_loop3A_1235 = arith.muli %parallel_loop3A_1233, %parallel_loop3A_1234 : i32
        %parallel_loop3A_1236 = arith.constant 1 : i32
        %parallel_loop3A_1237 = arith.index_cast %parallel_loop3A_1236 : i32 to index
        %parallel_loop3A_1238 = arith.index_cast %parallel_loop3A_1231 : i32 to index
        %parallel_loop3A_1239 = arith.index_cast %parallel_loop3A_1235 : i32 to index
        %parallel_loop3A_1240 = tpu.vector_load %arg6[%parallel_loop3A_1237, %parallel_loop3A_1238, %parallel_loop3A_1239] {strides = array<i32>} : memref<2x32x256xf32, #tpu.memory_space<vmem>>, vector<1x1x16xf32>,
        %parallel_loop3A_1241 = vector.shape_cast %parallel_loop3A_1240 : vector<1x1x16xf32> to vector<16xf32>
        %parallel_loop3A_1242 = arith.cmpf oge, %parallel_loop3A_1241, %add3A_77 : vector<16xf32>
        %parallel_loop3A_1243 = arith.mulf %parallel_loop3A_1241, %div3A : vector<16xf32>
        %parallel_loop3A_1244 = arith.cmpf oge, %parallel_loop3A_1241, %add3A_80 : vector<16xf32>
        %parallel_loop3A_1245 = arith.select %parallel_loop3A_1242, %parallel_loop3A_1243, %broadcast_in_dim3A_354 : vector<16xi1>, vector<16xf32>
        %parallel_loop3A_1246 = arith.select %parallel_loop3A_1244, %add3A_83, %parallel_loop3A_1245 : vector<16xi1>, vector<16xf32>
        %parallel_loop3A_1247 = arith.constant 1 : i32
        %parallel_loop3A_1248 = arith.constant 0 : i32
        %parallel_loop3A_1249 = arith.index_cast %parallel_loop3A_1247 : i32 to index
        %parallel_loop3A_1250 = arith.index_cast %parallel_loop3A_1248 : i32 to index
        %parallel_loop3A_1251 = arith.index_cast %parallel_loop3A_1231 : i32 to index
        %parallel_loop3A_1252 = arith.index_cast %parallel_loop3A_1235 : i32 to index
        %parallel_loop3A_1253 = tpu.vector_load %arg7[%parallel_loop3A_1249, %parallel_loop3A_1250, %parallel_loop3A_1251, %parallel_loop3A_1252] {strides = array<i32>} : memref<2x4x32x256xf32, #tpu.memory_space<vmem>>, vector<1x1x1x16xf32>,
        %parallel_loop3A_1254 = vector.shape_cast %parallel_loop3A_1253 : vector<1x1x1x16xf32> to vector<16xf32>
        %parallel_loop3A_1255 = vector.shape_cast %parallel_loop3A_1246 : vector<16xf32> to vector<1x1x1x16xf32>
        tpu.vector_store %arg7[%parallel_loop3A_1249, %parallel_loop3A_1250, %parallel_loop3A_1251, %parallel_loop3A_1252], %parallel_loop3A_1255 {strides = array<i32>} : memref<2x4x32x256xf32, #tpu.memory_space<vmem>>, vector<1x1x1x16xf32>,
        %parallel_loop3A_1256 = arith.mulf %parallel_loop3A_1241, %div3A_162 : vector<16xf32>
        %parallel_loop3A_1257 = arith.cmpf oge, %parallel_loop3A_1241, %add3A_170 : vector<16xf32>
        %parallel_loop3A_1258 = arith.select %parallel_loop3A_1242, %parallel_loop3A_1256, %broadcast_in_dim3A_354 : vector<16xi1>, vector<16xf32>
        %parallel_loop3A_1259 = arith.select %parallel_loop3A_1257, %add3A_173, %parallel_loop3A_1258 : vector<16xi1>, vector<16xf32>
        %parallel_loop3A_1260 = arith.constant 1 : i32
        %parallel_loop3A_1261 = arith.constant 1 : i32
        %parallel_loop3A_1262 = arith.index_cast %parallel_loop3A_1260 : i32 to index
        %parallel_loop3A_1263 = arith.index_cast %parallel_loop3A_1261 : i32 to index
        %parallel_loop3A_1264 = arith.index_cast %parallel_loop3A_1231 : i32 to index
        %parallel_loop3A_1265 = arith.index_cast %parallel_loop3A_1235 : i32 to index
        %parallel_loop3A_1266 = tpu.vector_load %arg7[%parallel_loop3A_1262, %parallel_loop3A_1263, %parallel_loop3A_1264, %parallel_loop3A_1265] {strides = array<i32>} : memref<2x4x32x256xf32, #tpu.memory_space<vmem>>, vector<1x1x1x16xf32>,
        %parallel_loop3A_1267 = vector.shape_cast %parallel_loop3A_1266 : vector<1x1x1x16xf32> to vector<16xf32>
        %parallel_loop3A_1268 = vector.shape_cast %parallel_loop3A_1259 : vector<16xf32> to vector<1x1x1x16xf32>
        tpu.vector_store %arg7[%parallel_loop3A_1262, %parallel_loop3A_1263, %parallel_loop3A_1264, %parallel_loop3A_1265], %parallel_loop3A_1268 {strides = array<i32>} : memref<2x4x32x256xf32, #tpu.memory_space<vmem>>, vector<1x1x1x16xf32>,
        %parallel_loop3A_1269 = arith.mulf %parallel_loop3A_1241, %div3A_252 : vector<16xf32>
        %parallel_loop3A_1270 = arith.cmpf oge, %parallel_loop3A_1241, %add3A_260 : vector<16xf32>
        %parallel_loop3A_1271 = arith.select %parallel_loop3A_1242, %parallel_loop3A_1269, %broadcast_in_dim3A_354 : vector<16xi1>, vector<16xf32>
        %parallel_loop3A_1272 = arith.select %parallel_loop3A_1270, %add3A_263, %parallel_loop3A_1271 : vector<16xi1>, vector<16xf32>
        %parallel_loop3A_1273 = arith.constant 1 : i32
        %parallel_loop3A_1274 = arith.constant 2 : i32
        %parallel_loop3A_1275 = arith.index_cast %parallel_loop3A_1273 : i32 to index
        %parallel_loop3A_1276 = arith.index_cast %parallel_loop3A_1274 : i32 to index
        %parallel_loop3A_1277 = arith.index_cast %parallel_loop3A_1231 : i32 to index
        %parallel_loop3A_1278 = arith.index_cast %parallel_loop3A_1235 : i32 to index
        %parallel_loop3A_1279 = tpu.vector_load %arg7[%parallel_loop3A_1275, %parallel_loop3A_1276, %parallel_loop3A_1277, %parallel_loop3A_1278] {strides = array<i32>} : memref<2x4x32x256xf32, #tpu.memory_space<vmem>>, vector<1x1x1x16xf32>,
        %parallel_loop3A_1280 = vector.shape_cast %parallel_loop3A_1279 : vector<1x1x1x16xf32> to vector<16xf32>
        %parallel_loop3A_1281 = vector.shape_cast %parallel_loop3A_1272 : vector<16xf32> to vector<1x1x1x16xf32>
        tpu.vector_store %arg7[%parallel_loop3A_1275, %parallel_loop3A_1276, %parallel_loop3A_1277, %parallel_loop3A_1278], %parallel_loop3A_1281 {strides = array<i32>} : memref<2x4x32x256xf32, #tpu.memory_space<vmem>>, vector<1x1x1x16xf32>,
        %parallel_loop3A_1282 = arith.mulf %parallel_loop3A_1241, %div3A_342 : vector<16xf32>
        %parallel_loop3A_1283 = arith.addf %parallel_loop3A_1282, %sub3A_344 : vector<16xf32>
        %parallel_loop3A_1284 = arith.cmpf oge, %parallel_loop3A_1241, %add3A_347 : vector<16xf32>
        %parallel_loop3A_1285 = arith.cmpf oge, %parallel_loop3A_1241, %add3A_350 : vector<16xf32>
        %parallel_loop3A_1286 = arith.select %parallel_loop3A_1284, %parallel_loop3A_1283, %broadcast_in_dim3A_354 : vector<16xi1>, vector<16xf32>
        %parallel_loop3A_1287 = arith.select %parallel_loop3A_1285, %add3A_353, %parallel_loop3A_1286 : vector<16xi1>, vector<16xf32>
        %parallel_loop3A_1288 = arith.constant 1 : i32
        %parallel_loop3A_1289 = arith.constant 3 : i32
        %parallel_loop3A_1290 = arith.index_cast %parallel_loop3A_1288 : i32 to index
        %parallel_loop3A_1291 = arith.index_cast %parallel_loop3A_1289 : i32 to index
        %parallel_loop3A_1292 = arith.index_cast %parallel_loop3A_1231 : i32 to index
        %parallel_loop3A_1293 = arith.index_cast %parallel_loop3A_1235 : i32 to index
        %parallel_loop3A_1294 = tpu.vector_load %arg7[%parallel_loop3A_1290, %parallel_loop3A_1291, %parallel_loop3A_1292, %parallel_loop3A_1293] {strides = array<i32>} : memref<2x4x32x256xf32, #tpu.memory_space<vmem>>, vector<1x1x1x16xf32>,
        %parallel_loop3A_1295 = vector.shape_cast %parallel_loop3A_1294 : vector<1x1x1x16xf32> to vector<16xf32>
        %parallel_loop3A_1296 = vector.shape_cast %parallel_loop3A_1287 : vector<16xf32> to vector<1x1x1x16xf32>
        tpu.vector_store %arg7[%parallel_loop3A_1290, %parallel_loop3A_1291, %parallel_loop3A_1292, %parallel_loop3A_1293], %parallel_loop3A_1296 {strides = array<i32>} : memref<2x4x32x256xf32, #tpu.memory_space<vmem>>, vector<1x1x1x16xf32>,
      } {sc.loop_unroll_factor = 4 : i64, sc.parallel_access}
      %mul3A_974 = arith.constant 2 : i32
      %mul3A_975 = arith.muli %mul3A_974, %arg1 : i32
      %jit3A_976 = arith.constant 8 : i32
      %div3A_977 = arith.divsi %add3A_904, %jit3A_976 : i32
      %sign3A_978 = arith.constant 0 : i32
      %sign3A_979 = arith.cmpi sgt, %add3A_904, %sign3A_978 : i32
      %sign3A_980 = arith.extui %sign3A_979 : i1 to i32
      %sign3A_981 = arith.constant 0 : i32
      %sign3A_982 = arith.cmpi slt, %add3A_904, %sign3A_981 : i32
      %sign3A_983 = arith.extui %sign3A_982 : i1 to i32
      %sign3A_984 = arith.subi %sign3A_980, %sign3A_983 : i32
      %sign3A_985 = arith.constant 0 : i32
      %sign3A_986 = arith.cmpi sgt, %jit3A_976, %sign3A_985 : i32
      %sign3A_987 = arith.extui %sign3A_986 : i1 to i32
      %sign3A_988 = arith.constant 0 : i32
      %sign3A_989 = arith.cmpi slt, %jit3A_976, %sign3A_988 : i32
      %sign3A_990 = arith.extui %sign3A_989 : i1 to i32
      %sign3A_991 = arith.subi %sign3A_987, %sign3A_990 : i32
      %ne3A_992 = arith.cmpi ne, %sign3A_984, %sign3A_991 : i32
      %rem3A_993 = arith.remsi %add3A_904, %jit3A_976 : i32
      %ne3A_994 = arith.constant 0 : i32
      %ne3A_995 = arith.cmpi ne, %rem3A_993, %ne3A_994 : i32
      %and3A_996 = arith.andi %ne3A_992, %ne3A_995 : i1
      %sub3A_997 = arith.constant 1 : i32
      %sub3A_998 = arith.subi %div3A_977, %sub3A_997 : i32
      %select_n3A_999 = arith.select %and3A_996, %sub3A_998, %div3A_977 : i32
      %add3A_1000 = arith.addi %mul3A_975, %select_n3A_999 : i32
      %jit3A_1001 = arith.constant 8 : i32
      %eq3A_1002 = arith.constant 0 : i32
      %eq3A_1003 = arith.cmpi eq, %jit3A_1001, %eq3A_1002 : i32
      %jit3A_1004 = arith.constant 1 : i32
      %select_n3A_1005 = arith.select %eq3A_1003, %jit3A_1004, %jit3A_1001 : i32
      %rem3A_1006 = arith.remsi %add3A_904, %select_n3A_1005 : i32
      %ne3A_1007 = arith.constant 0 : i32
      %ne3A_1008 = arith.cmpi ne, %rem3A_1006, %ne3A_1007 : i32
      %lt3A_1009 = arith.constant 0 : i32
      %lt3A_1010 = arith.cmpi slt, %rem3A_1006, %lt3A_1009 : i32
      %lt3A_1011 = arith.constant 0 : i32
      %lt3A_1012 = arith.cmpi slt, %select_n3A_1005, %lt3A_1011 : i32
      %ne3A_1013 = arith.xori %lt3A_1010, %lt3A_1012 : i1
      %and3A_1014 = arith.andi %ne3A_1013, %ne3A_1008 : i1
      %add3A_1015 = arith.addi %rem3A_1006, %select_n3A_1005 : i32
      %select_n3A_1016 = arith.select %and3A_1014, %add3A_1015, %rem3A_1006 : i32
      %mul3A_1017 = arith.constant 32 : i32
      %mul3A_1018 = arith.muli %select_n3A_1016, %mul3A_1017 : i32
      %dma_start3A_1019 = arith.constant 1 : i32
      %dma_start3A_1020 = arith.constant 0 : i32
      %dma_start3A_1021 = arith.constant 0 : i32
      %dma_start3A_1022 = arith.constant 0 : i32
      %dma_start3A_1023 = arith.constant 0 : i32
      %dma_start3A_1024 = tpu.memref_slice %arg7[%dma_start3A_1019, %dma_start3A_1020, %dma_start3A_1022, %dma_start3A_1023] : memref<2x4x32x256xf32, #tpu.memory_space<vmem>> -> memref<1x1x32x256xf32, #tpu.memory_space<vmem>>
      %dma_start3A_1025 = tpu.memref_squeeze %dma_start3A_1024 : memref<1x1x32x256xf32, #tpu.memory_space<vmem>> -> memref<32x256xf32, #tpu.memory_space<vmem>>
      %dma_start3A_1026 = arith.constant 0 : i32
      %dma_start3A_1027 = tpu.memref_slice %arg4[%arg0, %dma_start3A_1021, %add3A_1000, %mul3A_1018, %dma_start3A_1026] : memref<2x4x32x256x256xf32, #tpu.memory_space<hbm>> -> memref<1x1x1x32x256xf32, #tpu.memory_space<hbm>>
      %dma_start3A_1028 = tpu.memref_squeeze %dma_start3A_1027 : memref<1x1x1x32x256xf32, #tpu.memory_space<hbm>> -> memref<32x256xf32, #tpu.memory_space<hbm>>
      %dma_start3A_1029 = arith.constant 0 : i32
      %dma_start3A_1030 = tpu.memref_slice %arg4[%arg0, %dma_start3A_1021, %add3A_1000, %mul3A_1018, %dma_start3A_1029] : memref<2x4x32x256x256xf32, #tpu.memory_space<hbm>> -> memref<1x1x1x32x256xf32, #tpu.memory_space<hbm>>
      %dma_start3A_1031 = tpu.memref_squeeze %dma_start3A_1030 : memref<1x1x1x32x256xf32, #tpu.memory_space<hbm>> -> memref<32x256xf32, #tpu.memory_space<hbm>>
      %dma_start3A_1032 = arith.constant 0 : i32
      %dma_start3A_1033 = arith.constant 0 : i32
      %dma_start3A_1034 = tpu.memref_slice %arg7[%dma_start3A_1019, %dma_start3A_1020, %dma_start3A_1032, %dma_start3A_1033] : memref<2x4x32x256xf32, #tpu.memory_space<vmem>> -> memref<1x1x32x256xf32, #tpu.memory_space<vmem>>
      %dma_start3A_1035 = tpu.memref_squeeze %dma_start3A_1034 : memref<1x1x32x256xf32, #tpu.memory_space<vmem>> -> memref<32x256xf32, #tpu.memory_space<vmem>>
      tpu.enqueue_dma source(%dma_start3A_1035 : memref<32x256xf32, #tpu.memory_space<vmem>>) target(%dma_start3A_1031 : memref<32x256xf32, #tpu.memory_space<hbm>>) target_semaphore(%arg11 : memref<!tpu.dma_semaphore, #tpu.memory_space<semaphore_mem>>)
      %mul3A_1036 = arith.constant 2 : i32
      %mul3A_1037 = arith.muli %mul3A_1036, %arg1 : i32
      %jit3A_1038 = arith.constant 8 : i32
      %div3A_1039 = arith.divsi %add3A_904, %jit3A_1038 : i32
      %sign3A_1040 = arith.constant 0 : i32
      %sign3A_1041 = arith.cmpi sgt, %add3A_904, %sign3A_1040 : i32
      %sign3A_1042 = arith.extui %sign3A_1041 : i1 to i32
      %sign3A_1043 = arith.constant 0 : i32
      %sign3A_1044 = arith.cmpi slt, %add3A_904, %sign3A_1043 : i32
      %sign3A_1045 = arith.extui %sign3A_1044 : i1 to i32
      %sign3A_1046 = arith.subi %sign3A_1042, %sign3A_1045 : i32
      %sign3A_1047 = arith.constant 0 : i32
      %sign3A_1048 = arith.cmpi sgt, %jit3A_1038, %sign3A_1047 : i32
      %sign3A_1049 = arith.extui %sign3A_1048 : i1 to i32
      %sign3A_1050 = arith.constant 0 : i32
      %sign3A_1051 = arith.cmpi slt, %jit3A_1038, %sign3A_1050 : i32
      %sign3A_1052 = arith.extui %sign3A_1051 : i1 to i32
      %sign3A_1053 = arith.subi %sign3A_1049, %sign3A_1052 : i32
      %ne3A_1054 = arith.cmpi ne, %sign3A_1046, %sign3A_1053 : i32
      %rem3A_1055 = arith.remsi %add3A_904, %jit3A_1038 : i32
      %ne3A_1056 = arith.constant 0 : i32
      %ne3A_1057 = arith.cmpi ne, %rem3A_1055, %ne3A_1056 : i32
      %and3A_1058 = arith.andi %ne3A_1054, %ne3A_1057 : i1
      %sub3A_1059 = arith.constant 1 : i32
      %sub3A_1060 = arith.subi %div3A_1039, %sub3A_1059 : i32
      %select_n3A_1061 = arith.select %and3A_1058, %sub3A_1060, %div3A_1039 : i32
      %add3A_1062 = arith.addi %mul3A_1037, %select_n3A_1061 : i32
      %jit3A_1063 = arith.constant 8 : i32
      %eq3A_1064 = arith.constant 0 : i32
      %eq3A_1065 = arith.cmpi eq, %jit3A_1063, %eq3A_1064 : i32
      %jit3A_1066 = arith.constant 1 : i32
      %select_n3A_1067 = arith.select %eq3A_1065, %jit3A_1066, %jit3A_1063 : i32
      %rem3A_1068 = arith.remsi %add3A_904, %select_n3A_1067 : i32
      %ne3A_1069 = arith.constant 0 : i32
      %ne3A_1070 = arith.cmpi ne, %rem3A_1068, %ne3A_1069 : i32
      %lt3A_1071 = arith.constant 0 : i32
      %lt3A_1072 = arith.cmpi slt, %rem3A_1068, %lt3A_1071 : i32
      %lt3A_1073 = arith.constant 0 : i32
      %lt3A_1074 = arith.cmpi slt, %select_n3A_1067, %lt3A_1073 : i32
      %ne3A_1075 = arith.xori %lt3A_1072, %lt3A_1074 : i1
      %and3A_1076 = arith.andi %ne3A_1075, %ne3A_1070 : i1
      %add3A_1077 = arith.addi %rem3A_1068, %select_n3A_1067 : i32
      %select_n3A_1078 = arith.select %and3A_1076, %add3A_1077, %rem3A_1068 : i32
      %mul3A_1079 = arith.constant 32 : i32
      %mul3A_1080 = arith.muli %select_n3A_1078, %mul3A_1079 : i32
      %dma_start3A_1081 = arith.constant 1 : i32
      %dma_start3A_1082 = arith.constant 1 : i32
      %dma_start3A_1083 = arith.constant 1 : i32
      %dma_start3A_1084 = arith.constant 0 : i32
      %dma_start3A_1085 = arith.constant 0 : i32
      %dma_start3A_1086 = tpu.memref_slice %arg7[%dma_start3A_1081, %dma_start3A_1082, %dma_start3A_1084, %dma_start3A_1085] : memref<2x4x32x256xf32, #tpu.memory_space<vmem>> -> memref<1x1x32x256xf32, #tpu.memory_space<vmem>>
      %dma_start3A_1087 = tpu.memref_squeeze %dma_start3A_1086 : memref<1x1x32x256xf32, #tpu.memory_space<vmem>> -> memref<32x256xf32, #tpu.memory_space<vmem>>
      %dma_start3A_1088 = arith.constant 0 : i32
      %dma_start3A_1089 = tpu.memref_slice %arg4[%arg0, %dma_start3A_1083, %add3A_1062, %mul3A_1080, %dma_start3A_1088] : memref<2x4x32x256x256xf32, #tpu.memory_space<hbm>> -> memref<1x1x1x32x256xf32, #tpu.memory_space<hbm>>
      %dma_start3A_1090 = tpu.memref_squeeze %dma_start3A_1089 : memref<1x1x1x32x256xf32, #tpu.memory_space<hbm>> -> memref<32x256xf32, #tpu.memory_space<hbm>>
      %dma_start3A_1091 = arith.constant 0 : i32
      %dma_start3A_1092 = tpu.memref_slice %arg4[%arg0, %dma_start3A_1083, %add3A_1062, %mul3A_1080, %dma_start3A_1091] : memref<2x4x32x256x256xf32, #tpu.memory_space<hbm>> -> memref<1x1x1x32x256xf32, #tpu.memory_space<hbm>>
      %dma_start3A_1093 = tpu.memref_squeeze %dma_start3A_1092 : memref<1x1x1x32x256xf32, #tpu.memory_space<hbm>> -> memref<32x256xf32, #tpu.memory_space<hbm>>
      %dma_start3A_1094 = arith.constant 0 : i32
      %dma_start3A_1095 = arith.constant 0 : i32
      %dma_start3A_1096 = tpu.memref_slice %arg7[%dma_start3A_1081, %dma_start3A_1082, %dma_start3A_1094, %dma_start3A_1095] : memref<2x4x32x256xf32, #tpu.memory_space<vmem>> -> memref<1x1x32x256xf32, #tpu.memory_space<vmem>>
      %dma_start3A_1097 = tpu.memref_squeeze %dma_start3A_1096 : memref<1x1x32x256xf32, #tpu.memory_space<vmem>> -> memref<32x256xf32, #tpu.memory_space<vmem>>
      tpu.enqueue_dma source(%dma_start3A_1097 : memref<32x256xf32, #tpu.memory_space<vmem>>) target(%dma_start3A_1093 : memref<32x256xf32, #tpu.memory_space<hbm>>) target_semaphore(%arg11 : memref<!tpu.dma_semaphore, #tpu.memory_space<semaphore_mem>>)
      %mul3A_1098 = arith.constant 2 : i32
      %mul3A_1099 = arith.muli %mul3A_1098, %arg1 : i32
      %jit3A_1100 = arith.constant 8 : i32
      %div3A_1101 = arith.divsi %add3A_904, %jit3A_1100 : i32
      %sign3A_1102 = arith.constant 0 : i32
      %sign3A_1103 = arith.cmpi sgt, %add3A_904, %sign3A_1102 : i32
      %sign3A_1104 = arith.extui %sign3A_1103 : i1 to i32
      %sign3A_1105 = arith.constant 0 : i32
      %sign3A_1106 = arith.cmpi slt, %add3A_904, %sign3A_1105 : i32
      %sign3A_1107 = arith.extui %sign3A_1106 : i1 to i32
      %sign3A_1108 = arith.subi %sign3A_1104, %sign3A_1107 : i32
      %sign3A_1109 = arith.constant 0 : i32
      %sign3A_1110 = arith.cmpi sgt, %jit3A_1100, %sign3A_1109 : i32
      %sign3A_1111 = arith.extui %sign3A_1110 : i1 to i32
      %sign3A_1112 = arith.constant 0 : i32
      %sign3A_1113 = arith.cmpi slt, %jit3A_1100, %sign3A_1112 : i32
      %sign3A_1114 = arith.extui %sign3A_1113 : i1 to i32
      %sign3A_1115 = arith.subi %sign3A_1111, %sign3A_1114 : i32
      %ne3A_1116 = arith.cmpi ne, %sign3A_1108, %sign3A_1115 : i32
      %rem3A_1117 = arith.remsi %add3A_904, %jit3A_1100 : i32
      %ne3A_1118 = arith.constant 0 : i32
      %ne3A_1119 = arith.cmpi ne, %rem3A_1117, %ne3A_1118 : i32
      %and3A_1120 = arith.andi %ne3A_1116, %ne3A_1119 : i1
      %sub3A_1121 = arith.constant 1 : i32
      %sub3A_1122 = arith.subi %div3A_1101, %sub3A_1121 : i32
      %select_n3A_1123 = arith.select %and3A_1120, %sub3A_1122, %div3A_1101 : i32
      %add3A_1124 = arith.addi %mul3A_1099, %select_n3A_1123 : i32
      %jit3A_1125 = arith.constant 8 : i32
      %eq3A_1126 = arith.constant 0 : i32
      %eq3A_1127 = arith.cmpi eq, %jit3A_1125, %eq3A_1126 : i32
      %jit3A_1128 = arith.constant 1 : i32
      %select_n3A_1129 = arith.select %eq3A_1127, %jit3A_1128, %jit3A_1125 : i32
      %rem3A_1130 = arith.remsi %add3A_904, %select_n3A_1129 : i32
      %ne3A_1131 = arith.constant 0 : i32
      %ne3A_1132 = arith.cmpi ne, %rem3A_1130, %ne3A_1131 : i32
      %lt3A_1133 = arith.constant 0 : i32
      %lt3A_1134 = arith.cmpi slt, %rem3A_1130, %lt3A_1133 : i32
      %lt3A_1135 = arith.constant 0 : i32
      %lt3A_1136 = arith.cmpi slt, %select_n3A_1129, %lt3A_1135 : i32
      %ne3A_1137 = arith.xori %lt3A_1134, %lt3A_1136 : i1
      %and3A_1138 = arith.andi %ne3A_1137, %ne3A_1132 : i1
      %add3A_1139 = arith.addi %rem3A_1130, %select_n3A_1129 : i32
      %select_n3A_1140 = arith.select %and3A_1138, %add3A_1139, %rem3A_1130 : i32
      %mul3A_1141 = arith.constant 32 : i32
      %mul3A_1142 = arith.muli %select_n3A_1140, %mul3A_1141 : i32
      %dma_start3A_1143 = arith.constant 1 : i32
      %dma_start3A_1144 = arith.constant 2 : i32
      %dma_start3A_1145 = arith.constant 2 : i32
      %dma_start3A_1146 = arith.constant 0 : i32
      %dma_start3A_1147 = arith.constant 0 : i32
      %dma_start3A_1148 = tpu.memref_slice %arg7[%dma_start3A_1143, %dma_start3A_1144, %dma_start3A_1146, %dma_start3A_1147] : memref<2x4x32x256xf32, #tpu.memory_space<vmem>> -> memref<1x1x32x256xf32, #tpu.memory_space<vmem>>
      %dma_start3A_1149 = tpu.memref_squeeze %dma_start3A_1148 : memref<1x1x32x256xf32, #tpu.memory_space<vmem>> -> memref<32x256xf32, #tpu.memory_space<vmem>>
      %dma_start3A_1150 = arith.constant 0 : i32
      %dma_start3A_1151 = tpu.memref_slice %arg4[%arg0, %dma_start3A_1145, %add3A_1124, %mul3A_1142, %dma_start3A_1150] : memref<2x4x32x256x256xf32, #tpu.memory_space<hbm>> -> memref<1x1x1x32x256xf32, #tpu.memory_space<hbm>>
      %dma_start3A_1152 = tpu.memref_squeeze %dma_start3A_1151 : memref<1x1x1x32x256xf32, #tpu.memory_space<hbm>> -> memref<32x256xf32, #tpu.memory_space<hbm>>
      %dma_start3A_1153 = arith.constant 0 : i32
      %dma_start3A_1154 = tpu.memref_slice %arg4[%arg0, %dma_start3A_1145, %add3A_1124, %mul3A_1142, %dma_start3A_1153] : memref<2x4x32x256x256xf32, #tpu.memory_space<hbm>> -> memref<1x1x1x32x256xf32, #tpu.memory_space<hbm>>
      %dma_start3A_1155 = tpu.memref_squeeze %dma_start3A_1154 : memref<1x1x1x32x256xf32, #tpu.memory_space<hbm>> -> memref<32x256xf32, #tpu.memory_space<hbm>>
      %dma_start3A_1156 = arith.constant 0 : i32
      %dma_start3A_1157 = arith.constant 0 : i32
      %dma_start3A_1158 = tpu.memref_slice %arg7[%dma_start3A_1143, %dma_start3A_1144, %dma_start3A_1156, %dma_start3A_1157] : memref<2x4x32x256xf32, #tpu.memory_space<vmem>> -> memref<1x1x32x256xf32, #tpu.memory_space<vmem>>
      %dma_start3A_1159 = tpu.memref_squeeze %dma_start3A_1158 : memref<1x1x32x256xf32, #tpu.memory_space<vmem>> -> memref<32x256xf32, #tpu.memory_space<vmem>>
      tpu.enqueue_dma source(%dma_start3A_1159 : memref<32x256xf32, #tpu.memory_space<vmem>>) target(%dma_start3A_1155 : memref<32x256xf32, #tpu.memory_space<hbm>>) target_semaphore(%arg11 : memref<!tpu.dma_semaphore, #tpu.memory_space<semaphore_mem>>)
      %mul3A_1160 = arith.constant 2 : i32
      %mul3A_1161 = arith.muli %mul3A_1160, %arg1 : i32
      %jit3A_1162 = arith.constant 8 : i32
      %div3A_1163 = arith.divsi %add3A_904, %jit3A_1162 : i32
      %sign3A_1164 = arith.constant 0 : i32
      %sign3A_1165 = arith.cmpi sgt, %add3A_904, %sign3A_1164 : i32
      %sign3A_1166 = arith.extui %sign3A_1165 : i1 to i32
      %sign3A_1167 = arith.constant 0 : i32
      %sign3A_1168 = arith.cmpi slt, %add3A_904, %sign3A_1167 : i32
      %sign3A_1169 = arith.extui %sign3A_1168 : i1 to i32
      %sign3A_1170 = arith.subi %sign3A_1166, %sign3A_1169 : i32
      %sign3A_1171 = arith.constant 0 : i32
      %sign3A_1172 = arith.cmpi sgt, %jit3A_1162, %sign3A_1171 : i32
      %sign3A_1173 = arith.extui %sign3A_1172 : i1 to i32
      %sign3A_1174 = arith.constant 0 : i32
      %sign3A_1175 = arith.cmpi slt, %jit3A_1162, %sign3A_1174 : i32
      %sign3A_1176 = arith.extui %sign3A_1175 : i1 to i32
      %sign3A_1177 = arith.subi %sign3A_1173, %sign3A_1176 : i32
      %ne3A_1178 = arith.cmpi ne, %sign3A_1170, %sign3A_1177 : i32
      %rem3A_1179 = arith.remsi %add3A_904, %jit3A_1162 : i32
      %ne3A_1180 = arith.constant 0 : i32
      %ne3A_1181 = arith.cmpi ne, %rem3A_1179, %ne3A_1180 : i32
      %and3A_1182 = arith.andi %ne3A_1178, %ne3A_1181 : i1
      %sub3A_1183 = arith.constant 1 : i32
      %sub3A_1184 = arith.subi %div3A_1163, %sub3A_1183 : i32
      %select_n3A_1185 = arith.select %and3A_1182, %sub3A_1184, %div3A_1163 : i32
      %add3A_1186 = arith.addi %mul3A_1161, %select_n3A_1185 : i32
      %jit3A_1187 = arith.constant 8 : i32
      %eq3A_1188 = arith.constant 0 : i32
      %eq3A_1189 = arith.cmpi eq, %jit3A_1187, %eq3A_1188 : i32
      %jit3A_1190 = arith.constant 1 : i32
      %select_n3A_1191 = arith.select %eq3A_1189, %jit3A_1190, %jit3A_1187 : i32
      %rem3A_1192 = arith.remsi %add3A_904, %select_n3A_1191 : i32
      %ne3A_1193 = arith.constant 0 : i32
      %ne3A_1194 = arith.cmpi ne, %rem3A_1192, %ne3A_1193 : i32
      %lt3A_1195 = arith.constant 0 : i32
      %lt3A_1196 = arith.cmpi slt, %rem3A_1192, %lt3A_1195 : i32
      %lt3A_1197 = arith.constant 0 : i32
      %lt3A_1198 = arith.cmpi slt, %select_n3A_1191, %lt3A_1197 : i32
      %ne3A_1199 = arith.xori %lt3A_1196, %lt3A_1198 : i1
      %and3A_1200 = arith.andi %ne3A_1199, %ne3A_1194 : i1
      %add3A_1201 = arith.addi %rem3A_1192, %select_n3A_1191 : i32
      %select_n3A_1202 = arith.select %and3A_1200, %add3A_1201, %rem3A_1192 : i32
      %mul3A_1203 = arith.constant 32 : i32
      %mul3A_1204 = arith.muli %select_n3A_1202, %mul3A_1203 : i32
      %dma_start3A_1205 = arith.constant 1 : i32
      %dma_start3A_1206 = arith.constant 3 : i32
      %dma_start3A_1207 = arith.constant 3 : i32
      %dma_start3A_1208 = arith.constant 0 : i32
      %dma_start3A_1209 = arith.constant 0 : i32
      %dma_start3A_1210 = tpu.memref_slice %arg7[%dma_start3A_1205, %dma_start3A_1206, %dma_start3A_1208, %dma_start3A_1209] : memref<2x4x32x256xf32, #tpu.memory_space<vmem>> -> memref<1x1x32x256xf32, #tpu.memory_space<vmem>>
      %dma_start3A_1211 = tpu.memref_squeeze %dma_start3A_1210 : memref<1x1x32x256xf32, #tpu.memory_space<vmem>> -> memref<32x256xf32, #tpu.memory_space<vmem>>
      %dma_start3A_1212 = arith.constant 0 : i32
      %dma_start3A_1213 = tpu.memref_slice %arg4[%arg0, %dma_start3A_1207, %add3A_1186, %mul3A_1204, %dma_start3A_1212] : memref<2x4x32x256x256xf32, #tpu.memory_space<hbm>> -> memref<1x1x1x32x256xf32, #tpu.memory_space<hbm>>
      %dma_start3A_1214 = tpu.memref_squeeze %dma_start3A_1213 : memref<1x1x1x32x256xf32, #tpu.memory_space<hbm>> -> memref<32x256xf32, #tpu.memory_space<hbm>>
      %dma_start3A_1215 = arith.constant 0 : i32
      %dma_start3A_1216 = tpu.memref_slice %arg4[%arg0, %dma_start3A_1207, %add3A_1186, %mul3A_1204, %dma_start3A_1215] : memref<2x4x32x256x256xf32, #tpu.memory_space<hbm>> -> memref<1x1x1x32x256xf32, #tpu.memory_space<hbm>>
      %dma_start3A_1217 = tpu.memref_squeeze %dma_start3A_1216 : memref<1x1x1x32x256xf32, #tpu.memory_space<hbm>> -> memref<32x256xf32, #tpu.memory_space<hbm>>
      %dma_start3A_1218 = arith.constant 0 : i32
      %dma_start3A_1219 = arith.constant 0 : i32
      %dma_start3A_1220 = tpu.memref_slice %arg7[%dma_start3A_1205, %dma_start3A_1206, %dma_start3A_1218, %dma_start3A_1219] : memref<2x4x32x256xf32, #tpu.memory_space<vmem>> -> memref<1x1x32x256xf32, #tpu.memory_space<vmem>>
      %dma_start3A_1221 = tpu.memref_squeeze %dma_start3A_1220 : memref<1x1x32x256xf32, #tpu.memory_space<vmem>> -> memref<32x256xf32, #tpu.memory_space<vmem>>
      tpu.enqueue_dma source(%dma_start3A_1221 : memref<32x256xf32, #tpu.memory_space<vmem>>) target(%dma_start3A_1217 : memref<32x256xf32, #tpu.memory_space<hbm>>) target_semaphore(%arg11 : memref<!tpu.dma_semaphore, #tpu.memory_space<semaphore_mem>>)
      %add3A_1222 = arith.constant 2 : i32
      %add3A_1223 = arith.addi %add3A_904, %add3A_1222 : i32
      %lt3A_1224 = arith.constant 16 : i32
      %lt3A_1225 = arith.cmpi slt, %add3A_1223, %lt3A_1224 : i32
      %convert_element_type3A_1226 = arith.extui %lt3A_1225 : i1 to i32
      %cond3A_1227 = arith.constant 0 : i32
      %cond3A_1228 = arith.cmpi ne, %convert_element_type3A_1226, %cond3A_1227 : i32
      scf.if %cond3A_1228 {
        %add3A_1229 = arith.constant 2 : i32
        %add3A_1230 = arith.addi %add3A_904, %add3A_1229 : i32
        %mul3A_1231 = arith.constant 2 : i32
        %mul3A_1232 = arith.muli %mul3A_1231, %arg1 : i32
        %jit3A_1233 = arith.constant 8 : i32
        %div3A_1234 = arith.divsi %add3A_1230, %jit3A_1233 : i32
        %sign3A_1235 = arith.constant 0 : i32
        %sign3A_1236 = arith.cmpi sgt, %add3A_1230, %sign3A_1235 : i32
        %sign3A_1237 = arith.extui %sign3A_1236 : i1 to i32
        %sign3A_1238 = arith.constant 0 : i32
        %sign3A_1239 = arith.cmpi slt, %add3A_1230, %sign3A_1238 : i32
        %sign3A_1240 = arith.extui %sign3A_1239 : i1 to i32
        %sign3A_1241 = arith.subi %sign3A_1237, %sign3A_1240 : i32
        %sign3A_1242 = arith.constant 0 : i32
        %sign3A_1243 = arith.cmpi sgt, %jit3A_1233, %sign3A_1242 : i32
        %sign3A_1244 = arith.extui %sign3A_1243 : i1 to i32
        %sign3A_1245 = arith.constant 0 : i32
        %sign3A_1246 = arith.cmpi slt, %jit3A_1233, %sign3A_1245 : i32
        %sign3A_1247 = arith.extui %sign3A_1246 : i1 to i32
        %sign3A_1248 = arith.subi %sign3A_1244, %sign3A_1247 : i32
        %ne3A_1249 = arith.cmpi ne, %sign3A_1241, %sign3A_1248 : i32
        %rem3A_1250 = arith.remsi %add3A_1230, %jit3A_1233 : i32
        %ne3A_1251 = arith.constant 0 : i32
        %ne3A_1252 = arith.cmpi ne, %rem3A_1250, %ne3A_1251 : i32
        %and3A_1253 = arith.andi %ne3A_1249, %ne3A_1252 : i1
        %sub3A_1254 = arith.constant 1 : i32
        %sub3A_1255 = arith.subi %div3A_1234, %sub3A_1254 : i32
        %select_n3A_1256 = arith.select %and3A_1253, %sub3A_1255, %div3A_1234 : i32
        %add3A_1257 = arith.addi %mul3A_1232, %select_n3A_1256 : i32
        %jit3A_1258 = arith.constant 8 : i32
        %eq3A_1259 = arith.constant 0 : i32
        %eq3A_1260 = arith.cmpi eq, %jit3A_1258, %eq3A_1259 : i32
        %jit3A_1261 = arith.constant 1 : i32
        %select_n3A_1262 = arith.select %eq3A_1260, %jit3A_1261, %jit3A_1258 : i32
        %rem3A_1263 = arith.remsi %add3A_1230, %select_n3A_1262 : i32
        %ne3A_1264 = arith.constant 0 : i32
        %ne3A_1265 = arith.cmpi ne, %rem3A_1263, %ne3A_1264 : i32
        %lt3A_1266 = arith.constant 0 : i32
        %lt3A_1267 = arith.cmpi slt, %rem3A_1263, %lt3A_1266 : i32
        %lt3A_1268 = arith.constant 0 : i32
        %lt3A_1269 = arith.cmpi slt, %select_n3A_1262, %lt3A_1268 : i32
        %ne3A_1270 = arith.xori %lt3A_1267, %lt3A_1269 : i1
        %and3A_1271 = arith.andi %ne3A_1270, %ne3A_1265 : i1
        %add3A_1272 = arith.addi %rem3A_1263, %select_n3A_1262 : i32
        %select_n3A_1273 = arith.select %and3A_1271, %add3A_1272, %rem3A_1263 : i32
        %mul3A_1274 = arith.constant 32 : i32
        %mul3A_1275 = arith.muli %select_n3A_1273, %mul3A_1274 : i32
        %dma_start3A_1276 = arith.constant 0 : i32
        %dma_start3A_1277 = arith.constant 1 : i32
        %dma_start3A_1278 = arith.constant 0 : i32
        %dma_start3A_1279 = arith.constant 0 : i32
        %dma_start3A_1280 = tpu.memref_slice %arg6[%dma_start3A_1277, %dma_start3A_1278, %dma_start3A_1279] : memref<2x32x256xf32, #tpu.memory_space<vmem>> -> memref<1x32x256xf32, #tpu.memory_space<vmem>>
        %dma_start3A_1281 = tpu.memref_squeeze %dma_start3A_1280 : memref<1x32x256xf32, #tpu.memory_space<vmem>> -> memref<32x256xf32, #tpu.memory_space<vmem>>
        %dma_start3A_1282 = arith.constant 0 : i32
        %dma_start3A_1283 = tpu.memref_slice %arg2[%arg0, %dma_start3A_1276, %add3A_1257, %mul3A_1275, %dma_start3A_1282] : memref<2x1x32x256x256xf32, #tpu.memory_space<hbm>> -> memref<1x1x1x32x256xf32, #tpu.memory_space<hbm>>
        %dma_start3A_1284 = tpu.memref_squeeze %dma_start3A_1283 : memref<1x1x1x32x256xf32, #tpu.memory_space<hbm>> -> memref<32x256xf32, #tpu.memory_space<hbm>>
        %dma_start3A_1285 = arith.constant 0 : i32
        %dma_start3A_1286 = arith.constant 0 : i32
        %dma_start3A_1287 = tpu.memref_slice %arg6[%dma_start3A_1277, %dma_start3A_1285, %dma_start3A_1286] : memref<2x32x256xf32, #tpu.memory_space<vmem>> -> memref<1x32x256xf32, #tpu.memory_space<vmem>>
        %dma_start3A_1288 = tpu.memref_squeeze %dma_start3A_1287 : memref<1x32x256xf32, #tpu.memory_space<vmem>> -> memref<32x256xf32, #tpu.memory_space<vmem>>
        %dma_start3A_1289 = arith.constant 0 : i32
        %dma_start3A_1290 = tpu.memref_slice %arg2[%arg0, %dma_start3A_1276, %add3A_1257, %mul3A_1275, %dma_start3A_1289] : memref<2x1x32x256x256xf32, #tpu.memory_space<hbm>> -> memref<1x1x1x32x256xf32, #tpu.memory_space<hbm>>
        %dma_start3A_1291 = tpu.memref_squeeze %dma_start3A_1290 : memref<1x1x1x32x256xf32, #tpu.memory_space<hbm>> -> memref<32x256xf32, #tpu.memory_space<hbm>>
        tpu.enqueue_dma source(%dma_start3A_1291 : memref<32x256xf32, #tpu.memory_space<hbm>>) target(%dma_start3A_1288 : memref<32x256xf32, #tpu.memory_space<vmem>>) target_semaphore(%arg9 : memref<!tpu.dma_semaphore, #tpu.memory_space<semaphore_mem>>)
      } else {
      }
    }
    %scan3A_402 = arith.constant 8 : i32
    %mul3A_403 = arith.constant 2 : i32
    %mul3A_404 = arith.muli %mul3A_403, %arg1 : i32
    %add3A_405 = arith.constant 1 : i32
    %add3A_406 = arith.addi %mul3A_404, %add3A_405 : i32
    %dma_wait3A = arith.constant 0 : i32
    %dma_wait3A_407 = arith.constant 0 : i32
    %dma_wait3A_408 = arith.constant 0 : i32
    %dma_wait3A_409 = arith.constant 0 : i32
    %dma_wait3A_410 = arith.constant 0 : i32
    %dma_wait3A_411 = tpu.memref_slice %arg7[%dma_wait3A, %dma_wait3A_407, %dma_wait3A_409, %dma_wait3A_410] : memref<2x4x32x256xf32, #tpu.memory_space<vmem>> -> memref<1x1x32x256xf32, #tpu.memory_space<vmem>>
    %dma_wait3A_412 = tpu.memref_squeeze %dma_wait3A_411 : memref<1x1x32x256xf32, #tpu.memory_space<vmem>> -> memref<32x256xf32, #tpu.memory_space<vmem>>
    %dma_wait3A_413 = arith.constant 192 : i32
    %dma_wait3A_414 = arith.constant 0 : i32
    %dma_wait3A_415 = tpu.memref_slice %arg4[%arg0, %dma_wait3A_408, %add3A_406, %dma_wait3A_413, %dma_wait3A_414] : memref<2x4x32x256x256xf32, #tpu.memory_space<hbm>> -> memref<1x1x1x32x256xf32, #tpu.memory_space<hbm>>
    %dma_wait3A_416 = tpu.memref_squeeze %dma_wait3A_415 : memref<1x1x1x32x256xf32, #tpu.memory_space<hbm>> -> memref<32x256xf32, #tpu.memory_space<hbm>>
    %dma_wait3A_417 = arith.constant 192 : i32
    %dma_wait3A_418 = arith.constant 0 : i32
    %dma_wait3A_419 = tpu.memref_slice %arg4[%arg0, %dma_wait3A_408, %add3A_406, %dma_wait3A_417, %dma_wait3A_418] : memref<2x4x32x256x256xf32, #tpu.memory_space<hbm>> -> memref<1x1x1x32x256xf32, #tpu.memory_space<hbm>>
    %dma_wait3A_420 = tpu.memref_squeeze %dma_wait3A_419 : memref<1x1x1x32x256xf32, #tpu.memory_space<hbm>> -> memref<32x256xf32, #tpu.memory_space<hbm>>
    %dma_wait3A_421 = arith.constant 0 : i32
    %dma_wait3A_422 = arith.constant 0 : i32
    %dma_wait3A_423 = tpu.memref_slice %arg7[%dma_wait3A, %dma_wait3A_407, %dma_wait3A_421, %dma_wait3A_422] : memref<2x4x32x256xf32, #tpu.memory_space<vmem>> -> memref<1x1x32x256xf32, #tpu.memory_space<vmem>>
    %dma_wait3A_424 = tpu.memref_squeeze %dma_wait3A_423 : memref<1x1x32x256xf32, #tpu.memory_space<vmem>> -> memref<32x256xf32, #tpu.memory_space<vmem>>
    tpu.wait_dma2 semaphore(%arg10 : memref<!tpu.dma_semaphore, #tpu.memory_space<semaphore_mem>>) src(%dma_wait3A_424 : memref<32x256xf32, #tpu.memory_space<vmem>>) dst(%dma_wait3A_420 : memref<32x256xf32, #tpu.memory_space<hbm>>)
    %mul3A_425 = arith.constant 2 : i32
    %mul3A_426 = arith.muli %mul3A_425, %arg1 : i32
    %add3A_427 = arith.constant 1 : i32
    %add3A_428 = arith.addi %mul3A_426, %add3A_427 : i32
    %dma_wait3A_429 = arith.constant 0 : i32
    %dma_wait3A_430 = arith.constant 1 : i32
    %dma_wait3A_431 = arith.constant 1 : i32
    %dma_wait3A_432 = arith.constant 0 : i32
    %dma_wait3A_433 = arith.constant 0 : i32
    %dma_wait3A_434 = tpu.memref_slice %arg7[%dma_wait3A_429, %dma_wait3A_430, %dma_wait3A_432, %dma_wait3A_433] : memref<2x4x32x256xf32, #tpu.memory_space<vmem>> -> memref<1x1x32x256xf32, #tpu.memory_space<vmem>>
    %dma_wait3A_435 = tpu.memref_squeeze %dma_wait3A_434 : memref<1x1x32x256xf32, #tpu.memory_space<vmem>> -> memref<32x256xf32, #tpu.memory_space<vmem>>
    %dma_wait3A_436 = arith.constant 192 : i32
    %dma_wait3A_437 = arith.constant 0 : i32
    %dma_wait3A_438 = tpu.memref_slice %arg4[%arg0, %dma_wait3A_431, %add3A_428, %dma_wait3A_436, %dma_wait3A_437] : memref<2x4x32x256x256xf32, #tpu.memory_space<hbm>> -> memref<1x1x1x32x256xf32, #tpu.memory_space<hbm>>
    %dma_wait3A_439 = tpu.memref_squeeze %dma_wait3A_438 : memref<1x1x1x32x256xf32, #tpu.memory_space<hbm>> -> memref<32x256xf32, #tpu.memory_space<hbm>>
    %dma_wait3A_440 = arith.constant 192 : i32
    %dma_wait3A_441 = arith.constant 0 : i32
    %dma_wait3A_442 = tpu.memref_slice %arg4[%arg0, %dma_wait3A_431, %add3A_428, %dma_wait3A_440, %dma_wait3A_441] : memref<2x4x32x256x256xf32, #tpu.memory_space<hbm>> -> memref<1x1x1x32x256xf32, #tpu.memory_space<hbm>>
    %dma_wait3A_443 = tpu.memref_squeeze %dma_wait3A_442 : memref<1x1x1x32x256xf32, #tpu.memory_space<hbm>> -> memref<32x256xf32, #tpu.memory_space<hbm>>
    %dma_wait3A_444 = arith.constant 0 : i32
    %dma_wait3A_445 = arith.constant 0 : i32
    %dma_wait3A_446 = tpu.memref_slice %arg7[%dma_wait3A_429, %dma_wait3A_430, %dma_wait3A_444, %dma_wait3A_445] : memref<2x4x32x256xf32, #tpu.memory_space<vmem>> -> memref<1x1x32x256xf32, #tpu.memory_space<vmem>>
    %dma_wait3A_447 = tpu.memref_squeeze %dma_wait3A_446 : memref<1x1x32x256xf32, #tpu.memory_space<vmem>> -> memref<32x256xf32, #tpu.memory_space<vmem>>
    tpu.wait_dma2 semaphore(%arg10 : memref<!tpu.dma_semaphore, #tpu.memory_space<semaphore_mem>>) src(%dma_wait3A_447 : memref<32x256xf32, #tpu.memory_space<vmem>>) dst(%dma_wait3A_443 : memref<32x256xf32, #tpu.memory_space<hbm>>)
    %mul3A_448 = arith.constant 2 : i32
    %mul3A_449 = arith.muli %mul3A_448, %arg1 : i32
    %add3A_450 = arith.constant 1 : i32
    %add3A_451 = arith.addi %mul3A_449, %add3A_450 : i32
    %dma_wait3A_452 = arith.constant 0 : i32
    %dma_wait3A_453 = arith.constant 2 : i32
    %dma_wait3A_454 = arith.constant 2 : i32
    %dma_wait3A_455 = arith.constant 0 : i32
    %dma_wait3A_456 = arith.constant 0 : i32
    %dma_wait3A_457 = tpu.memref_slice %arg7[%dma_wait3A_452, %dma_wait3A_453, %dma_wait3A_455, %dma_wait3A_456] : memref<2x4x32x256xf32, #tpu.memory_space<vmem>> -> memref<1x1x32x256xf32, #tpu.memory_space<vmem>>
    %dma_wait3A_458 = tpu.memref_squeeze %dma_wait3A_457 : memref<1x1x32x256xf32, #tpu.memory_space<vmem>> -> memref<32x256xf32, #tpu.memory_space<vmem>>
    %dma_wait3A_459 = arith.constant 192 : i32
    %dma_wait3A_460 = arith.constant 0 : i32
    %dma_wait3A_461 = tpu.memref_slice %arg4[%arg0, %dma_wait3A_454, %add3A_451, %dma_wait3A_459, %dma_wait3A_460] : memref<2x4x32x256x256xf32, #tpu.memory_space<hbm>> -> memref<1x1x1x32x256xf32, #tpu.memory_space<hbm>>
    %dma_wait3A_462 = tpu.memref_squeeze %dma_wait3A_461 : memref<1x1x1x32x256xf32, #tpu.memory_space<hbm>> -> memref<32x256xf32, #tpu.memory_space<hbm>>
    %dma_wait3A_463 = arith.constant 192 : i32
    %dma_wait3A_464 = arith.constant 0 : i32
    %dma_wait3A_465 = tpu.memref_slice %arg4[%arg0, %dma_wait3A_454, %add3A_451, %dma_wait3A_463, %dma_wait3A_464] : memref<2x4x32x256x256xf32, #tpu.memory_space<hbm>> -> memref<1x1x1x32x256xf32, #tpu.memory_space<hbm>>
    %dma_wait3A_466 = tpu.memref_squeeze %dma_wait3A_465 : memref<1x1x1x32x256xf32, #tpu.memory_space<hbm>> -> memref<32x256xf32, #tpu.memory_space<hbm>>
    %dma_wait3A_467 = arith.constant 0 : i32
    %dma_wait3A_468 = arith.constant 0 : i32
    %dma_wait3A_469 = tpu.memref_slice %arg7[%dma_wait3A_452, %dma_wait3A_453, %dma_wait3A_467, %dma_wait3A_468] : memref<2x4x32x256xf32, #tpu.memory_space<vmem>> -> memref<1x1x32x256xf32, #tpu.memory_space<vmem>>
    %dma_wait3A_470 = tpu.memref_squeeze %dma_wait3A_469 : memref<1x1x32x256xf32, #tpu.memory_space<vmem>> -> memref<32x256xf32, #tpu.memory_space<vmem>>
    tpu.wait_dma2 semaphore(%arg10 : memref<!tpu.dma_semaphore, #tpu.memory_space<semaphore_mem>>) src(%dma_wait3A_470 : memref<32x256xf32, #tpu.memory_space<vmem>>) dst(%dma_wait3A_466 : memref<32x256xf32, #tpu.memory_space<hbm>>)
    %mul3A_471 = arith.constant 2 : i32
    %mul3A_472 = arith.muli %mul3A_471, %arg1 : i32
    %add3A_473 = arith.constant 1 : i32
    %add3A_474 = arith.addi %mul3A_472, %add3A_473 : i32
    %dma_wait3A_475 = arith.constant 0 : i32
    %dma_wait3A_476 = arith.constant 3 : i32
    %dma_wait3A_477 = arith.constant 3 : i32
    %dma_wait3A_478 = arith.constant 0 : i32
    %dma_wait3A_479 = arith.constant 0 : i32
    %dma_wait3A_480 = tpu.memref_slice %arg7[%dma_wait3A_475, %dma_wait3A_476, %dma_wait3A_478, %dma_wait3A_479] : memref<2x4x32x256xf32, #tpu.memory_space<vmem>> -> memref<1x1x32x256xf32, #tpu.memory_space<vmem>>
    %dma_wait3A_481 = tpu.memref_squeeze %dma_wait3A_480 : memref<1x1x32x256xf32, #tpu.memory_space<vmem>> -> memref<32x256xf32, #tpu.memory_space<vmem>>
    %dma_wait3A_482 = arith.constant 192 : i32
    %dma_wait3A_483 = arith.constant 0 : i32
    %dma_wait3A_484 = tpu.memref_slice %arg4[%arg0, %dma_wait3A_477, %add3A_474, %dma_wait3A_482, %dma_wait3A_483] : memref<2x4x32x256x256xf32, #tpu.memory_space<hbm>> -> memref<1x1x1x32x256xf32, #tpu.memory_space<hbm>>
    %dma_wait3A_485 = tpu.memref_squeeze %dma_wait3A_484 : memref<1x1x1x32x256xf32, #tpu.memory_space<hbm>> -> memref<32x256xf32, #tpu.memory_space<hbm>>
    %dma_wait3A_486 = arith.constant 192 : i32
    %dma_wait3A_487 = arith.constant 0 : i32
    %dma_wait3A_488 = tpu.memref_slice %arg4[%arg0, %dma_wait3A_477, %add3A_474, %dma_wait3A_486, %dma_wait3A_487] : memref<2x4x32x256x256xf32, #tpu.memory_space<hbm>> -> memref<1x1x1x32x256xf32, #tpu.memory_space<hbm>>
    %dma_wait3A_489 = tpu.memref_squeeze %dma_wait3A_488 : memref<1x1x1x32x256xf32, #tpu.memory_space<hbm>> -> memref<32x256xf32, #tpu.memory_space<hbm>>
    %dma_wait3A_490 = arith.constant 0 : i32
    %dma_wait3A_491 = arith.constant 0 : i32
    %dma_wait3A_492 = tpu.memref_slice %arg7[%dma_wait3A_475, %dma_wait3A_476, %dma_wait3A_490, %dma_wait3A_491] : memref<2x4x32x256xf32, #tpu.memory_space<vmem>> -> memref<1x1x32x256xf32, #tpu.memory_space<vmem>>
    %dma_wait3A_493 = tpu.memref_squeeze %dma_wait3A_492 : memref<1x1x32x256xf32, #tpu.memory_space<vmem>> -> memref<32x256xf32, #tpu.memory_space<vmem>>
    tpu.wait_dma2 semaphore(%arg10 : memref<!tpu.dma_semaphore, #tpu.memory_space<semaphore_mem>>) src(%dma_wait3A_493 : memref<32x256xf32, #tpu.memory_space<vmem>>) dst(%dma_wait3A_489 : memref<32x256xf32, #tpu.memory_space<hbm>>)
    %mul3A_494 = arith.constant 2 : i32
    %mul3A_495 = arith.muli %mul3A_494, %arg1 : i32
    %add3A_496 = arith.constant 1 : i32
    %add3A_497 = arith.addi %mul3A_495, %add3A_496 : i32
    %dma_wait3A_498 = arith.constant 1 : i32
    %dma_wait3A_499 = arith.constant 0 : i32
    %dma_wait3A_500 = arith.constant 0 : i32
    %dma_wait3A_501 = arith.constant 0 : i32
    %dma_wait3A_502 = arith.constant 0 : i32
    %dma_wait3A_503 = tpu.memref_slice %arg7[%dma_wait3A_498, %dma_wait3A_499, %dma_wait3A_501, %dma_wait3A_502] : memref<2x4x32x256xf32, #tpu.memory_space<vmem>> -> memref<1x1x32x256xf32, #tpu.memory_space<vmem>>
    %dma_wait3A_504 = tpu.memref_squeeze %dma_wait3A_503 : memref<1x1x32x256xf32, #tpu.memory_space<vmem>> -> memref<32x256xf32, #tpu.memory_space<vmem>>
    %dma_wait3A_505 = arith.constant 224 : i32
    %dma_wait3A_506 = arith.constant 0 : i32
    %dma_wait3A_507 = tpu.memref_slice %arg4[%arg0, %dma_wait3A_500, %add3A_497, %dma_wait3A_505, %dma_wait3A_506] : memref<2x4x32x256x256xf32, #tpu.memory_space<hbm>> -> memref<1x1x1x32x256xf32, #tpu.memory_space<hbm>>
    %dma_wait3A_508 = tpu.memref_squeeze %dma_wait3A_507 : memref<1x1x1x32x256xf32, #tpu.memory_space<hbm>> -> memref<32x256xf32, #tpu.memory_space<hbm>>
    %dma_wait3A_509 = arith.constant 224 : i32
    %dma_wait3A_510 = arith.constant 0 : i32
    %dma_wait3A_511 = tpu.memref_slice %arg4[%arg0, %dma_wait3A_500, %add3A_497, %dma_wait3A_509, %dma_wait3A_510] : memref<2x4x32x256x256xf32, #tpu.memory_space<hbm>> -> memref<1x1x1x32x256xf32, #tpu.memory_space<hbm>>
    %dma_wait3A_512 = tpu.memref_squeeze %dma_wait3A_511 : memref<1x1x1x32x256xf32, #tpu.memory_space<hbm>> -> memref<32x256xf32, #tpu.memory_space<hbm>>
    %dma_wait3A_513 = arith.constant 0 : i32
    %dma_wait3A_514 = arith.constant 0 : i32
    %dma_wait3A_515 = tpu.memref_slice %arg7[%dma_wait3A_498, %dma_wait3A_499, %dma_wait3A_513, %dma_wait3A_514] : memref<2x4x32x256xf32, #tpu.memory_space<vmem>> -> memref<1x1x32x256xf32, #tpu.memory_space<vmem>>
    %dma_wait3A_516 = tpu.memref_squeeze %dma_wait3A_515 : memref<1x1x32x256xf32, #tpu.memory_space<vmem>> -> memref<32x256xf32, #tpu.memory_space<vmem>>
    tpu.wait_dma2 semaphore(%arg11 : memref<!tpu.dma_semaphore, #tpu.memory_space<semaphore_mem>>) src(%dma_wait3A_516 : memref<32x256xf32, #tpu.memory_space<vmem>>) dst(%dma_wait3A_512 : memref<32x256xf32, #tpu.memory_space<hbm>>)
    %mul3A_517 = arith.constant 2 : i32
    %mul3A_518 = arith.muli %mul3A_517, %arg1 : i32
    %add3A_519 = arith.constant 1 : i32
    %add3A_520 = arith.addi %mul3A_518, %add3A_519 : i32
    %dma_wait3A_521 = arith.constant 1 : i32
    %dma_wait3A_522 = arith.constant 1 : i32
    %dma_wait3A_523 = arith.constant 1 : i32
    %dma_wait3A_524 = arith.constant 0 : i32
    %dma_wait3A_525 = arith.constant 0 : i32
    %dma_wait3A_526 = tpu.memref_slice %arg7[%dma_wait3A_521, %dma_wait3A_522, %dma_wait3A_524, %dma_wait3A_525] : memref<2x4x32x256xf32, #tpu.memory_space<vmem>> -> memref<1x1x32x256xf32, #tpu.memory_space<vmem>>
    %dma_wait3A_527 = tpu.memref_squeeze %dma_wait3A_526 : memref<1x1x32x256xf32, #tpu.memory_space<vmem>> -> memref<32x256xf32, #tpu.memory_space<vmem>>
    %dma_wait3A_528 = arith.constant 224 : i32
    %dma_wait3A_529 = arith.constant 0 : i32
    %dma_wait3A_530 = tpu.memref_slice %arg4[%arg0, %dma_wait3A_523, %add3A_520, %dma_wait3A_528, %dma_wait3A_529] : memref<2x4x32x256x256xf32, #tpu.memory_space<hbm>> -> memref<1x1x1x32x256xf32, #tpu.memory_space<hbm>>
    %dma_wait3A_531 = tpu.memref_squeeze %dma_wait3A_530 : memref<1x1x1x32x256xf32, #tpu.memory_space<hbm>> -> memref<32x256xf32, #tpu.memory_space<hbm>>
    %dma_wait3A_532 = arith.constant 224 : i32
    %dma_wait3A_533 = arith.constant 0 : i32
    %dma_wait3A_534 = tpu.memref_slice %arg4[%arg0, %dma_wait3A_523, %add3A_520, %dma_wait3A_532, %dma_wait3A_533] : memref<2x4x32x256x256xf32, #tpu.memory_space<hbm>> -> memref<1x1x1x32x256xf32, #tpu.memory_space<hbm>>
    %dma_wait3A_535 = tpu.memref_squeeze %dma_wait3A_534 : memref<1x1x1x32x256xf32, #tpu.memory_space<hbm>> -> memref<32x256xf32, #tpu.memory_space<hbm>>
    %dma_wait3A_536 = arith.constant 0 : i32
    %dma_wait3A_537 = arith.constant 0 : i32
    %dma_wait3A_538 = tpu.memref_slice %arg7[%dma_wait3A_521, %dma_wait3A_522, %dma_wait3A_536, %dma_wait3A_537] : memref<2x4x32x256xf32, #tpu.memory_space<vmem>> -> memref<1x1x32x256xf32, #tpu.memory_space<vmem>>
    %dma_wait3A_539 = tpu.memref_squeeze %dma_wait3A_538 : memref<1x1x32x256xf32, #tpu.memory_space<vmem>> -> memref<32x256xf32, #tpu.memory_space<vmem>>
    tpu.wait_dma2 semaphore(%arg11 : memref<!tpu.dma_semaphore, #tpu.memory_space<semaphore_mem>>) src(%dma_wait3A_539 : memref<32x256xf32, #tpu.memory_space<vmem>>) dst(%dma_wait3A_535 : memref<32x256xf32, #tpu.memory_space<hbm>>)
    %mul3A_540 = arith.constant 2 : i32
    %mul3A_541 = arith.muli %mul3A_540, %arg1 : i32
    %add3A_542 = arith.constant 1 : i32
    %add3A_543 = arith.addi %mul3A_541, %add3A_542 : i32
    %dma_wait3A_544 = arith.constant 1 : i32
    %dma_wait3A_545 = arith.constant 2 : i32
    %dma_wait3A_546 = arith.constant 2 : i32
    %dma_wait3A_547 = arith.constant 0 : i32
    %dma_wait3A_548 = arith.constant 0 : i32
    %dma_wait3A_549 = tpu.memref_slice %arg7[%dma_wait3A_544, %dma_wait3A_545, %dma_wait3A_547, %dma_wait3A_548] : memref<2x4x32x256xf32, #tpu.memory_space<vmem>> -> memref<1x1x32x256xf32, #tpu.memory_space<vmem>>
    %dma_wait3A_550 = tpu.memref_squeeze %dma_wait3A_549 : memref<1x1x32x256xf32, #tpu.memory_space<vmem>> -> memref<32x256xf32, #tpu.memory_space<vmem>>
    %dma_wait3A_551 = arith.constant 224 : i32
    %dma_wait3A_552 = arith.constant 0 : i32
    %dma_wait3A_553 = tpu.memref_slice %arg4[%arg0, %dma_wait3A_546, %add3A_543, %dma_wait3A_551, %dma_wait3A_552] : memref<2x4x32x256x256xf32, #tpu.memory_space<hbm>> -> memref<1x1x1x32x256xf32, #tpu.memory_space<hbm>>
    %dma_wait3A_554 = tpu.memref_squeeze %dma_wait3A_553 : memref<1x1x1x32x256xf32, #tpu.memory_space<hbm>> -> memref<32x256xf32, #tpu.memory_space<hbm>>
    %dma_wait3A_555 = arith.constant 224 : i32
    %dma_wait3A_556 = arith.constant 0 : i32
    %dma_wait3A_557 = tpu.memref_slice %arg4[%arg0, %dma_wait3A_546, %add3A_543, %dma_wait3A_555, %dma_wait3A_556] : memref<2x4x32x256x256xf32, #tpu.memory_space<hbm>> -> memref<1x1x1x32x256xf32, #tpu.memory_space<hbm>>
    %dma_wait3A_558 = tpu.memref_squeeze %dma_wait3A_557 : memref<1x1x1x32x256xf32, #tpu.memory_space<hbm>> -> memref<32x256xf32, #tpu.memory_space<hbm>>
    %dma_wait3A_559 = arith.constant 0 : i32
    %dma_wait3A_560 = arith.constant 0 : i32
    %dma_wait3A_561 = tpu.memref_slice %arg7[%dma_wait3A_544, %dma_wait3A_545, %dma_wait3A_559, %dma_wait3A_560] : memref<2x4x32x256xf32, #tpu.memory_space<vmem>> -> memref<1x1x32x256xf32, #tpu.memory_space<vmem>>
    %dma_wait3A_562 = tpu.memref_squeeze %dma_wait3A_561 : memref<1x1x32x256xf32, #tpu.memory_space<vmem>> -> memref<32x256xf32, #tpu.memory_space<vmem>>
    tpu.wait_dma2 semaphore(%arg11 : memref<!tpu.dma_semaphore, #tpu.memory_space<semaphore_mem>>) src(%dma_wait3A_562 : memref<32x256xf32, #tpu.memory_space<vmem>>) dst(%dma_wait3A_558 : memref<32x256xf32, #tpu.memory_space<hbm>>)
    %mul3A_563 = arith.constant 2 : i32
    %mul3A_564 = arith.muli %mul3A_563, %arg1 : i32
    %add3A_565 = arith.constant 1 : i32
    %add3A_566 = arith.addi %mul3A_564, %add3A_565 : i32
    %dma_wait3A_567 = arith.constant 1 : i32
    %dma_wait3A_568 = arith.constant 3 : i32
    %dma_wait3A_569 = arith.constant 3 : i32
    %dma_wait3A_570 = arith.constant 0 : i32
    %dma_wait3A_571 = arith.constant 0 : i32
    %dma_wait3A_572 = tpu.memref_slice %arg7[%dma_wait3A_567, %dma_wait3A_568, %dma_wait3A_570, %dma_wait3A_571] : memref<2x4x32x256xf32, #tpu.memory_space<vmem>> -> memref<1x1x32x256xf32, #tpu.memory_space<vmem>>
    %dma_wait3A_573 = tpu.memref_squeeze %dma_wait3A_572 : memref<1x1x32x256xf32, #tpu.memory_space<vmem>> -> memref<32x256xf32, #tpu.memory_space<vmem>>
    %dma_wait3A_574 = arith.constant 224 : i32
    %dma_wait3A_575 = arith.constant 0 : i32
    %dma_wait3A_576 = tpu.memref_slice %arg4[%arg0, %dma_wait3A_569, %add3A_566, %dma_wait3A_574, %dma_wait3A_575] : memref<2x4x32x256x256xf32, #tpu.memory_space<hbm>> -> memref<1x1x1x32x256xf32, #tpu.memory_space<hbm>>
    %dma_wait3A_577 = tpu.memref_squeeze %dma_wait3A_576 : memref<1x1x1x32x256xf32, #tpu.memory_space<hbm>> -> memref<32x256xf32, #tpu.memory_space<hbm>>
    %dma_wait3A_578 = arith.constant 224 : i32
    %dma_wait3A_579 = arith.constant 0 : i32
    %dma_wait3A_580 = tpu.memref_slice %arg4[%arg0, %dma_wait3A_569, %add3A_566, %dma_wait3A_578, %dma_wait3A_579] : memref<2x4x32x256x256xf32, #tpu.memory_space<hbm>> -> memref<1x1x1x32x256xf32, #tpu.memory_space<hbm>>
    %dma_wait3A_581 = tpu.memref_squeeze %dma_wait3A_580 : memref<1x1x1x32x256xf32, #tpu.memory_space<hbm>> -> memref<32x256xf32, #tpu.memory_space<hbm>>
    %dma_wait3A_582 = arith.constant 0 : i32
    %dma_wait3A_583 = arith.constant 0 : i32
    %dma_wait3A_584 = tpu.memref_slice %arg7[%dma_wait3A_567, %dma_wait3A_568, %dma_wait3A_582, %dma_wait3A_583] : memref<2x4x32x256xf32, #tpu.memory_space<vmem>> -> memref<1x1x32x256xf32, #tpu.memory_space<vmem>>
    %dma_wait3A_585 = tpu.memref_squeeze %dma_wait3A_584 : memref<1x1x32x256xf32, #tpu.memory_space<vmem>> -> memref<32x256xf32, #tpu.memory_space<vmem>>
    tpu.wait_dma2 semaphore(%arg11 : memref<!tpu.dma_semaphore, #tpu.memory_space<semaphore_mem>>) src(%dma_wait3A_585 : memref<32x256xf32, #tpu.memory_space<vmem>>) dst(%dma_wait3A_581 : memref<32x256xf32, #tpu.memory_space<hbm>>)
    return
  }
}

</mosaic_0001>

<sc_bundles>
// kernel: kernel.3.cloned.1.call-start
scs
__scs_entry_jumppad:
0x0: {  	(pc) =	sbr.rel $0x88, $3  }
0x1: {  	(tag) =	ssettag $0x0;
	lr =	simm.s32 $0x1  }
0x2: {  	[smem:$0x3F9E] =	sst lr;
	_ =	strace $0xD0000000  }
0x3: {  	_ = 	snop  }
0x4: {  	_ = 	snop  }
0x5: {  	_ = 	snop  }
0x6: {  	_ = 	snop  }
0x7: {  	_ = 	snop  }
__scs_overlays_trampoline_lowered:
0x8: {  	[smem:$0x3FAD] =	sst s0  }
0x9: {  	[smem:$0x3FAE] =	sst s1  }
0xa: {  	[smem:$0x3FAF] =	sst s2  }
0xb: {  	[smem:$0x3FB0] =	sst s3  }
0xc: {  	[smem:$0x3FB1] =	sst s4  }
0xd: {  	[smem:$0x3FB2] =	sst s5  }
0xe: {  	[smem:$0x3FB3] =	sst s6  }
0xf: {  	[smem:$0x3FB4] =	sst s7  }
0x10: {  	[smem:$0x3FB5] =	sst s8  }
0x11: {  	[smem:$0x3FB6] =	sst s9;
	s0 =	simm.s32 @!p0 $0x0  }
0x12: {  	s1 =	sld [smem:$0x3F9C];
	s0 =	simm.s32 @p0 $0x1  }
0x13: {  	[smem:$0x3FB7] =	sst s0;
	s0 =	simm.s32 @!p1 $0x0  }
0x14: {  	s2 =	sld [smem:$0x3F9B];
	s0 =	simm.s32 @p1 $0x1  }
0x15: {  	[smem:$0x3FB8] =	sst s0;
	s0 =	simm.s32 @!p2 $0x0  }
0x16: {  	s3 =	sld [smem:$0x3FDB];
	s0 =	simm.s32 @p2 $0x1  }
0x17: {  	s4 =	simm.s32 $0x1BF5;
	[smem:$0x3FBA] =	sst s0  }
0x18: {  	s0 =	sld [smem:$0x3F9D];
	_ =	swait.ge [sflag:s4], $0x0  }
0x19: {  	s7 =	sld [smem:$0x3F9E]  }
0x1a: {  	s8 =	sadd.s32 $0xFFFFE003, lr  }
0x1b: {  	s9 =	sadd.s32 $0xFFFFFEF7, lr;
	s5 =	simm.s32 $0xFFFFFFFF;
	p2 =	slt.u32 s8, $0xFFFFF086  }
0x1c: {  	p1 =	slt.u32 s9, $0xF7A;
	s5 =	simm.s32 @!p2 $0x0  }
0x1d: {  	s5 =	simm.s32 @p1 $0x1;
	p0 =	seq.s32 s7, s2  }
0x1e: {  	s7 =	smul.u32 @!p0 $0xF7A, s2;
	p2 =	seq.s32 @!p0 s5, $0x0  }
0x1f: {  	s9 =	smul.u32 $0xF7A, s1;
	s8 =	simm.s32 @!p0 $0x1BF5;
	p2 =	por !p2, p0  }
0x20: {  	[sflag:s8] =	ssyncset.s32 @!p0 $0xFFFFF086;
	s6 =	sadd.s32 @!p0 s3, s7;
	s7 =	simm.s32 @!p0 $0x108  }
0x21: {  	s3 =	sadd.s32 s3, s9;
	s6 =	sadd.s32 @!p0 $0x88, s6;
	s7 =	simm.s32 @p2 $0x1082  }
0x22: {  	[simem:s7], [sflag:s8] =	dma.local @!p0 [hbm:s6], $0xF7A  }
0x23: {  	s9 =	sor.u32 $0xD0000000, s2;
	s6 =	simm.s32 $0x108;
	_ =	swait.ge @!p0 [sflag:s8], $0x0  }
0x24: {  	s3 =	sadd.s32 $0x88, s3;
	s6 =	simm.s32 @!p1 $0x1082;
	[sflag:s4] =	ssyncset.s32 $0xFFFFF086  }
0x25: {  	[simem:s6], [sflag:s4] =	dma.local [hbm:s3], $0xF7A  }
0x26: {  	[smem:$0x3F9E] =	sst s1;
	(tag) =	ssettag s2;
	_ =	strace s9  }
0x27: {  	s1 =	sld [smem:$0x3FAE]  }
0x28: {  	s2 =	sld [smem:$0x3FAF]  }
0x29: {  	s4 =	sld [smem:$0x3FB1]  }
0x2a: {  	p0 =	seq.s32 s5, $0x0;
	s5 =	sld [smem:$0x3FB2]  }
0x2b: {  	s6 =	sld [smem:$0x3FB3]  }
0x2c: {  	s7 =	sld [smem:$0x3FB4]  }
0x2d: {  	s3 =	simm.s32 $0x108;
	s8 =	sld [smem:$0x3FB5]  }
0x2e: {  	s3 =	simm.s32 @!p0 $0x1082;
	s9 =	sld [smem:$0x3FB6]  }
0x2f: {  	lr =	sadd.s32 s0, s3;
	s0 =	sld [smem:$0x3FAD]  }
0x30: {  	s3 =	sld [smem:$0x3FB0]  }
0x31: {  	[smem:$0x3FB9] =	sst s10  }
0x32: {  	s10 =	sld [smem:$0x3FB7];
	_ =	sdelay $0x3  }
0x33: {  	p0 =	seq.s32 s10, $0x1;
	s10 =	sld [smem:$0x3FB9];
	_ =	sdelay $0x3  }
0x34: {  	[smem:$0x3FB9] =	sst s10  }
0x35: {  	s10 =	sld [smem:$0x3FB8];
	_ =	sdelay $0x3  }
0x36: {  	p1 =	seq.s32 s10, $0x1;
	s10 =	sld [smem:$0x3FB9];
	_ =	sdelay $0x3  }
0x37: {  	[smem:$0x3FB9] =	sst s10  }
0x38: {  	s10 =	sld [smem:$0x3FBA]  }
0x39: {  	_ = 	snop;
	(pc) =	sbr.ind lr, $3  }
0x3a: {  	_ = 	snop  }
0x3b: {  	_ = 	snop  }
0x3c: {  	p2 =	seq.s32 s10, $0x1;
	s10 =	sld [smem:$0x3FB9]  }
0x3d: {  	_ =	shalt  }
0x3e: {  	_ =	shalt  }
0x3f: {  	_ =	shalt  }
0x40: {  	_ =	shalt  }
0x41: {  	_ =	shalt  }
0x42: {  	_ =	shalt  }
0x43: {  	_ =	shalt  }
0x44: {  	_ =	shalt  }
0x45: {  	_ =	shalt  }
0x46: {  	_ =	shalt  }
0x47: {  	_ =	shalt  }
0x48: {  	_ =	shalt  }
0x49: {  	_ =	shalt  }
0x4a: {  	_ =	shalt  }
0x4b: {  	_ =	shalt  }
0x4c: {  	_ =	shalt  }
0x4d: {  	_ =	shalt  }
0x4e: {  	_ =	shalt  }
0x4f: {  	_ =	shalt  }
0x50: {  	_ =	shalt  }
0x51: {  	_ =	shalt  }
0x52: {  	_ =	shalt  }
0x53: {  	_ =	shalt  }
0x54: {  	_ =	shalt  }
0x55: {  	_ =	shalt  }
0x56: {  	_ =	shalt  }
0x57: {  	_ =	shalt  }
0x58: {  	_ =	shalt  }
0x59: {  	_ =	shalt  }
0x5a: {  	_ =	shalt  }
0x5b: {  	_ =	shalt  }
0x5c: {  	_ =	shalt  }
0x5d: {  	_ =	shalt  }
0x5e: {  	_ =	shalt  }
0x5f: {  	_ =	shalt  }
0x60: {  	_ =	shalt  }
0x61: {  	_ =	shalt  }
0x62: {  	_ =	shalt  }
0x63: {  	_ =	shalt  }
0x64: {  	_ =	shalt  }
0x65: {  	_ =	shalt  }
0x66: {  	_ =	shalt  }
0x67: {  	_ =	shalt  }
0x68: {  	_ =	shalt  }
0x69: {  	_ =	shalt  }
0x6a: {  	_ =	shalt  }
0x6b: {  	_ =	shalt  }
0x6c: {  	_ =	shalt  }
0x6d: {  	_ =	shalt  }
0x6e: {  	_ =	shalt  }
0x6f: {  	_ =	shalt  }
0x70: {  	_ =	shalt  }
0x71: {  	_ =	shalt  }
0x72: {  	_ =	shalt  }
0x73: {  	_ =	shalt  }
0x74: {  	_ =	shalt  }
0x75: {  	_ =	shalt  }
0x76: {  	_ =	shalt  }
0x77: {  	_ =	shalt  }
0x78: {  	_ =	shalt  }
0x79: {  	_ =	shalt  }
0x7a: {  	_ =	shalt  }
0x7b: {  	_ =	shalt  }
0x7c: {  	_ =	shalt  }
0x7d: {  	_ =	shalt  }
0x7e: {  	_ =	shalt  }
0x7f: {  	_ =	shalt  }
0x80: {  	_ =	shalt  }
0x81: {  	_ =	shalt  }
0x82: {  	_ =	shalt  }
0x83: {  	_ =	shalt  }
0x84: {  	_ =	shalt  }
0x85: {  	_ =	shalt  }
0x86: {  	_ =	shalt  }
0x87: {  	_ =	shalt  }
.Lfunc_end0:
.L_simem_size_0:
called_computation_lowered:
.L_overlay_start_0:
0x88: {  	s2 =	sld [smem:$0x3FD9]  }
0x89: {  	s3 =	sld [smem:$0x3FFE];
	_ =	sdelay $0x1  }
0x8a: {  	s1 =	srdreg.scid  }
0x8b: {  	s0 =	sand.u32 $0x1, s1  }
0x8c: {  	s17 =	sshll.u32 s0, $0xA;
	s2 =	sadd.s32 s3, s2  }
0x8d: {  	s2 =	sadd.s32 s2, s17  }
0x8e: {  	[smem:$0x3FC5] =	sst s2  }
0x8f: {  	_ = 	snop  }
0x90: {  	s2 =	sld [smem:$0x3FC9]  }
0x91: {  	s18 =	sld [smem:$0x3FD0];
	(tm) =	ssettm $0x1  }
0x92: {  	s4 =	sld [smem:$0x3FFB];
	_ =	sdelay $0x3  }
0x93: {  	_ =	strace s4  }
0x94: {  	s4 =	sld [smem:$0x3FFC];
	_ =	sdelay $0x3  }
0x95: {  	_ =	strace s4  }
0x96: {  	s4 =	sld [smem:$0x3FFD];
	_ =	sdelay $0x3  }
0x97: {  	_ =	strace s4  }
0x98: {  	_ =	strace $0x8FFFFFFF  }
0x99: {  	s19 =	sld [smem:$0x3FDB];
	_ =	sdelay $0x1  }
0x9a: {  	s5 =	simm.s32 $_scs_section_size  }
0x9b: {  	s6 =	simm.s32 $_size__tile_overlayer_lowered;
	s7 =	simm.s32 $_tile_overlayer_lowered  }
0x9c: {  	s22 =	simm.s32 $0x1BFF;
	s21 =	sshll.u32 s7, $0x1;
	s4 =	sadd.s32 s5, s19  }
0x9d: {  	s8 =	simm.s32 $0x0;
	s20 =	sshll.u32 s6, $0x1;
	s6 =	sadd.s32 s21, s4  }
0x9e: {  	[timem:s8], [sflag:s22] =	dma.local [hbm:s6], s20  }
0x9f: {  	_ =	swait.ge [sflag:s22], s20  }
0xa0: {  	s5 =	ssub.s32 $0x0, s20;
	[sflag:s22] =	ssyncset.done $0x0  }
0xa1: {  	[sflag:s22] =	ssyncadd.s32 s5;
	_ =	sdelay $0x1  }
0xa2: {  	s23 =	simm.s32 $0x1B8B  }
0xa3: {  	_ =	swait.ge [sflag:s23], $0x1  }
0xa4: {  	[sflag:s23] =	ssyncset.done $0x0  }
0xa5: {  	s25 =	simm.s32 $0x1B8E;
	s24 =	sld [smem:$0x3FFE];
	[sflag:s23] =	ssyncadd.s32 $0xFFFFFFFF  }
0xa6: {  	s26 =	simm.s32 $execute0_lowered;
	[smem:$0x3FD2] =	sst s25  }
0xa7: {  	s6 =	sshll.u32 s26, $0x1;
	_ =	strace $0x80000046;
	[dreg:$0x1] =	wrdreg $0xFFFFFFFF  }
0xa8: {  	s28 =	simm.s32 $_size_execute0_lowered;
	s4 =	sadd.s32 s4, s6;
	[dreg:$0x0] =	wrdreg $0x0  }
0xa9: {  	s6 =	sshll.u32 s28, $0x1;
	[dreg:$0x2] =	wrdreg s4  }
0xaa: {  	[dreg:$0x3] =	wrdreg s6  }
0xab: {  	[dreg:$0x4] =	wrdreg $0xC0  }
0xac: {  	_ =	task [dreg:s8], $0x5FFFF  }
0xad: {  	[dreg:$0x1] =	wrdreg $0xFFFFFFFF  }
0xae: {  	[dreg:$0x0] =	wrdreg $0x60  }
0xaf: {  	[dreg:$0x2] =	wrdreg s2  }
0xb0: {  	[dreg:$0x3] =	wrdreg s24  }
0xb1: {  	[dreg:$0x4] =	wrdreg s18  }
0xb2: {  	[dreg:$0x5] =	wrdreg $0x9  }
0xb3: {  	_ =	task.clear_ibuf [dreg:s8], $0x6FFFF;
	_ =	strace $0x90000046  }
0xb4: {  	s29 =	simm.s32 $0x9;
	_ =	strace $0x80000048  }
0xb5: {  	_ =	swait.ge [sflag:s29], $0x1  }
0xb6: {  	[sflag:s29] =	ssyncadd.s32 $0xFFFFFFFF  }
0xb7: {  	_ =	strace $0x90000048  }
0xb8: {  	_ =	sfence  }
0xb9: {  	s30 =	sld [smem:$0x0];
	_ =	sdelay $0x2  }
0xba: {  	s31 =	sshll.u32 s1, $0xD;
	s1 =	sshrl.u32 s1, $0x2  }
0xbb: {  	s3 =	sand.u32 $0x4000, s31;
	s1 =	sadd.s32 s1, s30  }
0xbc: {  	s0 =	sor.u32 s3, s0;
	s1 =	sshll.u32 s1, $0x11  }
0xbd: {  	s0 =	sor.u32 s1, s0  }
0xbe: {  	s0 =	sadd.s32 $0x8F2B, s0  }
0xbf: {  	[sflag:s0] =	ssyncadd.remote.s32 $0x1  }
0xc0: {  	_ =	sfence.sel $0xFFFF  }
0xc1: {  	[dreg:$0x0] =	wrdreg $0xFFFFFFFF;
	(pc) =	sbr.abs _section_cstart, $3  }
0xc2: {  	[dreg:$0x1] =	wrdreg $0xFFFFFFFF  }
0xc3: {  	_ =	task.clear_ibuf [dreg:s8], $0x2FFFF;
	_ =	strace $0x9FFFFFFF  }
0xc4: {  	(tm) =	ssettm $0x7FFFFFFF  }
0xc5: {  	_ =	shalt  }
tec
execute0_lowered:
.L_overlay_start_1:
0x0: {  	(tag) =	ssettag $0x1  }
0x1: {  	s3 =	rddreg [dreg:$0x0]  }
0x2: {  	s0 =	rddreg [dreg:$0x1];
	s1 =	srdreg.scid  }
0x3: {  	s4 =	stileid.u32;
	s7 =	simm.s32 $0x0;
	s1 =	sand.u32 $0x1, s1  }
0x4: {  	s2 =	sshll.u32 s4, $0x11;
	[smem:$0x7FF] =	sst s7;
	s0 =	sadd.s32 $0x400, s0  }
0x5: {  	s6 =	sshll.u32 s1, $0x15;
	s5 =	ssub.s32 $0x2, s1;
	s1 =	sshll.u32 s1, $0x17  }
0x6: {  	[dreg:$0x4] =	wrdreg s6;
	s2 =	sor.u32 s2, s6;
	s30 =	sshrl.u32 s5, $0x1  }
0x7: {  	_ =	strace $0x80000047;
	s2 =	sshrl.u32 s2, $0x3;
	[dreg:$0x5] =	wrdreg s0  }
0x8: {  	s31 =	ssub.s32 s5, s30;
	[dreg:$0x9] =	wrdreg s1;
	s1 =	sor.u32 $0x2000, s1  }
.Ltmp0:
0x9: {  	s2 =	sadd.s32 s3, s2;
	[dreg:$0xa] =	wrdreg s1;
	(pc) =	sbr.rel .LBB2_1-.Ltmp0, $4  }
0xa: {  	s0 =	smax.u32 s31, $0x1;
	[dreg:$0x6] =	wrdreg s2  }
0xb: {  	s3 =	sshll.u32 s4, $0x1;
	[dreg:$0xb] =	wrdreg s0  }
0xc: {  	s2 =	sadd.s32 $0x400, s2;
	[dreg:$0x7] =	wrdreg s3  }
0xd: {  	[dreg:$0x8] =	wrdreg s2;
	s2 =	simm.s32 $0x0  }
.LBB2_12:
0xe: {  	s0 =	simm.s32 $0x3  }
0xf: {  	_ =	swait.ge [sflag:s0], $0x2000  }
0x10: {  	[sflag:s0] =	ssyncset.done $0x0  }
0x11: {  	[sflag:s0] =	ssyncadd.s32 $0xFFFFE000  }
0x12: {  	_ =	swait.ge [sflag:s0], $0x2000  }
0x13: {  	[sflag:s0] =	ssyncset.done $0x0  }
0x14: {  	[sflag:s0] =	ssyncadd.s32 $0xFFFFE000  }
0x15: {  	_ =	swait.ge [sflag:s0], $0x2000  }
0x16: {  	[sflag:s0] =	ssyncset.done $0x0  }
0x17: {  	[sflag:s0] =	ssyncadd.s32 $0xFFFFE000  }
0x18: {  	_ =	swait.ge [sflag:s0], $0x2000  }
0x19: {  	[sflag:s0] =	ssyncset.done $0x0  }
0x1a: {  	s1 =	simm.s32 $0x4;
	[sflag:s0] =	ssyncadd.s32 $0xFFFFE000  }
0x1b: {  	_ =	swait.ge [sflag:s1], $0x2000  }
0x1c: {  	[sflag:s1] =	ssyncset.done $0x0  }
0x1d: {  	[sflag:s1] =	ssyncadd.s32 $0xFFFFE000  }
0x1e: {  	_ =	swait.ge [sflag:s1], $0x2000  }
0x1f: {  	[sflag:s1] =	ssyncset.done $0x0  }
0x20: {  	[sflag:s1] =	ssyncadd.s32 $0xFFFFE000  }
0x21: {  	_ =	swait.ge [sflag:s1], $0x2000  }
0x22: {  	[sflag:s1] =	ssyncset.done $0x0  }
0x23: {  	[sflag:s1] =	ssyncadd.s32 $0xFFFFE000  }
0x24: {  	_ =	swait.ge [sflag:s1], $0x2000  }
0x25: {  	s2 =	rddreg [dreg:$0xc]  }
0x26: {  	s31 =	rddreg [dreg:$0xb];
	s2 =	sadd.s32 $0x1, s2  }
0x27: {  	p0 =	sne.s32 s2, s31  }
.Ltmp1:
0x28: {  	_ = 	snop;
	(pc) =	sbr.rel @!p0 .LBB2_13-.Ltmp1, $3  }
0x29: {  	_ =	sdelay $0x1  }
0x2a: {  	[sflag:s1] =	ssyncset.done $0x0  }
0x2b: {  	s3 =	rddreg [dreg:$0x7];
	[sflag:s1] =	ssyncadd.s32 $0xFFFFE000  }
.LBB2_1:
0x2c: {  	[dreg:$0xc] =	wrdreg s2  }
0x2d: {  	s0 =	rddreg [dreg:$0x5];
	s26 =	simm.s32 $0x5  }
0x2e: {  	[tilespmem:s7], [sflag:$0x5] =	stream.linear.gather [hbm4b:s0+s7], $0x400, $0x38;
	[tilespmem:$0x14400] =	vst v63  }
0x2f: {  	_ =	swait.ge [sflag:s26], $0x400  }
0x30: {  	[sflag:s26] =	ssyncset.done $0x0  }
0x31: {  	[sflag:s26] =	ssyncadd.s32 $0xFFFFFC00  }
0x32: {  	v0 =	vld [tilespmem:$0x0]  }
0x33: {  	v1 =	vld [tilespmem:$0x10]  }
0x34: {  	v2 =	vld [tilespmem:$0x20]  }
0x35: {  	v3 =	vld [tilespmem:$0x30]  }
0x36: {  	v4 =	vld [tilespmem:$0x40]  }
0x37: {  	v5 =	vld [tilespmem:$0x50]  }
0x38: {  	v6 =	vld [tilespmem:$0x60]  }
0x39: {  	v7 =	vld [tilespmem:$0x70]  }
0x3a: {  	v8 =	vld [tilespmem:$0x200]  }
0x3b: {  	v9 =	vld [tilespmem:$0x210]  }
0x3c: {  	v10 =	vld [tilespmem:$0x220]  }
0x3d: {  	v11 =	vld [tilespmem:$0x230]  }
0x3e: {  	v12 =	vld [tilespmem:$0x240]  }
0x3f: {  	v13 =	vld [tilespmem:$0x250]  }
0x40: {  	v14 =	vld [tilespmem:$0x260]  }
0x41: {  	v15 =	vld [tilespmem:$0x270]  }
0x42: {  	v16 =	vld [tilespmem:$0x80]  }
0x43: {  	v17 =	vld [tilespmem:$0x90]  }
0x44: {  	v18 =	vld [tilespmem:$0xA0]  }
0x45: {  	v19 =	vld [tilespmem:$0xB0]  }
0x46: {  	v20 =	vld [tilespmem:$0xC0]  }
0x47: {  	v21 =	vld [tilespmem:$0xD0]  }
0x48: {  	v22 =	vld [tilespmem:$0xE0]  }
0x49: {  	v25 =	vld [tilespmem:$0x280]  }
0x4a: {  	v26 =	vld [tilespmem:$0x290]  }
0x4b: {  	v27 =	vld [tilespmem:$0x2A0]  }
0x4c: {  	v34 =	vld [tilespmem:$0x110];
	v23 =	vand.u32 $0x7FFFFFFF, v0  }
0x4d: {  	v36 =	vld [tilespmem:$0x120];
	v0 =	vand.u32 $0x7FFFFFFF, v1;
	v8 =	vand.u32 $0x7FFFFFFF, v8;
	v24 =	vand.u32 $0x7FFFFFFF, v9  }
0x4e: {  	v28 =	vld [tilespmem:$0x130];
	v2 =	vand.u32 $0x7FFFFFFF, v2;
	v10 =	vand.u32 $0x7FFFFFFF, v10;
	v3 =	vand.u32 $0x7FFFFFFF, v3  }
0x4f: {  	v45 =	vld [tilespmem:$0x190];
	v4 =	vand.u32 $0x7FFFFFFF, v4;
	v5 =	vand.u32 $0x7FFFFFFF, v5;
	v9 =	vadd.f32 v0, v23  }
0x50: {  	v48 =	vld [tilespmem:$0x1A0];
	v32 =	vand.u32 $0x7FFFFFFF, v17;
	v25 =	vand.u32 $0x7FFFFFFF, v25;
	v6 =	vand.u32 $0x7FFFFFFF, v6  }
0x51: {  	v52 =	vld [tilespmem:$0x1C0];
	v27 =	vand.u32 $0x7FFFFFFF, v27;
	v13 =	vand.u32 $0x7FFFFFFF, v13;
	v2 =	vadd.f32 v2, v9  }
0x52: {  	v33 =	vld [tilespmem:$0x100];
	v14 =	vand.u32 $0x7FFFFFFF, v14;
	v20 =	vand.u32 $0x7FFFFFFF, v20;
	v8 =	vadd.f32 v24, v8  }
0x53: {  	v37 =	vld [tilespmem:$0x140];
	v15 =	vand.u32 $0x7FFFFFFF, v15;
	v41 =	vand.u32 $0x7FFFFFFF, v34;
	v2 =	vadd.f32 v3, v2  }
0x54: {  	v47 =	vld [tilespmem:$0x390];
	v42 =	vand.u32 $0x7FFFFFFF, v36;
	v43 =	vand.u32 $0x7FFFFFFF, v28;
	v8 =	vadd.f32 v10, v8  }
0x55: {  	v49 =	vand.u32 $0x7FFFFFFF, v45;
	v10 =	vld [tilespmem:$0x2B0];
	v9 =	vand.u32 $0x7FFFFFFF, v11;
	v2 =	vadd.f32 v4, v2  }
0x56: {  	v38 =	vld [tilespmem:$0x160];
	v17 =	vand.u32 $0x7FFFFFFF, v48;
	v57 =	vand.u32 $0x7FFFFFFF, v52;
	v8 =	vadd.f32 v9, v8  }
0x57: {  	v40 =	vld [tilespmem:$0x350];
	v9 =	vand.u32 $0x7FFFFFFF, v12;
	v2 =	vadd.f32 v5, v2;
	v5 =	vand.u32 $0x7FFFFFFF, v16  }
0x58: {  	v11 =	vld [tilespmem:$0x2D0];
	v8 =	vadd.f32 v9, v8;
	v9 =	vand.u32 $0x7FFFFFFF, v26;
	v5 =	vadd.f32 v32, v5  }
0x59: {  	(erf) = vrcp.f32 v0;
	v0 =	vand.u32 $0x7FFFFFFF, v18;
	v3 =	vld [tilespmem:$0x2C0];
	v35 =	vadd.f32 v9, v25  }
0x5a: {  	v12 =	vld [tilespmem:$0x2F0];
	v26 =	vand.u32 $0x7FFFFFFF, v47;
	v10 =	vand.u32 $0x7FFFFFFF, v10;
	v0 =	vadd.f32 v0, v5  }
0x5b: {  	v39 =	vld [tilespmem:$0x170];
	v18 =	vadd.f32 v27, v35;
	v5 =	vand.u32 $0x7FFFFFFF, v7;
	v7 =	vand.u32 $0x7FFFFFFF, v19  }
0x5c: {  	v4 =	vld [tilespmem:$0x2E0];
	v8 =	vadd.f32 v13, v8;
	v13 =	vand.u32 $0x7FFFFFFF, v21;
	v0 =	vadd.f32 v7, v0  }
0x5d: {  	v2 =	vadd.f32 v6, v2;
	v6 =	vand.u32 $0x7FFFFFFF, v11;
	v11 =	vld [tilespmem:$0x310];
	v10 =	vadd.f32 v10, v18  }
0x5e: {  	v1 =	vld [tilespmem:$0xF0];
	v21 =	vand.u32 $0x7FFFFFFF, v40;
	v3 =	vand.u32 $0x7FFFFFFF, v3;
	v0 =	vadd.f32 v20, v0  }
0x5f: {  	v12 =	vand.u32 $0x7FFFFFFF, v12;
	v8 =	vadd.f32 v14, v8;
	v7 =	vld [tilespmem:$0x150];
	v3 =	vadd.f32 v3, v10  }
0x60: {  	v19 =	vand.u32 $0x7FFFFFFF, v37;
	v18 =	vand.u32 $0x7FFFFFFF, v38;
	v10 =	vld [tilespmem:$0x300];
	v0 =	vadd.f32 v13, v0  }
0x61: {  	v44 =	vld [tilespmem:$0x180];
	v5 =	vadd.f32 v5, v2;
	v3 =	vadd.f32 v6, v3;
	v13 =	vand.u32 $0x7FFFFFFF, v22  }
0x62: {  	v2 =	vand.u32 $0x7FFFFFFF, v4;
	v6 =	vld [tilespmem:$0x320];
	v46 =	vand.u32 $0x7FFFFFFF, v11;
	v4 =	vadd.f32 v13, v0  }
0x63: {  	v11 =	vld [tilespmem:$0x380];
	v14 =	vadd.f32 v2, v3;
	v0 =	vadd.f32 v15, v8;
	v8 =	vand.u32 $0x7FFFFFFF, v1  }
0x64: {  	v20 =	vand.u32 $0x7FFFFFFF, v39;
	v3 =	vadd.f32 $-2.000000000e+00, v5;
	v13 =	vld [tilespmem:$0x330];
	v8 =	vadd.f32 v8, v4  }
0x65: {  	v50 =	vld [tilespmem:$0x1B0];
	v2 =	vpop (erf);
	(erf) = vrcp.f32 v32;
	v7 =	vand.u32 $0x7FFFFFFF, v7;
	v10 =	vand.u32 $0x7FFFFFFF, v10  }
0x66: {  	v15 =	vld [tilespmem:$0x340];
	v10 =	vadd.f32 v46, v10;
	v5 =	vadd.f32 $-2.000000000e+00, v8;
	v8 =	vand.u32 $0x7FFFFFFF, v33  }
0x67: {  	v51 =	vld [tilespmem:$0x3B0];
	(erf) = vrcp.f32 v41;
	v6 =	vand.u32 $0x7FFFFFFF, v6;
	v8 =	vadd.f32 v41, v8  }
0x68: {  	v1 =	vadd.f32 $-2.000000000e+00, v23;
	(erf) = vrcp.f32 v49;
	v6 =	vadd.f32 v6, v10;
	v10 =	vld [tilespmem:$0x3A0]  }
0x69: {  	v53 =	vld [tilespmem:$0x3C0];
	v11 =	vand.u32 $0x7FFFFFFF, v11;
	v13 =	vand.u32 $0x7FFFFFFF, v13;
	v8 =	vadd.f32 v42, v8  }
0x6a: {  	v4 =	vadd.f32 v12, v14;
	v12 =	vld [tilespmem:$0x360];
	v6 =	vadd.f32 v13, v6;
	v13 =	vand.u32 $0x7FFFFFFF, v44  }
0x6b: {  	v55 =	vld [tilespmem:$0x1D0];
	v15 =	vand.u32 $0x7FFFFFFF, v15;
	v16 =	vadd.f32 v49, v13;
	v8 =	vadd.f32 v43, v8  }
0x6c: {  	v62 =	vld [tilespmem:$0x3F0];
	v23 =	vand.u32 $0x7FFFFFFF, v51;
	v54 =	vadd.f32 v26, v11;
	v6 =	vadd.f32 v15, v6  }
0x6d: {  	v14 =	vld [tilespmem:$0x370];
	v10 =	vand.u32 $0x7FFFFFFF, v10;
	v16 =	vadd.f32 v17, v16;
	v8 =	vadd.f32 v19, v8  }
0x6e: {  	v56 =	vld [tilespmem:$0x3D0];
	v15 =	vand.u32 $0x7FFFFFFF, v50;
	v10 =	vadd.f32 v10, v54;
	v6 =	vadd.f32 v21, v6  }
0x6f: {  	v12 =	vand.u32 $0x7FFFFFFF, v12;
	v15 =	vadd.f32 v15, v16;
	v7 =	vadd.f32 v7, v8;
	v8 =	vld [tilespmem:$0x1E0]  }
0x70: {  	v58 =	vld [tilespmem:$0x3E0];
	v10 =	vadd.f32 v23, v10;
	v12 =	vadd.f32 v12, v6;
	v6 =	vand.u32 $0x7FFFFFFF, v55  }
0x71: {  	v60 =	vld [tilespmem:$0x1F0];
	v59 =	vpop (erf);
	v19 =	vand.u32 $0x7FFFFFFF, v53;
	v15 =	vadd.f32 v57, v15;
	v7 =	vadd.f32 v18, v7  }
0x72: {  	v14 =	vand.u32 $0x7FFFFFFF, v14;
	v61 =	vpop (erf);
	v17 =	vand.u32 $0x7FFFFFFF, v62;
	v10 =	vadd.f32 v19, v10  }
0x73: {  	v15 =	vadd.f32 v6, v15;
	v6 =	vpop (erf);
	v63 =	vadd.f32 v20, v7;
	v7 =	vand.u32 $0x7FFFFFFF, v56  }
0x74: {  	v6 =	vmul.f32 v26, v6;
	v8 =	vand.u32 $0x7FFFFFFF, v8;
	v10 =	vadd.f32 v7, v10  }
0x75: {  	v7 =	vadd.f32 v14, v12;
	v12 =	vand.u32 $0x7FFFFFFF, v58;
	v14 =	vadd.f32 v8, v15  }
0x76: {  	s1 =	simm.s32 $0x400;
	s28 =	rddreg [dreg:$0x6];
	v15 =	vand.u32 $0x7FFFFFFF, v60;
	v10 =	vadd.f32 v12, v10;
	v12 =	vmul.f32 v6, v13  }
0x77: {  	v9 =	vmul.f32 v9, v59;
	[tilespmem:s1], [sflag:$0x1] =	stream.linear.gather [hbm4b:s28+s7], $0x2000, $0x38;
	v8 =	vadd.f32 $-2.000000000e+00, v63;
	v14 =	vadd.f32 v15, v14;
	[tilespmem:$0x14400] =	vst v63  }
0x78: {  	s31 =	simm.s32 $0x2400;
	s30 =	simm.s32 $0x0;
	s29 =	rddreg [dreg:$0x8];
	v13 =	vadd.f32 $-2.000000000e+00, v13;
	v11 =	vsub.f32 v11, v12;
	v12 =	vmul.f32 v46, v61  }
0x79: {  	v2 =	vmul.f32 v24, v2;
	[tilespmem:s31], [sflag:$0x2] =	stream.linear.gather [hbm4b:s29+s7], $0x2000, $0x38;
	v10 =	vadd.f32 v17, v10;
	v14 =	vadd.f32 $-2.000000000e+00, v14;
	[tilespmem:$0x14400] =	vst v63  }
.LBB2_2:
0x7a: {  	s0 =	simm.s32 $0x1  }
0x7b: {  	_ =	swait.ge [sflag:s0], $0x2000  }
0x7c: {  	p0 =	seq.s32 s30, $0x0;
	[sflag:s0] =	ssyncset.done $0x0  }
0x7d: {  	[sflag:s0] =	ssyncadd.s32 $0xFFFFE000;
	s0 =	simm.s32 @!p0 $0x3  }
0x7e: {  	_ =	swait.ge @!p0 [sflag:s0], $0x2000  }
0x7f: {  	[sflag:s0] =	ssyncset.done @!p0 $0x0  }
0x80: {  	[sflag:s0] =	ssyncadd.s32 @!p0 $0xFFFFE000  }
0x81: {  	_ =	swait.ge @!p0 [sflag:s0], $0x2000  }
0x82: {  	[sflag:s0] =	ssyncset.done @!p0 $0x0  }
0x83: {  	[sflag:s0] =	ssyncadd.s32 @!p0 $0xFFFFE000  }
0x84: {  	s2 =	simm.s32 $0x0;
	s1 =	simm.s32 $0x0;
	_ =	swait.ge @!p0 [sflag:s0], $0x2000  }
0x85: {  	s5 =	simm.s32 $0x0;
	s6 =	sand.u32 $0x1800, s1;
	[sflag:s0] =	ssyncset.done @!p0 $0x0  }
0x86: {  	s7 =	sand.u32 $0x400, s2;
	s5 =	sand.u32 $0x380, s5;
	[sflag:s0] =	ssyncadd.s32 @!p0 $0xFFFFE000  }
0x87: {  	s22 =	sand.u32 $0x40, s2;
	s6 =	sor.u32 s7, s6;
	_ =	swait.ge @!p0 [sflag:s0], $0x2000  }
0x88: {  	s11 =	sor.u32 $0x20, s22;
	s7 =	sor.u32 s5, s6;
	[sflag:s0] =	ssyncset.done @!p0 $0x0  }
0x89: {  	s13 =	sor.u32 s11, s7;
	[sflag:s0] =	ssyncadd.s32 @!p0 $0xFFFFE000  }
0x8a: {  	s12 =	sor.u32 s22, s7;
	v17 =	vld [tilespmem:s13+$0x400]  }
0x8b: {  	s29 =	sor.u32 $0x10, s22;
	v20 =	vld [tilespmem:s12+$0x400]  }
0x8c: {  	s0 =	sor.u32 s29, s7  }
0x8d: {  	s10 =	sor.u32 $0x30, s22;
	v16 =	vld [tilespmem:s0+$0x400]  }
0x8e: {  	s9 =	sor.u32 s10, s7  }
0x8f: {  	v15 =	vld [tilespmem:s9+$0x400];
	v21 =	vmul.f32 v17, v12;
	vm11 =	vge.f32 v17, v8  }
0x90: {  	v18 =	vmul.f32 v17, v6;
	vm0 =	vge.f32 v20, v14;
	v19 =	vmul.f32 v17, v2  }
0x91: {  	vm2 =	vge.f32 v17, v3;
	v23 =	vmul.f32 v20, v2;
	vm13 =	vge.f32 v17, v1  }
0x92: {  	vm7 =	vge.f32 v17, v14;
	vm9 =	vge.f32 v20, v3;
	vm1 =	vge.f32 v16, v14  }
0x93: {  	vm3 =	vge.f32 v20, v13;
	vm6 =	vge.f32 v20, v1;
	vm5 =	vge.f32 v20, v8  }
0x94: {  	vm8 =	vge.f32 v17, v5;
	vm4 =	vge.f32 v16, v3;
	v27 =	vmul.f32 v15, v2  }
0x95: {  	vm14 =	vge.f32 v15, v3;
	vm12 =	vge.f32 v20, v5;
	v28 =	vmul.f32 v16, v9  }
0x96: {  	vm10 =	vge.f32 v16, v1;
	v30 =	vmul.f32 v16, v2;
	v19 =	vnsel vm13, $0x0, v19  }
0x97: {  	s4 =	sshll.u32 s30, $0x1;
	s31 =	sshrl.u32 s30, $0x2;
	s20 =	simm.s32 $0x0;
	v22 =	vadd.f32 v18, v11;
	v24 =	vsel vm2, v0, v19;
	v19 =	vmul.f32 v17, v9  }
0x98: {  	s6 =	sor.u32 s3, s31;
	s14 =	sadd.s32 $0x6400, s7;
	s15 =	sadd.s32 $0x8400, s7;
	v18 =	vmul.f32 v20, v12;
	v26 =	vnsel vm6, $0x0, v23;
	vm2 =	vge.f32 v15, v1  }
0x99: {  	s28 =	sadd.s32 $0xA400, s7;
	s16 =	sor.u32 s11, s14;
	[dreg:$0xd] =	wrdreg s4;
	v23 =	vmul.f32 v15, v9;
	v29 =	vnsel vm2, $0x0, v27;
	v19 =	vnsel vm13, $0x0, v19  }
0x9a: {  	s25 =	sor.u32 s11, s15;
	s19 =	sor.u32 s22, s14;
	s24 =	sor.u32 s22, s15;
	v27 =	vmul.f32 v20, v9;
	[tilespmem:s13+$0x4400] =	vst v24;
	v24 =	vnsel vm10, $0x0, v28;
	v25 =	vsel vm8, v4, v19  }
0x9b: {  	s17 =	sor.u32 s29, s14;
	s26 =	sor.u32 s11, s28;
	s23 =	sor.u32 s10, s14;
	v19 =	vmul.f32 v20, v6;
	vm8 =	vge.f32 v16, v5;
	v20 =	vnsel vm13, $0x0, v21  }
0x9c: {  	s18 =	sor.u32 s29, s15;
	s15 =	sor.u32 s10, s15;
	s14 =	sor.u32 s10, s28;
	v21 =	vnsel vm2, $0x0, v23;
	v23 =	vnsel vm10, $0x0, v30;
	[tilespmem:s16+$0x0] =	vst v25;
	v25 =	vsel vm11, v7, v20  }
0x9d: {  	s7 =	sor.u32 s22, s28;
	s13 =	sor.u32 s29, s28;
	vm11 =	vge.f32 v15, v5;
	v20 =	vmul.f32 v15, v12;
	[tilespmem:s25+$0x0] =	vst v25;
	v25 =	vsel vm14, v0, v29;
	s25 =	simm.s32 $0x0  }
.LBB2_3:
0x9e: {  	s20 =	sadd.s32 $0x4, s20;
	v28 =	vmul.f32 v16, v12;
	vm13 =	vge.f32 v17, v13;
	v17 =	vmul.f32 v15, v6;
	s2 =	sadd.s32 $0x200, s2;
	s25 =	sadd.s32 $0x40, s25  }
0x9f: {  	v26 =	vsel vm9, v0, v26;
	v29 =	vmul.f32 v16, v6;
	s1 =	sshll.u32 s20, $0x4;
	s5 =	sshll.u32 s20, $0x3;
	p1 =	slt.u32 s20, $0x1FC;
	v22 =	vnsel vm13, $0x0, v22  }
0xa0: {  	v27 =	vnsel vm6, $0x0, v27;
	vm9 =	vge.f32 v15, v8;
	s10 =	sand.u32 $0x400, s2;
	s1 =	sand.u32 $0x1800, s1;
	s5 =	sand.u32 $0x380, s5;
	v17 =	vadd.f32 v17, v11  }
0xa1: {  	vm14 =	vge.f32 v15, v13;
	s11 =	sand.u32 $0x40, s25;
	vm13 =	vge.f32 v16, v8;
	v29 =	vadd.f32 v29, v11;
	s1 =	sor.u32 s10, s1  }
0xa2: {  	vm15 =	vge.f32 v16, v13;
	s16 =	sor.u32 $0x10, s11;
	s29 =	sor.u32 $0x20, s11;
	v16 =	vsel vm7, v10, v22;
	s5 =	sor.u32 s5, s1;
	[tilespmem:s12+$0x4400] =	vst v26;
	v22 =	vnsel vm14, $0x0, v17  }
0xa3: {  	v19 =	vadd.f32 v19, v11;
	v26 =	vsel vm12, v4, v27;
	v27 =	vnsel vm15, $0x0, v29;
	s12 =	sor.u32 s11, s5;
	s21 =	sor.u32 s16, s5;
	s10 =	sor.u32 s29, s5;
	[tilespmem:s26+$0x0] =	vst v16  }
0xa4: {  	v24 =	vsel vm8, v4, v24;
	s3 =	sor.u32 $0x30, s11;
	vm7 =	vge.f32 v15, v14;
	s8 =	sadd.s32 $0x6400, s5;
	s31 =	sadd.s32 $0x8400, s5;
	v16 =	vnsel vm10, $0x0, v28;
	v17 =	vld [tilespmem:s10+$0x400]  }
0xa5: {  	v15 =	vnsel vm6, $0x0, v18;
	v18 =	vnsel vm3, $0x0, v19;
	s28 =	sor.u32 s29, s8;
	s1 =	sor.u32 s29, s31;
	v19 =	vsel vm13, v7, v16;
	v28 =	vld [tilespmem:s12+$0x400];
	[tilespmem:s9+$0x4400] =	vst v25;
	s9 =	sor.u32 s3, s5  }
0xa6: {  	s4 =	sor.u32 s11, s31;
	s5 =	sadd.s32 $0xA400, s5;
	v25 =	vsel vm5, v7, v15;
	v16 =	vld [tilespmem:s21+$0x400];
	[tilespmem:s19+$0x0] =	vst v26;
	s19 =	sor.u32 s11, s8;
	v26 =	vsel vm1, v10, v27;
	v27 =	vsel vm7, v10, v22  }
0xa7: {  	v21 =	vsel vm11, v4, v21;
	v20 =	vnsel vm2, $0x0, v20;
	v18 =	vsel vm0, v10, v18;
	s22 =	sor.u32 s16, s8;
	s26 =	sor.u32 s29, s5;
	s8 =	sor.u32 s3, s8;
	v15 =	vld [tilespmem:s9+$0x400];
	[tilespmem:s24+$0x0] =	vst v25  }
0xa8: {  	v20 =	vsel vm9, v7, v20;
	s11 =	sor.u32 s11, s5;
	s29 =	sor.u32 s16, s31;
	s31 =	sor.u32 s3, s31;
	v22 =	vsel vm4, v0, v23;
	[tilespmem:s23+$0x0] =	vst v21  }
0xa9: {  	s16 =	sor.u32 s16, s5;
	s3 =	sor.u32 s3, s5;
	v21 =	vmul.f32 v17, v12;
	vm11 =	vge.f32 v17, v8;
	v23 =	vmul.f32 v17, v6;
	[tilespmem:s0+$0x4400] =	vst v22;
	s0 =	smov.u32 s21  }
0xaa: {  	s24 =	smov.u32 s4;
	s23 =	smov.u32 s8;
	v22 =	vmul.f32 v17, v2;
	vm2 =	vge.f32 v17, v3;
	vm0 =	vge.f32 v28, v14;
	[tilespmem:s17+$0x0] =	vst v24;
	s17 =	smov.u32 s22  }
0xab: {  	vm13 =	vge.f32 v17, v1;
	vm7 =	vge.f32 v17, v14;
	v24 =	vmul.f32 v28, v2;
	[tilespmem:s18+$0x0] =	vst v19;
	s18 =	smov.u32 s29  }
0xac: {  	vm9 =	vge.f32 v28, v3;
	vm1 =	vge.f32 v16, v14;
	v19 =	vnsel vm13, $0x0, v22;
	[tilespmem:s15+$0x0] =	vst v20;
	s15 =	smov.u32 s31  }
0xad: {  	vm3 =	vge.f32 v28, v13;
	v19 =	vsel vm2, v0, v19;
	v20 =	vmul.f32 v17, v9;
	[tilespmem:s7+$0x0] =	vst v18;
	s7 =	smov.u32 s11  }
0xae: {  	vm6 =	vge.f32 v28, v1;
	v22 =	vadd.f32 v23, v11;
	vm2 =	vge.f32 v15, v1;
	[tilespmem:s14+$0x0] =	vst v27;
	s14 =	smov.u32 s3  }
0xaf: {  	vm8 =	vge.f32 v17, v5;
	vm5 =	vge.f32 v28, v8;
	v20 =	vnsel vm13, $0x0, v20;
	[tilespmem:s13+$0x0] =	vst v26;
	s13 =	smov.u32 s16  }
0xb0: {  	vm4 =	vge.f32 v16, v3;
	v18 =	vmul.f32 v28, v12;
	v20 =	vsel vm8, v4, v20;
	[tilespmem:s10+$0x4400] =	vst v19  }
0xb1: {  	vm14 =	vge.f32 v15, v3;
	v19 =	vmul.f32 v28, v6;
	[tilespmem:s28+$0x0] =	vst v20;
	v20 =	vmul.f32 v15, v2  }
0xb2: {  	v23 =	vmul.f32 v15, v9;
	v26 =	vnsel vm6, $0x0, v24;
	vm8 =	vge.f32 v16, v5  }
.Ltmp2:
0xb3: {  	vm12 =	vge.f32 v28, v5;
	v24 =	vmul.f32 v16, v9;
	v25 =	vnsel vm2, $0x0, v20;
	(pc) =	sbr.rel @p1 .LBB2_3-.Ltmp2, $4  }
0xb4: {  	vm10 =	vge.f32 v16, v1;
	v27 =	vmul.f32 v28, v9;
	v28 =	vmul.f32 v16, v2  }
0xb5: {  	v24 =	vnsel vm10, $0x0, v24;
	v20 =	vnsel vm13, $0x0, v21;
	v21 =	vnsel vm2, $0x0, v23  }
0xb6: {  	v29 =	vsel vm11, v7, v20;
	vm11 =	vge.f32 v15, v5;
	v20 =	vmul.f32 v15, v12  }
0xb7: {  	v23 =	vnsel vm10, $0x0, v28;
	v25 =	vsel vm14, v0, v25;
	[tilespmem:s1+$0x0] =	vst v29  }
0xb8: {  	v48 =	vsel vm9, v0, v26;
	[tilespmem:s9+$0x4400] =	vst v25  }
0xb9: {  	v54 =	vsel vm11, v4, v21;
	[tilespmem:s12+$0x4400] =	vst v48  }
0xba: {  	vm13 =	vge.f32 v17, v13;
	v56 =	vsel vm4, v0, v23;
	[tilespmem:s23+$0x0] =	vst v54  }
0xbb: {  	vm9 =	vge.f32 v15, v8;
	v58 =	vsel vm8, v4, v24;
	v20 =	vnsel vm2, $0x0, v20;
	[tilespmem:s0+$0x4400] =	vst v56  }
0xbc: {  	v22 =	vnsel vm13, $0x0, v22;
	v62 =	vsel vm9, v7, v20;
	[tilespmem:s17+$0x0] =	vst v58  }
0xbd: {  	v50 =	vnsel vm6, $0x0, v27;
	v52 =	vmul.f32 v16, v12;
	v49 =	vsel vm7, v10, v22;
	[tilespmem:s15+$0x0] =	vst v62  }
0xbe: {  	v51 =	vmul.f32 v15, v6;
	v18 =	vnsel vm6, $0x0, v18;
	v22 =	vsel vm12, v4, v50;
	[tilespmem:s26+$0x0] =	vst v49  }
0xbf: {  	v18 =	vsel vm5, v7, v18;
	vm12 =	vge.f32 v16, v8;
	v59 =	vnsel vm10, $0x0, v52;
	[tilespmem:s19+$0x0] =	vst v22  }
0xc0: {  	v53 =	vmul.f32 v16, v6;
	v57 =	vadd.f32 v19, v11;
	v60 =	vsel vm12, v7, v59;
	[tilespmem:s24+$0x0] =	vst v18  }
0xc1: {  	vm14 =	vge.f32 v16, v13;
	s23 =	sshll.u32 s30, $0xE;
	v17 =	vadd.f32 v51, v11;
	[tilespmem:s18+$0x0] =	vst v60  }
0xc2: {  	vm13 =	vge.f32 v15, v13;
	v55 =	vadd.f32 v53, v11;
	v61 =	vnsel vm3, $0x0, v57;
	s0 =	sand.u32 $0xC000, s23;
	s1 =	rddreg [dreg:$0x9]  }
0xc3: {  	vm15 =	vge.f32 v15, v14;
	s2 =	sshll.u32 s6, $0x10;
	v15 =	vsel vm0, v10, v61;
	v17 =	vnsel vm13, $0x0, v17;
	s1 =	sor.u32 s1, s0  }
0xc4: {  	v63 =	vnsel vm14, $0x0, v55;
	v17 =	vsel vm15, v10, v17;
	[tilespmem:s7+$0x0] =	vst v15;
	s1 =	sor.u32 s2, s1  }
0xc5: {  	s31 =	rddreg [dreg:$0x2];
	s4 =	simm.s32 $0x0;
	v15 =	vsel vm1, v10, v63;
	[tilespmem:s14+$0x0] =	vst v17;
	s1 =	sshrl.u32 s1, $0x3  }
0xc6: {  	s5 =	simm.s32 $0x4400;
	[tilespmem:s13+$0x0] =	vst v15;
	s3 =	sadd.s32 s31, s1;
	s24 =	sor.u32 $0x40000, s1  }
0xc7: {  	[hbm4b:s3+s4] =	stream.linear.scatter [tilespmem:s5], [sflag:$0x3], $0x2000, $0x38;
	[tilespmem:$0x14400] =	vst v63  }
0xc8: {  	s25 =	simm.s32 $0x6400;
	p1 =	sne.s32 s30, $0x7;
	s3 =	sadd.s32 s31, s24  }
0xc9: {  	[hbm4b:s3+s4] =	stream.linear.scatter [tilespmem:s25], [sflag:$0x3], $0x2000, $0x38;
	[tilespmem:$0x14400] =	vst v63  }
.Ltmp3:
0xca: {  	s26 =	sor.u32 $0x80000, s1;
	(pc) =	sbr.rel @p1 .LBB2_6-.Ltmp3, $4  }
0xcb: {  	s28 =	simm.s32 $0x8400;
	s1 =	sor.u32 $0xC0000, s1;
	s3 =	sadd.s32 s31, s26  }
0xcc: {  	[hbm4b:s3+s4] =	stream.linear.scatter [tilespmem:s28], [sflag:$0x3], $0x2000, $0x38;
	[tilespmem:$0x14400] =	vst v63  }
0xcd: {  	s29 =	simm.s32 $0xA400;
	s1 =	sadd.s32 s31, s1  }
0xce: {  	[hbm4b:s1+s4] =	stream.linear.scatter [tilespmem:s29], [sflag:$0x3], $0x2000, $0x38;
	[tilespmem:$0x14400] =	vst v63  }
.Ltmp4:
0xcf: {  	(pc) =	sbr.rel .LBB2_7-.Ltmp4, $4  }
0xd0: {  	s1 =	simm.s32 $0x2  }
0xd1: {  	_ =	swait.ge [sflag:s1], $0x2000  }
0xd2: {  	[sflag:s1] =	ssyncset.done $0x0  }
0xd3: {  	[sflag:s1] =	ssyncadd.s32 $0xFFFFE000  }
.LBB2_6:
0xd4: {  	s1 =	rddreg [dreg:$0xd]  }
0xd5: {  	s1 =	sadd.s32 $0x2, s1  }
0xd6: {  	s5 =	rddreg [dreg:$0x7];
	s3 =	sshrl.u32 s1, $0x3  }
0xd7: {  	s3 =	sadd.s32 s5, s3  }
0xd8: {  	s25 =	rddreg [dreg:$0x4];
	s1 =	sshll.u32 s1, $0xD;
	s3 =	sshll.u32 s3, $0x10  }
0xd9: {  	s1 =	sand.u32 $0xC000, s1;
	s3 =	sadd.s32 s25, s3  }
0xda: {  	s1 =	sor.u32 s1, s3  }
0xdb: {  	s26 =	rddreg [dreg:$0x0];
	s28 =	simm.s32 $0x400;
	s1 =	sshrl.u32 s1, $0x3  }
.Ltmp5:
0xdc: {  	s29 =	simm.s32 $0x2;
	s1 =	sadd.s32 s26, s1;
	(pc) =	sbr.rel @p0 .LBB2_8-.Ltmp5, $4  }
0xdd: {  	[tilespmem:s28], [sflag:$0x1] =	stream.linear.gather [hbm4b:s1+s4], $0x2000, $0x38;
	[tilespmem:$0x14400] =	vst v63  }
0xde: {  	_ =	swait.ge [sflag:s29], $0x2000  }
0xdf: {  	[sflag:s29] =	ssyncset.done $0x0  }
0xe0: {  	[sflag:s29] =	ssyncadd.s32 $0xFFFFE000  }
.LBB2_7:
0xe1: {  	s1 =	simm.s32 $0x4  }
0xe2: {  	_ =	swait.ge [sflag:s1], $0x2000  }
0xe3: {  	[sflag:s1] =	ssyncset.done $0x0  }
0xe4: {  	[sflag:s1] =	ssyncadd.s32 $0xFFFFE000  }
0xe5: {  	_ =	swait.ge [sflag:s1], $0x2000  }
0xe6: {  	[sflag:s1] =	ssyncset.done $0x0  }
0xe7: {  	[sflag:s1] =	ssyncadd.s32 $0xFFFFE000  }
0xe8: {  	_ =	swait.ge [sflag:s1], $0x2000  }
0xe9: {  	[sflag:s1] =	ssyncset.done $0x0  }
0xea: {  	[sflag:s1] =	ssyncadd.s32 $0xFFFFE000  }
0xeb: {  	_ =	swait.ge [sflag:s1], $0x2000  }
0xec: {  	[sflag:s1] =	ssyncset.done $0x0  }
0xed: {  	[sflag:s1] =	ssyncadd.s32 $0xFFFFE000  }
.LBB2_8:
0xee: {  	s6 =	simm.s32 $0x0;
	s1 =	simm.s32 $0x0  }
0xef: {  	s3 =	simm.s32 $0x0;
	s1 =	sand.u32 $0x1800, s1;
	s4 =	sand.u32 $0x400, s6  }
0xf0: {  	s3 =	sand.u32 $0x380, s3;
	s1 =	sor.u32 s4, s1  }
0xf1: {  	s12 =	sand.u32 $0x40, s6;
	s18 =	sor.u32 s3, s1  }
0xf2: {  	s28 =	sor.u32 $0x30, s12;
	s1 =	sadd.s32 $0x2400, s18  }
0xf3: {  	s15 =	sor.u32 $0x20, s12;
	s19 =	sor.u32 s28, s1  }
0xf4: {  	s20 =	sor.u32 s15, s1;
	v18 =	vld [tilespmem:s19+$0x0]  }
0xf5: {  	s21 =	sor.u32 s12, s1;
	v16 =	vld [tilespmem:s20+$0x0]  }
0xf6: {  	v17 =	vld [tilespmem:s21+$0x0];
	_ =	sdelay $0x2  }
0xf7: {  	v26 =	vmul.f32 v18, v9  }
0xf8: {  	vm2 =	vge.f32 v18, v5;
	vm6 =	vge.f32 v16, v3;
	v15 =	vmul.f32 v18, v2  }
0xf9: {  	vm1 =	vge.f32 v17, v13;
	v19 =	vmul.f32 v16, v2;
	vm4 =	vge.f32 v18, v1  }
0xfa: {  	vm5 =	vge.f32 v18, v3;
	vm3 =	vge.f32 v18, v14;
	vm0 =	vge.f32 v16, v1  }
0xfb: {  	s9 =	sor.u32 $0x10, s12;
	v21 =	vmul.f32 v16, v6;
	vm7 =	vge.f32 v18, v8;
	vm10 =	vge.f32 v16, v5  }
0xfc: {  	s1 =	sor.u32 s9, s1;
	v25 =	vmul.f32 v17, v12;
	vm11 =	vge.f32 v17, v1;
	v23 =	vmul.f32 v18, v6  }
0xfd: {  	vm12 =	vge.f32 v17, v3;
	v27 =	vmul.f32 v17, v2;
	v20 =	vnsel vm4, $0x0, v15;
	v15 =	vld [tilespmem:s1+$0x0]  }
0xfe: {  	vm8 =	vge.f32 v17, v5;
	v29 =	vmul.f32 v16, v9;
	v19 =	vnsel vm0, $0x0, v19  }
0xff: {  	s22 =	sadd.s32 $0xC400, s18;
	s23 =	sadd.s32 $0x10400, s18;
	v26 =	vnsel vm4, $0x0, v26;
	v24 =	vsel vm6, v0, v19;
	v19 =	vadd.f32 v21, v11  }
0x100: {  	s26 =	sadd.s32 $0x12400, s18;
	s10 =	sor.u32 s15, s22;
	s5 =	sor.u32 s28, s22;
	v22 =	vsel vm5, v0, v20;
	vm6 =	vge.f32 v16, v13;
	v21 =	vmul.f32 v17, v9  }
0x101: {  	s25 =	sor.u32 s12, s22;
	s14 =	sor.u32 s12, s23;
	s24 =	sor.u32 s28, s23;
	vm5 =	vge.f32 v18, v13;
	v20 =	vmul.f32 v17, v6;
	v19 =	vnsel vm6, $0x0, v19  }
0x102: {  	s7 =	sor.u32 s15, s23;
	s17 =	sor.u32 s12, s26;
	s29 =	sor.u32 s9, s26;
	v21 =	vnsel vm11, $0x0, v21;
	vm6 =	vge.f32 v16, v14;
	v30 =	vmul.f32 v15, v2  }
0x103: {  	s13 =	sor.u32 s15, s26;
	s20 =	simm.s32 $0x0;
	s19 =	sor.u32 s9, s23;
	vm9 =	vge.f32 v15, v5;
	vm13 =	vge.f32 v15, v1;
	v28 =	vmul.f32 v15, v12  }
0x104: {  	s23 =	sor.u32 s28, s26;
	s26 =	simm.s32 $0x0;
	s1 =	sor.u32 s9, s22;
	[tilespmem:s5+$0x0] =	vst v22;
	vm14 =	vge.f32 v15, v3;
	v22 =	vmul.f32 v15, v6;
	v30 =	vnsel vm13, $0x0, v30  }
.LBB2_9:
0x105: {  	s20 =	sadd.s32 $0x4, s20;
	v25 =	vnsel vm11, $0x0, v25;
	v31 =	vmul.f32 v15, v9;
	v28 =	vnsel vm13, $0x0, v28;
	s6 =	sadd.s32 $0x200, s6;
	s26 =	sadd.s32 $0x40, s26  }
0x106: {  	v27 =	vnsel vm11, $0x0, v27;
	s16 =	sadd.s32 $0xE400, s18;
	v30 =	vsel vm14, v0, v30;
	s3 =	sshll.u32 s20, $0x4;
	s4 =	sshll.u32 s20, $0x3;
	[tilespmem:s10+$0x0] =	vst v24;
	v24 =	vnsel vm0, $0x0, v29  }
0x107: {  	vm14 =	vge.f32 v15, v8;
	vm11 =	vge.f32 v15, v13;
	s5 =	sand.u32 $0x400, s6;
	s3 =	sand.u32 $0x1800, s3;
	[tilespmem:s1+$0x0] =	vst v30;
	v24 =	vsel vm10, v4, v24;
	s1 =	sor.u32 s28, s16  }
0x108: {  	v18 =	vmul.f32 v18, v12;
	v28 =	vsel vm14, v7, v28;
	s4 =	sand.u32 $0x380, s4;
	v29 =	vnsel vm13, $0x0, v31;
	s3 =	sor.u32 s5, s3;
	s5 =	sor.u32 s15, s16  }
0x109: {  	v23 =	vadd.f32 v23, v11;
	s11 =	sand.u32 $0x40, s26;
	v27 =	vsel vm12, v0, v27;
	v29 =	vsel vm9, v4, v29;
	s18 =	sor.u32 s4, s3;
	s3 =	sor.u32 s9, s16;
	[tilespmem:s5+$0x0] =	vst v24  }
0x10a: {  	s28 =	sor.u32 $0x30, s11;
	v18 =	vnsel vm4, $0x0, v18;
	vm9 =	vge.f32 v17, v8;
	s9 =	sor.u32 $0x10, s11;
	v24 =	vsel vm2, v4, v26;
	s4 =	sadd.s32 $0x2400, s18;
	[tilespmem:s25+$0x0] =	vst v27  }
0x10b: {  	v23 =	vnsel vm5, $0x0, v23;
	s15 =	sor.u32 $0x20, s11;
	v25 =	vsel vm9, v7, v25;
	s8 =	sor.u32 s11, s4;
	s5 =	sor.u32 s28, s4;
	[tilespmem:s1+$0x0] =	vst v24;
	v24 =	vsel vm7, v7, v18  }
0x10c: {  	v21 =	vsel vm8, v4, v21;
	v20 =	vadd.f32 v20, v11;
	v23 =	vsel vm3, v10, v23;
	s21 =	sadd.s32 $0xC400, s18;
	s22 =	sor.u32 s9, s4;
	s4 =	sor.u32 s15, s4;
	v18 =	vld [tilespmem:s5+$0x0];
	[tilespmem:s24+$0x0] =	vst v24  }
0x10d: {  	v19 =	vsel vm6, v10, v19;
	s1 =	sor.u32 s9, s21;
	s10 =	sor.u32 s15, s21;
	s5 =	sor.u32 s28, s21;
	v24 =	vld [tilespmem:s4+$0x0];
	[tilespmem:s3+$0x0] =	vst v29  }
0x10e: {  	v22 =	vadd.f32 v22, v11;
	v20 =	vnsel vm1, $0x0, v20;
	v27 =	vmul.f32 v16, v12;
	s25 =	sor.u32 s11, s21;
	s3 =	sadd.s32 $0x10400, s18;
	s4 =	sor.u32 s12, s16;
	v26 =	vld [tilespmem:s8+$0x0];
	[tilespmem:s23+$0x0] =	vst v23  }
0x10f: {  	vm1 =	vge.f32 v17, v14;
	vm4 =	vge.f32 v16, v8;
	vm3 =	vge.f32 v15, v14;
	s12 =	sadd.s32 $0x12400, s18;
	s8 =	sor.u32 s11, s3;
	s24 =	sor.u32 s28, s3;
	[tilespmem:s19+$0x0] =	vst v28;
	v15 =	vld [tilespmem:s22+$0x0]  }
0x110: {  	v17 =	vnsel vm11, $0x0, v22;
	v16 =	vsel vm1, v10, v20;
	v20 =	vnsel vm0, $0x0, v27;
	s23 =	sor.u32 s28, s12;
	s19 =	sor.u32 s9, s3;
	s3 =	sor.u32 s15, s3;
	[tilespmem:s4+$0x0] =	vst v21  }
0x111: {  	v20 =	vsel vm4, v7, v20;
	s16 =	sor.u32 s9, s12;
	s21 =	sor.u32 s15, s12;
	s4 =	sor.u32 s11, s12;
	v31 =	vmul.f32 v18, v9;
	vm2 =	vge.f32 v18, v5;
	[tilespmem:s14+$0x0] =	vst v25  }
0x112: {  	p0 =	slt.u32 s20, $0x1FC;
	v22 =	vsel vm3, v10, v17;
	s12 =	smov.u32 s11;
	v21 =	vmul.f32 v18, v2;
	s14 =	smov.u32 s8;
	vm6 =	vge.f32 v24, v3;
	[tilespmem:s17+$0x0] =	vst v16  }
0x113: {  	vm4 =	vge.f32 v18, v1;
	v23 =	vmul.f32 v24, v2;
	s17 =	smov.u32 s4;
	vm1 =	vge.f32 v26, v13;
	[tilespmem:s7+$0x0] =	vst v20;
	s7 =	smov.u32 s3  }
0x114: {  	vm5 =	vge.f32 v18, v3;
	vm3 =	vge.f32 v18, v14;
	v16 =	vmovc v24;
	v20 =	vnsel vm4, $0x0, v21;
	[tilespmem:s29+$0x0] =	vst v22;
	s29 =	smov.u32 s16  }
0x115: {  	vm0 =	vge.f32 v16, v1;
	v21 =	vsel vm5, v0, v20;
	vm5 =	vge.f32 v18, v13;
	[tilespmem:s13+$0x0] =	vst v19;
	s13 =	smov.u32 s21  }
0x116: {  	vm7 =	vge.f32 v18, v8;
	v17 =	vmovc v26;
	v22 =	vmul.f32 v16, v6;
	v19 =	vnsel vm0, $0x0, v23  }
0x117: {  	vm10 =	vge.f32 v16, v5;
	v20 =	vmul.f32 v17, v6;
	v24 =	vsel vm6, v0, v19;
	[tilespmem:s5+$0x0] =	vst v21  }
0x118: {  	v25 =	vmul.f32 v17, v12;
	v19 =	vadd.f32 v22, v11;
	vm6 =	vge.f32 v16, v13  }
0x119: {  	vm11 =	vge.f32 v17, v1;
	v23 =	vmul.f32 v18, v6;
	v21 =	vmul.f32 v17, v9  }
.Ltmp6:
0x11a: {  	vm9 =	vge.f32 v15, v5;
	v22 =	vmul.f32 v15, v2;
	v19 =	vnsel vm6, $0x0, v19;
	(pc) =	sbr.rel @p0 .LBB2_9-.Ltmp6, $4  }
0x11b: {  	vm12 =	vge.f32 v17, v3;
	vm6 =	vge.f32 v16, v14;
	v21 =	vnsel vm11, $0x0, v21  }
0x11c: {  	v27 =	vmul.f32 v17, v2;
	vm8 =	vge.f32 v17, v5;
	vm14 =	vge.f32 v15, v3  }
0x11d: {  	v29 =	vmul.f32 v16, v9;
	vm13 =	vge.f32 v15, v1;
	v28 =	vmul.f32 v15, v12  }
0x11e: {  	v26 =	vnsel vm4, $0x0, v31;
	v30 =	vnsel vm13, $0x0, v22;
	v22 =	vmul.f32 v15, v6  }
0x11f: {  	s3 =	sadd.s32 $0xE400, s18;
	v30 =	vsel vm14, v0, v30;
	[tilespmem:s10+$0x0] =	vst v24;
	v52 =	vnsel vm0, $0x0, v29  }
0x120: {  	v27 =	vnsel vm11, $0x0, v27;
	[tilespmem:s1+$0x0] =	vst v30;
	v24 =	vsel vm10, v4, v52;
	s18 =	sor.u32 s15, s3  }
0x121: {  	v18 =	vmul.f32 v18, v12;
	v27 =	vsel vm12, v0, v27;
	[tilespmem:s18+$0x0] =	vst v24  }
0x122: {  	v53 =	vmul.f32 v15, v9;
	v54 =	vsel vm2, v4, v26;
	s20 =	sor.u32 s28, s3;
	[tilespmem:s25+$0x0] =	vst v27  }
0x123: {  	v21 =	vsel vm8, v4, v21;
	s22 =	sor.u32 s12, s3;
	v18 =	vnsel vm4, $0x0, v18;
	[tilespmem:s20+$0x0] =	vst v54  }
0x124: {  	v23 =	vadd.f32 v23, v11;
	v55 =	vnsel vm13, $0x0, v53;
	v18 =	vsel vm7, v7, v18;
	[tilespmem:s22+$0x0] =	vst v21  }
0x125: {  	v25 =	vnsel vm11, $0x0, v25;
	s21 =	sor.u32 s9, s3;
	vm12 =	vge.f32 v17, v8;
	v26 =	vsel vm9, v4, v55;
	[tilespmem:s24+$0x0] =	vst v18  }
0x126: {  	v20 =	vadd.f32 v20, v11;
	v23 =	vnsel vm5, $0x0, v23;
	v59 =	vsel vm12, v7, v25;
	[tilespmem:s21+$0x0] =	vst v26  }
0x127: {  	v56 =	vnsel vm13, $0x0, v28;
	vm10 =	vge.f32 v15, v8;
	v57 =	vsel vm3, v10, v23;
	[tilespmem:s14+$0x0] =	vst v59  }
0x128: {  	v58 =	vsel vm10, v7, v56;
	v20 =	vnsel vm1, $0x0, v20;
	vm13 =	vge.f32 v17, v14;
	[tilespmem:s23+$0x0] =	vst v57  }
0x129: {  	v60 =	vmul.f32 v16, v12;
	v61 =	vsel vm13, v10, v20;
	[tilespmem:s19+$0x0] =	vst v58  }
0x12a: {  	v22 =	vadd.f32 v22, v11;
	[tilespmem:s17+$0x0] =	vst v61  }
0x12b: {  	vm11 =	vge.f32 v15, v13;
	vm14 =	vge.f32 v16, v8;
	v62 =	vnsel vm0, $0x0, v60;
	s1 =	rddreg [dreg:$0xa]  }
0x12c: {  	vm15 =	vge.f32 v15, v14;
	v15 =	vnsel vm11, $0x0, v22;
	v17 =	vsel vm14, v7, v62;
	s0 =	sor.u32 s1, s0  }
0x12d: {  	v15 =	vsel vm15, v10, v15;
	[tilespmem:s7+$0x0] =	vst v17;
	s0 =	sor.u32 s2, s0  }
0x12e: {  	v63 =	vsel vm6, v10, v19;
	s24 =	simm.s32 $0xC400;
	[tilespmem:s29+$0x0] =	vst v15;
	s0 =	sshrl.u32 s0, $0x3  }
0x12f: {  	s7 =	simm.s32 $0x0;
	[tilespmem:s13+$0x0] =	vst v63;
	s23 =	sadd.s32 s31, s0;
	s25 =	sor.u32 $0x40000, s0  }
0x130: {  	[hbm4b:s23+s7] =	stream.linear.scatter [tilespmem:s24], [sflag:$0x4], $0x2000, $0x38;
	[tilespmem:$0x14400] =	vst v63  }
0x131: {  	s26 =	simm.s32 $0xE400;
	p0 =	seq.s32 s30, $0x7;
	s1 =	sadd.s32 s31, s25  }
0x132: {  	[hbm4b:s1+s7] =	stream.linear.scatter [tilespmem:s26], [sflag:$0x4], $0x2000, $0x38;
	[tilespmem:$0x14400] =	vst v63  }
.Ltmp7:
0x133: {  	s28 =	sor.u32 $0x80000, s0;
	(pc) =	sbr.rel @p0 .LBB2_12-.Ltmp7, $4  }
0x134: {  	s29 =	simm.s32 $0x10400;
	s0 =	sor.u32 $0xC0000, s0;
	s1 =	sadd.s32 s31, s28  }
0x135: {  	[hbm4b:s1+s7] =	stream.linear.scatter [tilespmem:s29], [sflag:$0x4], $0x2000, $0x38;
	[tilespmem:$0x14400] =	vst v63  }
0x136: {  	s0 =	sadd.s32 s31, s0;
	s31 =	simm.s32 $0x12400  }
0x137: {  	[hbm4b:s0+s7] =	stream.linear.scatter [tilespmem:s31], [sflag:$0x4], $0x2000, $0x38;
	[tilespmem:$0x14400] =	vst v63  }
0x138: {  	s0 =	rddreg [dreg:$0xd]  }
0x139: {  	s0 =	sadd.s32 $0x3, s0  }
0x13a: {  	s3 =	rddreg [dreg:$0x7];
	s1 =	sshrl.u32 s0, $0x3  }
0x13b: {  	s1 =	sadd.s32 s3, s1  }
0x13c: {  	s2 =	rddreg [dreg:$0x4];
	s0 =	sshll.u32 s0, $0xD;
	s1 =	sshll.u32 s1, $0x10  }
.Ltmp8:
0x13d: {  	s0 =	sand.u32 $0xE000, s0;
	s1 =	sadd.s32 s2, s1;
	(pc) =	sbr.rel .LBB2_2-.Ltmp8, $4  }
0x13e: {  	s0 =	sor.u32 s0, s1  }
0x13f: {  	s29 =	rddreg [dreg:$0x0];
	s0 =	sshrl.u32 s0, $0x3  }
0x140: {  	s31 =	simm.s32 $0x2400;
	s30 =	sadd.s32 $0x1, s30;
	s0 =	sadd.s32 s29, s0  }
0x141: {  	[tilespmem:s31], [sflag:$0x2] =	stream.linear.gather [hbm4b:s0+s7], $0x2000, $0x38;
	[tilespmem:$0x14400] =	vst v63  }
.LBB2_13:
0x142: {  	_ =	sfence.sel $0x180000  }
0x143: {  	[bflag:$0x0] =	sbarrier.arrive $0xFFFF  }
0x144: {  	_ =	strace $0x90000047  }
0x145: {  	s0 =	stileid.u32;
	[bflag:$0x2] =	sbarrier.arrive $0xFFFF  }
0x146: {  	p0 =	sne.s32 s0, $0x0;
	s0 =	rddreg [dreg:$0x3]  }
0x147: {  	s0 =	sadd.s32 @!p0 $0x100000, s0  }
0x148: {  	[sflag:s0] =	ssyncadd.tile.s32 @!p0 $0x1;
	_ =	shalt  }
.Lfunc_end2:
_tile_overlayer_lowered:
.L_overlay_start_2:
0x149: {  	(tag) =	ssettag $0x2  }
0x14a: {  	s0 =	rddreg [dreg:$0x0];
	s2 =	stileid.u32  }
0x14b: {  	s1 =	rddreg [dreg:$0x1];
	p0 =	sne.s32 s2, $0x0  }
0x14c: {  	s3 =	rddreg [dreg:$0x2];
	[bflag:$0x3] =	sbarrier.arrive $0xFFFF;
	s2 =	simm.s32 @!p0 $0x1C05  }
0x14d: {  	[timem:s3], [sflag:s2] =	dma.local @!p0 [hbm:s0], s1  }
0x14e: {  	s0 =	simm.s32 @!p0 $0x5  }
0x14f: {  	_ =	swait.ge @!p0 [sflag:s0], s1  }
0x150: {  	s1 =	ssub.s32 @!p0 $0x0, s1;
	[sflag:s0] =	ssyncset.done @!p0 $0x0  }
0x151: {  	[sflag:s0] =	ssyncadd.s32 @!p0 s1  }
0x152: {  	[bflag:$0x3] =	sbarrier.arrive $0xFFFF  }
0x153: {  	_ =	shalt  }

</sc_bundles>
